<compile_context>
chip_gen: v7x
topology: tpu7x:2x2x1
jax: 0.10.2.dev20260603
libtpu: 0.0.44.dev20260713+nightly
codegen_flags: <defaults>
</compile_context>

<pallas_src>
import functools

import numpy as np

import jax
import jax.numpy as jnp
from jax import lax
from jax.experimental import pallas as pl
from jax.experimental.pallas import tpu as pltpu
from jax.experimental.pallas import tpu_sc as plsc

N = 10000
E = 320000
F_IN = 128
H = 16
C = 3

NC = 2
NS = 16
L = 16
NW = NC * NS

CHUNK = 128
E_PAD = 327680
EROWS = E_PAD // CHUNK
CH_PER_W = EROWS // NW
NBUF = 8
N_TBL = 10048
TRS = N_TBL // NS
PR = N_TBL * H // 128
NROWS = N * H // 128
N_ACC = 10240
ACC_PR = N_ACC * H // 128
RPS = N_ACC // NS

_PAD_EDGES = np.broadcast_to(
    np.stack([(np.arange(240) * 41 % N).astype(np.int32),
              (N + np.arange(240)).astype(np.int32)])[:, None, :],
    (2, NW, 240)).copy()

_mesh = plsc.VectorSubcoreMesh(core_axis_name="c", subcore_axis_name="s")
_sc_params = pltpu.CompilerParams(use_tc_tiling_on_sc=False)




@functools.partial(
    pl.kernel,
    out_type=jax.ShapeDtypeStruct((NC, N_ACC, L), jnp.float32),
    mesh=_mesh,
    compiler_params=_sc_params,
    scratch_types=[
        pltpu.VMEM((CH_PER_W, CHUNK), jnp.int32),
        pltpu.VMEM((CHUNK, L), jnp.float32),
        pltpu.VMEM((RPS, L), jnp.float32),
        pltpu.VMEM_SHARED((N_ACC, L), jnp.float32),
    ] + [pltpu.SemaphoreType.DMA] * NBUF,
)
def _sc_degree(e_hbm, out_hbm, dst_v, ones_v, stage_v, acc_sh, *ssem):
    cid = lax.axis_index("c")
    sid = lax.axis_index("s")
    wid = cid * NS + sid

    zrow = jnp.zeros((L,), jnp.float32)
    orow = jnp.ones((L,), jnp.float32)

    @pl.loop(0, RPS)
    def _(i):
        stage_v[i, :] = zrow

    @pl.loop(0, CHUNK)
    def _(i):
        ones_v[i, :] = orow

    pltpu.sync_copy(stage_v, acc_sh.at[pl.ds(sid * RPS, RPS)])
    pltpu.sync_copy(e_hbm.at[1, pl.ds(wid * CH_PER_W, CH_PER_W)], dst_v)
    plsc.subcore_barrier()

    def scat(j, b):
        return pltpu.make_async_copy(ones_v, acc_sh.at[dst_v.at[j]], ssem[b])

    for b in range(NBUF):
        scat(b, b).start(add=True)

    @pl.loop(0, CH_PER_W - NBUF, step=NBUF)
    def _(jj):
        for b in range(NBUF):
            scat(jj + b, b).wait()
            scat(jj + NBUF + b, b).start(add=True)

    for b in range(NBUF):
        scat(0, b).wait()

    plsc.subcore_barrier()
    pltpu.sync_copy(
        acc_sh.at[pl.ds(sid * RPS, RPS)],
        out_hbm.at[cid, pl.ds(sid * RPS, RPS)],
    )


@functools.partial(
    pl.kernel,
    out_type=jax.ShapeDtypeStruct((NC, N_ACC, H), jnp.float32),
    mesh=_mesh,
    compiler_params=_sc_params,
    scratch_types=[
        pltpu.VMEM((CH_PER_W, CHUNK), jnp.int32),
        pltpu.VMEM((CH_PER_W, CHUNK), jnp.int32),
        pltpu.VMEM((RPS, H), jnp.float32),
        pltpu.VMEM_SHARED((N_ACC, H), jnp.float32),
        pltpu.VMEM_SHARED((N_TBL, H), jnp.float32),
    ] + [pltpu.VMEM((CHUNK, H), jnp.float32)] * NBUF
      + [pltpu.SemaphoreType.DMA] * (2 * NBUF),
)
def _sc_aggregate(table_hbm, e_hbm, out_hbm,
                  src_v, dst_v, stage_v, acc_sh, table_sh, *bufs_sems):
    bufs = bufs_sems[:NBUF]
    gsem = bufs_sems[NBUF:2 * NBUF]
    ssem = bufs_sems[2 * NBUF:]

    cid = lax.axis_index("c")
    sid = lax.axis_index("s")
    wid = cid * NS + sid

    zrow = jnp.zeros((L,), jnp.float32)

    @pl.loop(0, RPS)
    def _(i):
        stage_v[i, :] = zrow

    pltpu.sync_copy(stage_v, acc_sh.at[pl.ds(sid * RPS, RPS)])
    pltpu.sync_copy(table_hbm.at[pl.ds(sid * TRS, TRS)],
                    table_sh.at[pl.ds(sid * TRS, TRS)])
    pltpu.sync_copy(e_hbm.at[0, pl.ds(wid * CH_PER_W, CH_PER_W)], src_v)
    pltpu.sync_copy(e_hbm.at[1, pl.ds(wid * CH_PER_W, CH_PER_W)], dst_v)
    plsc.subcore_barrier()

    def gat(j, b):
        return pltpu.make_async_copy(
            table_sh.at[src_v.at[j]], bufs[b], gsem[b])

    def scat(j, b):
        return pltpu.make_async_copy(bufs[b], acc_sh.at[dst_v.at[j]], ssem[b])

    for b in range(NBUF):
        gat(b, b).start()

    @pl.loop(0, CH_PER_W - NBUF, step=NBUF)
    def _(jj):
        for b in range(NBUF):
            gat(jj + b, b).wait()
            scat(jj + b, b).start(add=True)
        for b in range(NBUF):
            scat(jj + b, b).wait()
            gat(jj + NBUF + b, b).start()

    for b in range(NBUF):
        gat(CH_PER_W - NBUF + b, b).wait()
        scat(CH_PER_W - NBUF + b, b).start(add=True)
    for b in range(NBUF):
        scat(0, b).wait()

    plsc.subcore_barrier()
    pltpu.sync_copy(
        acc_sh.at[pl.ds(sid * RPS, RPS)],
        out_hbm.at[cid, pl.ds(sid * RPS, RPS)],
    )




def _mm1_body(xr_ref, w_ref, o_ref):
    o_ref[...] = jnp.dot(xr_ref[...], w_ref[...],
                         preferred_element_type=jnp.float32)


def _prep_body(h1p_ref, dp_ref, h1s_ref, dis_ref):
    deg = dp_ref[0, :PR, :] + dp_ref[1, :PR, :] + 1.0
    dis = lax.rsqrt(deg)
    dis_ref[...] = dis
    h1s_ref[...] = h1p_ref[...] * dis


def _post1_body(acc_ref, h1s_ref, dis_ref, b1_ref, o_ref):
    agg = acc_ref[0, :PR, :] + acc_ref[1, :PR, :] + h1s_ref[...]
    pre = agg * dis_ref[...] + b1_ref[...]
    o_ref[...] = jnp.maximum(pre, 0.0) * dis_ref[...]


def _final_body(acc_ref, o1s_ref, dis_ref, w2_ref, b2_ref, o_ref):
    hp = (acc_ref[0, :PR, :] + acc_ref[1, :PR, :] + o1s_ref[...]) * dis_ref[...]
    out24 = jnp.dot(hp, w2_ref[...], preferred_element_type=jnp.float32)
    o_ref[...] = out24[:NROWS, :] + b2_ref[...]




def kernel(x, edge_index, W1, b1, W2, b2):
    e3 = jnp.concatenate(
        [edge_index.reshape(2, NW, E // NW), _PAD_EDGES],
        axis=2).reshape(2, EROWS, CHUNK)

    deg_parts = _sc_degree(e3)

    xr = jnp.pad(x, ((0, N_TBL - N), (0, 0))).reshape(PR, 8 * F_IN)
    w1bd = jnp.kron(jnp.eye(128 // H, dtype=W1.dtype), W1)
    h1p = pl.pallas_call(
        _mm1_body,
        out_shape=jax.ShapeDtypeStruct((PR, 128), jnp.float32),
    )(xr, w1bd)

    h1sp, disp = pl.pallas_call(
        _prep_body,
        out_shape=[
            jax.ShapeDtypeStruct((PR, 128), jnp.float32),
            jax.ShapeDtypeStruct((PR, 128), jnp.float32),
        ],
    )(h1p, deg_parts.reshape(NC, ACC_PR, 128))

    acc1 = _sc_aggregate(h1sp.reshape(N_TBL, H), e3)

    b1t = jnp.tile(b1, 128 // H).reshape(1, 128)
    o1sp = pl.pallas_call(
        _post1_body,
        out_shape=jax.ShapeDtypeStruct((PR, 128), jnp.float32),
    )(acc1.reshape(NC, ACC_PR, 128), h1sp, disp, b1t)

    acc2 = _sc_aggregate(o1sp.reshape(N_TBL, H), e3)

    w2bd = jnp.kron(jnp.eye(128 // H, dtype=W2.dtype), W2)
    b2t = jnp.tile(b2, 128 // H).reshape(1, 8 * C)
    out24 = pl.pallas_call(
        _final_body,
        out_shape=jax.ShapeDtypeStruct((NROWS, 8 * C), jnp.float32),
    )(acc2.reshape(NC, ACC_PR, 128), o1sp, disp, w2bd, b2t)

    return out24.reshape(N, C)

# --- scband reference (transcript-rebuilt; emitter-appended) ---
"""Pipeline reference for scband-gnnprototype-15668040696097 (READ-ONLY COPY).

The authoritative reference and input builder live on the scoring server;
editing this copy changes nothing except your own understanding.
"""

import jax, jax.numpy as jnp
import numpy as np

N = 10000
E = 320000
F_IN = 128
H = 16
C = 3


def setup_inputs(seed: int = 0) -> dict:
    key = jax.random.key(seed)
    k1, k2, k3, k4 = jax.random.split(key, 4)
    x = jax.random.normal(k1, (N, F_IN), dtype=jnp.float32)
    edge_index = jax.random.randint(k2, (2, E), 0, N, dtype=jnp.int32)
    W1 = jax.random.normal(k3, (F_IN, H), dtype=jnp.float32) * (1.0 / np.sqrt(F_IN))
    b1 = jnp.zeros((H,), dtype=jnp.float32)
    W2 = jax.random.normal(k4, (H, C), dtype=jnp.float32) * (1.0 / np.sqrt(H))
    b2 = jnp.zeros((C,), dtype=jnp.float32)
    return {"x": x, "edge_index": edge_index, "W1": W1, "b1": b1, "W2": W2, "b2": b2}


def _gcn_layer(x, src, dst, norm, W, b):
    # GCNConv: x' = D^{-1/2} (A + I) D^{-1/2} X W + b
    h = x @ W
    msg = h[src] * norm[:, None]
    out = jnp.zeros((x.shape[0], W.shape[1]), dtype=x.dtype).at[dst].add(msg)
    return out + b


def reference(x, edge_index, W1, b1, W2, b2):
    n = x.shape[0]
    loop = jnp.arange(n, dtype=edge_index.dtype)
    src = jnp.concatenate([edge_index[0], loop])
    dst = jnp.concatenate([edge_index[1], loop])
    deg = jnp.zeros((n,), dtype=x.dtype).at[dst].add(1.0)
    deg_inv_sqrt = jnp.where(deg > 0, 1.0 / jnp.sqrt(deg), 0.0)
    norm = deg_inv_sqrt[src] * deg_inv_sqrt[dst]
    h = _gcn_layer(x, src, dst, norm, W1, b1)
    h = jax.nn.relu(h)
    out = _gcn_layer(h, src, dst, norm, W2, b2)
    return out

if __name__ == "__main__":
    import jax
    _d = setup_inputs()
    print(jax.jit(kernel)(*tuple(_d.values())))

</pallas_src>

<mosaic_0001>
#map = affine_map<(d0, d1) -> (0, 0)>
#map1 = affine_map<(d0, d1) -> (0, 0, 0)>
module attributes {stable_mosaic.version = 14 : i64} {
  func.func @_sc_aggregate(%arg0: i32, %arg1: i32, %arg2: memref<10048x16xf32, #tpu.memory_space<hbm>>, %arg3: memref<2x2560x128xi32, #tpu.memory_space<hbm>>, %arg4: memref<2x10240x16xf32, #tpu.memory_space<hbm>>, %arg5: memref<80x128xi32, #tpu.memory_space<vmem>>, %arg6: memref<80x128xi32, #tpu.memory_space<vmem>>, %arg7: memref<640x16xf32, #tpu.memory_space<vmem>>, %arg8: memref<10240x16xf32, #tpu.memory_space<vmem_shared>>, %arg9: memref<10048x16xf32, #tpu.memory_space<vmem_shared>>, %arg10: memref<128x16xf32, #tpu.memory_space<vmem>>, %arg11: memref<128x16xf32, #tpu.memory_space<vmem>>, %arg12: memref<128x16xf32, #tpu.memory_space<vmem>>, %arg13: memref<128x16xf32, #tpu.memory_space<vmem>>, %arg14: memref<128x16xf32, #tpu.memory_space<vmem>>, %arg15: memref<128x16xf32, #tpu.memory_space<vmem>>, %arg16: memref<128x16xf32, #tpu.memory_space<vmem>>, %arg17: memref<128x16xf32, #tpu.memory_space<vmem>>, %arg18: memref<!tpu.dma_semaphore, #tpu.memory_space<semaphore_mem>>, %arg19: memref<!tpu.dma_semaphore, #tpu.memory_space<semaphore_mem>>, %arg20: memref<!tpu.dma_semaphore, #tpu.memory_space<semaphore_mem>>, %arg21: memref<!tpu.dma_semaphore, #tpu.memory_space<semaphore_mem>>, %arg22: memref<!tpu.dma_semaphore, #tpu.memory_space<semaphore_mem>>, %arg23: memref<!tpu.dma_semaphore, #tpu.memory_space<semaphore_mem>>, %arg24: memref<!tpu.dma_semaphore, #tpu.memory_space<semaphore_mem>>, %arg25: memref<!tpu.dma_semaphore, #tpu.memory_space<semaphore_mem>>, %arg26: memref<!tpu.dma_semaphore, #tpu.memory_space<semaphore_mem>>, %arg27: memref<!tpu.dma_semaphore, #tpu.memory_space<semaphore_mem>>, %arg28: memref<!tpu.dma_semaphore, #tpu.memory_space<semaphore_mem>>, %arg29: memref<!tpu.dma_semaphore, #tpu.memory_space<semaphore_mem>>, %arg30: memref<!tpu.dma_semaphore, #tpu.memory_space<semaphore_mem>>, %arg31: memref<!tpu.dma_semaphore, #tpu.memory_space<semaphore_mem>>, %arg32: memref<!tpu.dma_semaphore, #tpu.memory_space<semaphore_mem>>, %arg33: memref<!tpu.dma_semaphore, #tpu.memory_space<semaphore_mem>>) attributes {dimension_semantics = [#tpu.dimension_semantics<core_parallel>, #tpu.dimension_semantics<subcore_parallel>], iteration_bounds = array<i64: 2, 16>, scalar_prefetch = 0 : i64, scratch_operands = 29 : i64, tpu.core_type = #tpu.core_type<sc_vector_subcore>, window_params = [{transform_indices = #map}, {transform_indices = #map1}, {transform_indices = #map1}]} {
    %mul3A = arith.constant 16 : i32
    %mul3A_0 = arith.muli %arg0, %mul3A : i32
    %add3A = arith.addi %mul3A_0, %arg1 : i32
    %broadcast_in_dim3A = arith.constant 0.000000e+00 : f32
    %broadcast_in_dim3A_1 = vector.broadcast %broadcast_in_dim3A : f32 to vector<16xf32>
    %scan3A = arith.constant 0 : i32
    %scan3A_2 = arith.constant 640 : i32
    %scan3A_3 = arith.addi %scan3A, %scan3A_2 : i32
    %scan3A_4 = arith.constant 1 : i32
    scf.for %scan3A_249 = %scan3A to %scan3A_3 step %scan3A_4  : i32 {
      %mul3A_250 = arith.constant 1 : i32
      %mul3A_251 = arith.muli %scan3A_249, %mul3A_250 : i32
      %add3A_252 = arith.constant 0 : i32
      %add3A_253 = arith.addi %add3A_252, %mul3A_251 : i32
      %swap3A = arith.index_cast %add3A_253 : i32 to index
      %swap3A_254 = arith.constant 0 : index
      %swap3A_255 = tpu.vector_load %arg7[%swap3A, %swap3A_254] {strides = array<i32>} : memref<640x16xf32, #tpu.memory_space<vmem>>, vector<1x16xf32>,
      %swap3A_256 = vector.shape_cast %swap3A_255 : vector<1x16xf32> to vector<16xf32>
      %swap3A_257 = vector.shape_cast %broadcast_in_dim3A_1 : vector<16xf32> to vector<1x16xf32>
      tpu.vector_store %arg7[%swap3A, %swap3A_254], %swap3A_257 {strides = array<i32>} : memref<640x16xf32, #tpu.memory_space<vmem>>, vector<1x16xf32>,
    }
    %scan3A_5 = arith.constant 640 : i32
    %mul3A_6 = arith.constant 640 : i32
    %mul3A_7 = arith.muli %arg1, %mul3A_6 : i32
    "tpu.region"() ({
      %run_scoped3A_249 = tpu.sem_alloc : memref<!tpu.dma_semaphore, #tpu.memory_space<semaphore_mem>>
      %dma_start3A_250 = arith.constant 0 : i32
      %dma_start3A_251 = tpu.memref_slice %arg8[%mul3A_7, %dma_start3A_250] : memref<10240x16xf32, #tpu.memory_space<vmem_shared>> -> memref<640x16xf32, #tpu.memory_space<vmem_shared>>
      %dma_start3A_252 = arith.constant 0 : i32
      %dma_start3A_253 = tpu.memref_slice %arg8[%mul3A_7, %dma_start3A_252] : memref<10240x16xf32, #tpu.memory_space<vmem_shared>> -> memref<640x16xf32, #tpu.memory_space<vmem_shared>>
      tpu.enqueue_dma source(%arg7 : memref<640x16xf32, #tpu.memory_space<vmem>>) target(%dma_start3A_253 : memref<640x16xf32, #tpu.memory_space<vmem_shared>>) target_semaphore(%run_scoped3A_249 : memref<!tpu.dma_semaphore, #tpu.memory_space<semaphore_mem>>)
      %dma_wait3A_254 = arith.constant 0 : i32
      %dma_wait3A_255 = tpu.memref_slice %arg8[%mul3A_7, %dma_wait3A_254] : memref<10240x16xf32, #tpu.memory_space<vmem_shared>> -> memref<640x16xf32, #tpu.memory_space<vmem_shared>>
      %dma_wait3A_256 = arith.constant 0 : i32
      %dma_wait3A_257 = tpu.memref_slice %arg8[%mul3A_7, %dma_wait3A_256] : memref<10240x16xf32, #tpu.memory_space<vmem_shared>> -> memref<640x16xf32, #tpu.memory_space<vmem_shared>>
      tpu.wait_dma2 semaphore(%run_scoped3A_249 : memref<!tpu.dma_semaphore, #tpu.memory_space<semaphore_mem>>) src(%arg7 : memref<640x16xf32, #tpu.memory_space<vmem>>) dst(%dma_wait3A_257 : memref<640x16xf32, #tpu.memory_space<vmem_shared>>)
      tpu.yield
    }) : () -> ()
    %mul3A_8 = arith.constant 628 : i32
    %mul3A_9 = arith.muli %arg1, %mul3A_8 : i32
    %mul3A_10 = arith.constant 628 : i32
    %mul3A_11 = arith.muli %arg1, %mul3A_10 : i32
    "tpu.region"() ({
      %run_scoped3A_249 = tpu.sem_alloc : memref<!tpu.dma_semaphore, #tpu.memory_space<semaphore_mem>>
      %dma_start3A_250 = arith.constant 0 : i32
      %dma_start3A_251 = tpu.memref_slice %arg9[%mul3A_11, %dma_start3A_250] : memref<10048x16xf32, #tpu.memory_space<vmem_shared>> -> memref<628x16xf32, #tpu.memory_space<vmem_shared>>
      %dma_start3A_252 = arith.constant 0 : i32
      %dma_start3A_253 = tpu.memref_slice %arg2[%mul3A_9, %dma_start3A_252] : memref<10048x16xf32, #tpu.memory_space<hbm>> -> memref<628x16xf32, #tpu.memory_space<hbm>>
      tpu.enqueue_dma source(%dma_start3A_253 : memref<628x16xf32, #tpu.memory_space<hbm>>) target(%dma_start3A_251 : memref<628x16xf32, #tpu.memory_space<vmem_shared>>) target_semaphore(%run_scoped3A_249 : memref<!tpu.dma_semaphore, #tpu.memory_space<semaphore_mem>>)
      %dma_wait3A_254 = arith.constant 0 : i32
      %dma_wait3A_255 = tpu.memref_slice %arg9[%mul3A_11, %dma_wait3A_254] : memref<10048x16xf32, #tpu.memory_space<vmem_shared>> -> memref<628x16xf32, #tpu.memory_space<vmem_shared>>
      %dma_wait3A_256 = arith.constant 0 : i32
      %dma_wait3A_257 = tpu.memref_slice %arg2[%mul3A_9, %dma_wait3A_256] : memref<10048x16xf32, #tpu.memory_space<hbm>> -> memref<628x16xf32, #tpu.memory_space<hbm>>
      tpu.wait_dma2 semaphore(%run_scoped3A_249 : memref<!tpu.dma_semaphore, #tpu.memory_space<semaphore_mem>>) src(%dma_wait3A_257 : memref<628x16xf32, #tpu.memory_space<hbm>>) dst(%dma_wait3A_255 : memref<628x16xf32, #tpu.memory_space<vmem_shared>>)
      tpu.yield
    }) : () -> ()
    %mul3A_12 = arith.constant 80 : i32
    %mul3A_13 = arith.muli %add3A, %mul3A_12 : i32
    %run_scoped3A = arith.constant 0 : i32
    "tpu.region"() ({
      %run_scoped3A_249 = tpu.sem_alloc : memref<!tpu.dma_semaphore, #tpu.memory_space<semaphore_mem>>
      %dma_start3A_250 = arith.constant 0 : i32
      %dma_start3A_251 = tpu.memref_slice %arg3[%run_scoped3A, %mul3A_13, %dma_start3A_250] : memref<2x2560x128xi32, #tpu.memory_space<hbm>> -> memref<1x80x128xi32, #tpu.memory_space<hbm>>
      %dma_start3A_252 = tpu.memref_squeeze %dma_start3A_251 : memref<1x80x128xi32, #tpu.memory_space<hbm>> -> memref<80x128xi32, #tpu.memory_space<hbm>>
      %dma_start3A_253 = arith.constant 0 : i32
      %dma_start3A_254 = tpu.memref_slice %arg3[%run_scoped3A, %mul3A_13, %dma_start3A_253] : memref<2x2560x128xi32, #tpu.memory_space<hbm>> -> memref<1x80x128xi32, #tpu.memory_space<hbm>>
      %dma_start3A_255 = tpu.memref_squeeze %dma_start3A_254 : memref<1x80x128xi32, #tpu.memory_space<hbm>> -> memref<80x128xi32, #tpu.memory_space<hbm>>
      tpu.enqueue_dma source(%dma_start3A_255 : memref<80x128xi32, #tpu.memory_space<hbm>>) target(%arg5 : memref<80x128xi32, #tpu.memory_space<vmem>>) target_semaphore(%run_scoped3A_249 : memref<!tpu.dma_semaphore, #tpu.memory_space<semaphore_mem>>)
      %dma_wait3A_256 = arith.constant 0 : i32
      %dma_wait3A_257 = tpu.memref_slice %arg3[%run_scoped3A, %mul3A_13, %dma_wait3A_256] : memref<2x2560x128xi32, #tpu.memory_space<hbm>> -> memref<1x80x128xi32, #tpu.memory_space<hbm>>
      %dma_wait3A_258 = tpu.memref_squeeze %dma_wait3A_257 : memref<1x80x128xi32, #tpu.memory_space<hbm>> -> memref<80x128xi32, #tpu.memory_space<hbm>>
      %dma_wait3A_259 = arith.constant 0 : i32
      %dma_wait3A_260 = tpu.memref_slice %arg3[%run_scoped3A, %mul3A_13, %dma_wait3A_259] : memref<2x2560x128xi32, #tpu.memory_space<hbm>> -> memref<1x80x128xi32, #tpu.memory_space<hbm>>
      %dma_wait3A_261 = tpu.memref_squeeze %dma_wait3A_260 : memref<1x80x128xi32, #tpu.memory_space<hbm>> -> memref<80x128xi32, #tpu.memory_space<hbm>>
      tpu.wait_dma2 semaphore(%run_scoped3A_249 : memref<!tpu.dma_semaphore, #tpu.memory_space<semaphore_mem>>) src(%dma_wait3A_261 : memref<80x128xi32, #tpu.memory_space<hbm>>) dst(%arg5 : memref<80x128xi32, #tpu.memory_space<vmem>>)
      tpu.yield
    }) : () -> ()
    %mul3A_14 = arith.constant 80 : i32
    %mul3A_15 = arith.muli %add3A, %mul3A_14 : i32
    %run_scoped3A_16 = arith.constant 1 : i32
    "tpu.region"() ({
      %run_scoped3A_249 = tpu.sem_alloc : memref<!tpu.dma_semaphore, #tpu.memory_space<semaphore_mem>>
      %dma_start3A_250 = arith.constant 0 : i32
      %dma_start3A_251 = tpu.memref_slice %arg3[%run_scoped3A_16, %mul3A_15, %dma_start3A_250] : memref<2x2560x128xi32, #tpu.memory_space<hbm>> -> memref<1x80x128xi32, #tpu.memory_space<hbm>>
      %dma_start3A_252 = tpu.memref_squeeze %dma_start3A_251 : memref<1x80x128xi32, #tpu.memory_space<hbm>> -> memref<80x128xi32, #tpu.memory_space<hbm>>
      %dma_start3A_253 = arith.constant 0 : i32
      %dma_start3A_254 = tpu.memref_slice %arg3[%run_scoped3A_16, %mul3A_15, %dma_start3A_253] : memref<2x2560x128xi32, #tpu.memory_space<hbm>> -> memref<1x80x128xi32, #tpu.memory_space<hbm>>
      %dma_start3A_255 = tpu.memref_squeeze %dma_start3A_254 : memref<1x80x128xi32, #tpu.memory_space<hbm>> -> memref<80x128xi32, #tpu.memory_space<hbm>>
      tpu.enqueue_dma source(%dma_start3A_255 : memref<80x128xi32, #tpu.memory_space<hbm>>) target(%arg6 : memref<80x128xi32, #tpu.memory_space<vmem>>) target_semaphore(%run_scoped3A_249 : memref<!tpu.dma_semaphore, #tpu.memory_space<semaphore_mem>>)
      %dma_wait3A_256 = arith.constant 0 : i32
      %dma_wait3A_257 = tpu.memref_slice %arg3[%run_scoped3A_16, %mul3A_15, %dma_wait3A_256] : memref<2x2560x128xi32, #tpu.memory_space<hbm>> -> memref<1x80x128xi32, #tpu.memory_space<hbm>>
      %dma_wait3A_258 = tpu.memref_squeeze %dma_wait3A_257 : memref<1x80x128xi32, #tpu.memory_space<hbm>> -> memref<80x128xi32, #tpu.memory_space<hbm>>
      %dma_wait3A_259 = arith.constant 0 : i32
      %dma_wait3A_260 = tpu.memref_slice %arg3[%run_scoped3A_16, %mul3A_15, %dma_wait3A_259] : memref<2x2560x128xi32, #tpu.memory_space<hbm>> -> memref<1x80x128xi32, #tpu.memory_space<hbm>>
      %dma_wait3A_261 = tpu.memref_squeeze %dma_wait3A_260 : memref<1x80x128xi32, #tpu.memory_space<hbm>> -> memref<80x128xi32, #tpu.memory_space<hbm>>
      tpu.wait_dma2 semaphore(%run_scoped3A_249 : memref<!tpu.dma_semaphore, #tpu.memory_space<semaphore_mem>>) src(%dma_wait3A_261 : memref<80x128xi32, #tpu.memory_space<hbm>>) dst(%arg6 : memref<80x128xi32, #tpu.memory_space<vmem>>)
      tpu.yield
    }) : () -> ()
    %barrier3A = arith.constant 0 : index
    tpu.barrier barrier_id(%barrier3A)
    %dma_start3A = arith.constant 0 : i32
    %dma_start3A_17 = arith.constant 0 : i32
    %dma_start3A_18 = tpu.memref_slice %arg5[%dma_start3A, %dma_start3A_17] : memref<80x128xi32, #tpu.memory_space<vmem>> -> memref<1x128xi32, #tpu.memory_space<vmem>>
    %dma_start3A_19 = tpu.memref_squeeze %dma_start3A_18 : memref<1x128xi32, #tpu.memory_space<vmem>> -> memref<128xi32, #tpu.memory_space<vmem>>
    %dma_start3A_20 = arith.constant 0 : i32
    %dma_start3A_21 = arith.constant 0 : i32
    %dma_start3A_22 = tpu.memref_slice %arg9[%dma_start3A_20, %dma_start3A_21] : memref<10048x16xf32, #tpu.memory_space<vmem_shared>> -> memref<10048x16xf32, #tpu.memory_space<vmem_shared>>
    tpu.enqueue_indirect_dma source(%dma_start3A_22 : memref<10048x16xf32, #tpu.memory_space<vmem_shared>>) target(%arg10 : memref<128x16xf32, #tpu.memory_space<vmem>>) offsets(%dma_start3A_19 : memref<128xi32, #tpu.memory_space<vmem>>) semaphore(%arg18 : memref<!tpu.dma_semaphore, #tpu.memory_space<semaphore_mem>>)
    %dma_start3A_23 = arith.constant 1 : i32
    %dma_start3A_24 = arith.constant 0 : i32
    %dma_start3A_25 = tpu.memref_slice %arg5[%dma_start3A_23, %dma_start3A_24] : memref<80x128xi32, #tpu.memory_space<vmem>> -> memref<1x128xi32, #tpu.memory_space<vmem>>
    %dma_start3A_26 = tpu.memref_squeeze %dma_start3A_25 : memref<1x128xi32, #tpu.memory_space<vmem>> -> memref<128xi32, #tpu.memory_space<vmem>>
    %dma_start3A_27 = arith.constant 0 : i32
    %dma_start3A_28 = arith.constant 0 : i32
    %dma_start3A_29 = tpu.memref_slice %arg9[%dma_start3A_27, %dma_start3A_28] : memref<10048x16xf32, #tpu.memory_space<vmem_shared>> -> memref<10048x16xf32, #tpu.memory_space<vmem_shared>>
    tpu.enqueue_indirect_dma source(%dma_start3A_29 : memref<10048x16xf32, #tpu.memory_space<vmem_shared>>) target(%arg11 : memref<128x16xf32, #tpu.memory_space<vmem>>) offsets(%dma_start3A_26 : memref<128xi32, #tpu.memory_space<vmem>>) semaphore(%arg19 : memref<!tpu.dma_semaphore, #tpu.memory_space<semaphore_mem>>)
    %dma_start3A_30 = arith.constant 2 : i32
    %dma_start3A_31 = arith.constant 0 : i32
    %dma_start3A_32 = tpu.memref_slice %arg5[%dma_start3A_30, %dma_start3A_31] : memref<80x128xi32, #tpu.memory_space<vmem>> -> memref<1x128xi32, #tpu.memory_space<vmem>>
    %dma_start3A_33 = tpu.memref_squeeze %dma_start3A_32 : memref<1x128xi32, #tpu.memory_space<vmem>> -> memref<128xi32, #tpu.memory_space<vmem>>
    %dma_start3A_34 = arith.constant 0 : i32
    %dma_start3A_35 = arith.constant 0 : i32
    %dma_start3A_36 = tpu.memref_slice %arg9[%dma_start3A_34, %dma_start3A_35] : memref<10048x16xf32, #tpu.memory_space<vmem_shared>> -> memref<10048x16xf32, #tpu.memory_space<vmem_shared>>
    tpu.enqueue_indirect_dma source(%dma_start3A_36 : memref<10048x16xf32, #tpu.memory_space<vmem_shared>>) target(%arg12 : memref<128x16xf32, #tpu.memory_space<vmem>>) offsets(%dma_start3A_33 : memref<128xi32, #tpu.memory_space<vmem>>) semaphore(%arg20 : memref<!tpu.dma_semaphore, #tpu.memory_space<semaphore_mem>>)
    %dma_start3A_37 = arith.constant 3 : i32
    %dma_start3A_38 = arith.constant 0 : i32
    %dma_start3A_39 = tpu.memref_slice %arg5[%dma_start3A_37, %dma_start3A_38] : memref<80x128xi32, #tpu.memory_space<vmem>> -> memref<1x128xi32, #tpu.memory_space<vmem>>
    %dma_start3A_40 = tpu.memref_squeeze %dma_start3A_39 : memref<1x128xi32, #tpu.memory_space<vmem>> -> memref<128xi32, #tpu.memory_space<vmem>>
    %dma_start3A_41 = arith.constant 0 : i32
    %dma_start3A_42 = arith.constant 0 : i32
    %dma_start3A_43 = tpu.memref_slice %arg9[%dma_start3A_41, %dma_start3A_42] : memref<10048x16xf32, #tpu.memory_space<vmem_shared>> -> memref<10048x16xf32, #tpu.memory_space<vmem_shared>>
    tpu.enqueue_indirect_dma source(%dma_start3A_43 : memref<10048x16xf32, #tpu.memory_space<vmem_shared>>) target(%arg13 : memref<128x16xf32, #tpu.memory_space<vmem>>) offsets(%dma_start3A_40 : memref<128xi32, #tpu.memory_space<vmem>>) semaphore(%arg21 : memref<!tpu.dma_semaphore, #tpu.memory_space<semaphore_mem>>)
    %dma_start3A_44 = arith.constant 4 : i32
    %dma_start3A_45 = arith.constant 0 : i32
    %dma_start3A_46 = tpu.memref_slice %arg5[%dma_start3A_44, %dma_start3A_45] : memref<80x128xi32, #tpu.memory_space<vmem>> -> memref<1x128xi32, #tpu.memory_space<vmem>>
    %dma_start3A_47 = tpu.memref_squeeze %dma_start3A_46 : memref<1x128xi32, #tpu.memory_space<vmem>> -> memref<128xi32, #tpu.memory_space<vmem>>
    %dma_start3A_48 = arith.constant 0 : i32
    %dma_start3A_49 = arith.constant 0 : i32
    %dma_start3A_50 = tpu.memref_slice %arg9[%dma_start3A_48, %dma_start3A_49] : memref<10048x16xf32, #tpu.memory_space<vmem_shared>> -> memref<10048x16xf32, #tpu.memory_space<vmem_shared>>
    tpu.enqueue_indirect_dma source(%dma_start3A_50 : memref<10048x16xf32, #tpu.memory_space<vmem_shared>>) target(%arg14 : memref<128x16xf32, #tpu.memory_space<vmem>>) offsets(%dma_start3A_47 : memref<128xi32, #tpu.memory_space<vmem>>) semaphore(%arg22 : memref<!tpu.dma_semaphore, #tpu.memory_space<semaphore_mem>>)
    %dma_start3A_51 = arith.constant 5 : i32
    %dma_start3A_52 = arith.constant 0 : i32
    %dma_start3A_53 = tpu.memref_slice %arg5[%dma_start3A_51, %dma_start3A_52] : memref<80x128xi32, #tpu.memory_space<vmem>> -> memref<1x128xi32, #tpu.memory_space<vmem>>
    %dma_start3A_54 = tpu.memref_squeeze %dma_start3A_53 : memref<1x128xi32, #tpu.memory_space<vmem>> -> memref<128xi32, #tpu.memory_space<vmem>>
    %dma_start3A_55 = arith.constant 0 : i32
    %dma_start3A_56 = arith.constant 0 : i32
    %dma_start3A_57 = tpu.memref_slice %arg9[%dma_start3A_55, %dma_start3A_56] : memref<10048x16xf32, #tpu.memory_space<vmem_shared>> -> memref<10048x16xf32, #tpu.memory_space<vmem_shared>>
    tpu.enqueue_indirect_dma source(%dma_start3A_57 : memref<10048x16xf32, #tpu.memory_space<vmem_shared>>) target(%arg15 : memref<128x16xf32, #tpu.memory_space<vmem>>) offsets(%dma_start3A_54 : memref<128xi32, #tpu.memory_space<vmem>>) semaphore(%arg23 : memref<!tpu.dma_semaphore, #tpu.memory_space<semaphore_mem>>)
    %dma_start3A_58 = arith.constant 6 : i32
    %dma_start3A_59 = arith.constant 0 : i32
    %dma_start3A_60 = tpu.memref_slice %arg5[%dma_start3A_58, %dma_start3A_59] : memref<80x128xi32, #tpu.memory_space<vmem>> -> memref<1x128xi32, #tpu.memory_space<vmem>>
    %dma_start3A_61 = tpu.memref_squeeze %dma_start3A_60 : memref<1x128xi32, #tpu.memory_space<vmem>> -> memref<128xi32, #tpu.memory_space<vmem>>
    %dma_start3A_62 = arith.constant 0 : i32
    %dma_start3A_63 = arith.constant 0 : i32
    %dma_start3A_64 = tpu.memref_slice %arg9[%dma_start3A_62, %dma_start3A_63] : memref<10048x16xf32, #tpu.memory_space<vmem_shared>> -> memref<10048x16xf32, #tpu.memory_space<vmem_shared>>
    tpu.enqueue_indirect_dma source(%dma_start3A_64 : memref<10048x16xf32, #tpu.memory_space<vmem_shared>>) target(%arg16 : memref<128x16xf32, #tpu.memory_space<vmem>>) offsets(%dma_start3A_61 : memref<128xi32, #tpu.memory_space<vmem>>) semaphore(%arg24 : memref<!tpu.dma_semaphore, #tpu.memory_space<semaphore_mem>>)
    %dma_start3A_65 = arith.constant 7 : i32
    %dma_start3A_66 = arith.constant 0 : i32
    %dma_start3A_67 = tpu.memref_slice %arg5[%dma_start3A_65, %dma_start3A_66] : memref<80x128xi32, #tpu.memory_space<vmem>> -> memref<1x128xi32, #tpu.memory_space<vmem>>
    %dma_start3A_68 = tpu.memref_squeeze %dma_start3A_67 : memref<1x128xi32, #tpu.memory_space<vmem>> -> memref<128xi32, #tpu.memory_space<vmem>>
    %dma_start3A_69 = arith.constant 0 : i32
    %dma_start3A_70 = arith.constant 0 : i32
    %dma_start3A_71 = tpu.memref_slice %arg9[%dma_start3A_69, %dma_start3A_70] : memref<10048x16xf32, #tpu.memory_space<vmem_shared>> -> memref<10048x16xf32, #tpu.memory_space<vmem_shared>>
    tpu.enqueue_indirect_dma source(%dma_start3A_71 : memref<10048x16xf32, #tpu.memory_space<vmem_shared>>) target(%arg17 : memref<128x16xf32, #tpu.memory_space<vmem>>) offsets(%dma_start3A_68 : memref<128xi32, #tpu.memory_space<vmem>>) semaphore(%arg25 : memref<!tpu.dma_semaphore, #tpu.memory_space<semaphore_mem>>)
    %scan3A_72 = arith.constant 0 : i32
    %scan3A_73 = arith.constant 9 : i32
    %scan3A_74 = arith.addi %scan3A_72, %scan3A_73 : i32
    %scan3A_75 = arith.constant 1 : i32
    scf.for %scan3A_249 = %scan3A_72 to %scan3A_74 step %scan3A_75  : i32 {
      %mul3A_250 = arith.constant 8 : i32
      %mul3A_251 = arith.muli %scan3A_249, %mul3A_250 : i32
      %add3A_252 = arith.constant 0 : i32
      %add3A_253 = arith.addi %add3A_252, %mul3A_251 : i32
      %add3A_254 = arith.constant 0 : i32
      %add3A_255 = arith.addi %add3A_253, %add3A_254 : i32
      %dma_wait3A_256 = arith.constant 0 : i32
      %dma_wait3A_257 = tpu.memref_slice %arg5[%add3A_255, %dma_wait3A_256] : memref<80x128xi32, #tpu.memory_space<vmem>> -> memref<1x128xi32, #tpu.memory_space<vmem>>
      %dma_wait3A_258 = tpu.memref_squeeze %dma_wait3A_257 : memref<1x128xi32, #tpu.memory_space<vmem>> -> memref<128xi32, #tpu.memory_space<vmem>>
      %dma_wait3A_259 = arith.constant 0 : i32
      %dma_wait3A_260 = arith.constant 0 : i32
      %dma_wait3A_261 = tpu.memref_slice %arg9[%dma_wait3A_259, %dma_wait3A_260] : memref<10048x16xf32, #tpu.memory_space<vmem_shared>> -> memref<10048x16xf32, #tpu.memory_space<vmem_shared>>
      tpu.wait_indirect_dma semaphore(%arg18 : memref<!tpu.dma_semaphore, #tpu.memory_space<semaphore_mem>>) src(%dma_wait3A_261 : memref<10048x16xf32, #tpu.memory_space<vmem_shared>>) dst(%arg10 : memref<128x16xf32, #tpu.memory_space<vmem>>)
      %add3A_262 = arith.constant 0 : i32
      %add3A_263 = arith.addi %add3A_253, %add3A_262 : i32
      %dma_start3A_264 = arith.constant 0 : i32
      %dma_start3A_265 = tpu.memref_slice %arg6[%add3A_263, %dma_start3A_264] : memref<80x128xi32, #tpu.memory_space<vmem>> -> memref<1x128xi32, #tpu.memory_space<vmem>>
      %dma_start3A_266 = tpu.memref_squeeze %dma_start3A_265 : memref<1x128xi32, #tpu.memory_space<vmem>> -> memref<128xi32, #tpu.memory_space<vmem>>
      %dma_start3A_267 = arith.constant 0 : i32
      %dma_start3A_268 = arith.constant 0 : i32
      %dma_start3A_269 = tpu.memref_slice %arg8[%dma_start3A_267, %dma_start3A_268] : memref<10240x16xf32, #tpu.memory_space<vmem_shared>> -> memref<10240x16xf32, #tpu.memory_space<vmem_shared>>
      tpu.enqueue_indirect_dma source(%arg10 : memref<128x16xf32, #tpu.memory_space<vmem>>) target(%dma_start3A_269 : memref<10240x16xf32, #tpu.memory_space<vmem_shared>>) offsets(%dma_start3A_266 : memref<128xi32, #tpu.memory_space<vmem>>) semaphore(%arg26 : memref<!tpu.dma_semaphore, #tpu.memory_space<semaphore_mem>>) {add = true}
      %add3A_270 = arith.constant 1 : i32
      %add3A_271 = arith.addi %add3A_253, %add3A_270 : i32
      %dma_wait3A_272 = arith.constant 0 : i32
      %dma_wait3A_273 = tpu.memref_slice %arg5[%add3A_271, %dma_wait3A_272] : memref<80x128xi32, #tpu.memory_space<vmem>> -> memref<1x128xi32, #tpu.memory_space<vmem>>
      %dma_wait3A_274 = tpu.memref_squeeze %dma_wait3A_273 : memref<1x128xi32, #tpu.memory_space<vmem>> -> memref<128xi32, #tpu.memory_space<vmem>>
      %dma_wait3A_275 = arith.constant 0 : i32
      %dma_wait3A_276 = arith.constant 0 : i32
      %dma_wait3A_277 = tpu.memref_slice %arg9[%dma_wait3A_275, %dma_wait3A_276] : memref<10048x16xf32, #tpu.memory_space<vmem_shared>> -> memref<10048x16xf32, #tpu.memory_space<vmem_shared>>
      tpu.wait_indirect_dma semaphore(%arg19 : memref<!tpu.dma_semaphore, #tpu.memory_space<semaphore_mem>>) src(%dma_wait3A_277 : memref<10048x16xf32, #tpu.memory_space<vmem_shared>>) dst(%arg11 : memref<128x16xf32, #tpu.memory_space<vmem>>)
      %add3A_278 = arith.constant 1 : i32
      %add3A_279 = arith.addi %add3A_253, %add3A_278 : i32
      %dma_start3A_280 = arith.constant 0 : i32
      %dma_start3A_281 = tpu.memref_slice %arg6[%add3A_279, %dma_start3A_280] : memref<80x128xi32, #tpu.memory_space<vmem>> -> memref<1x128xi32, #tpu.memory_space<vmem>>
      %dma_start3A_282 = tpu.memref_squeeze %dma_start3A_281 : memref<1x128xi32, #tpu.memory_space<vmem>> -> memref<128xi32, #tpu.memory_space<vmem>>
      %dma_start3A_283 = arith.constant 0 : i32
      %dma_start3A_284 = arith.constant 0 : i32
      %dma_start3A_285 = tpu.memref_slice %arg8[%dma_start3A_283, %dma_start3A_284] : memref<10240x16xf32, #tpu.memory_space<vmem_shared>> -> memref<10240x16xf32, #tpu.memory_space<vmem_shared>>
      tpu.enqueue_indirect_dma source(%arg11 : memref<128x16xf32, #tpu.memory_space<vmem>>) target(%dma_start3A_285 : memref<10240x16xf32, #tpu.memory_space<vmem_shared>>) offsets(%dma_start3A_282 : memref<128xi32, #tpu.memory_space<vmem>>) semaphore(%arg27 : memref<!tpu.dma_semaphore, #tpu.memory_space<semaphore_mem>>) {add = true}
      %add3A_286 = arith.constant 2 : i32
      %add3A_287 = arith.addi %add3A_253, %add3A_286 : i32
      %dma_wait3A_288 = arith.constant 0 : i32
      %dma_wait3A_289 = tpu.memref_slice %arg5[%add3A_287, %dma_wait3A_288] : memref<80x128xi32, #tpu.memory_space<vmem>> -> memref<1x128xi32, #tpu.memory_space<vmem>>
      %dma_wait3A_290 = tpu.memref_squeeze %dma_wait3A_289 : memref<1x128xi32, #tpu.memory_space<vmem>> -> memref<128xi32, #tpu.memory_space<vmem>>
      %dma_wait3A_291 = arith.constant 0 : i32
      %dma_wait3A_292 = arith.constant 0 : i32
      %dma_wait3A_293 = tpu.memref_slice %arg9[%dma_wait3A_291, %dma_wait3A_292] : memref<10048x16xf32, #tpu.memory_space<vmem_shared>> -> memref<10048x16xf32, #tpu.memory_space<vmem_shared>>
      tpu.wait_indirect_dma semaphore(%arg20 : memref<!tpu.dma_semaphore, #tpu.memory_space<semaphore_mem>>) src(%dma_wait3A_293 : memref<10048x16xf32, #tpu.memory_space<vmem_shared>>) dst(%arg12 : memref<128x16xf32, #tpu.memory_space<vmem>>)
      %add3A_294 = arith.constant 2 : i32
      %add3A_295 = arith.addi %add3A_253, %add3A_294 : i32
      %dma_start3A_296 = arith.constant 0 : i32
      %dma_start3A_297 = tpu.memref_slice %arg6[%add3A_295, %dma_start3A_296] : memref<80x128xi32, #tpu.memory_space<vmem>> -> memref<1x128xi32, #tpu.memory_space<vmem>>
      %dma_start3A_298 = tpu.memref_squeeze %dma_start3A_297 : memref<1x128xi32, #tpu.memory_space<vmem>> -> memref<128xi32, #tpu.memory_space<vmem>>
      %dma_start3A_299 = arith.constant 0 : i32
      %dma_start3A_300 = arith.constant 0 : i32
      %dma_start3A_301 = tpu.memref_slice %arg8[%dma_start3A_299, %dma_start3A_300] : memref<10240x16xf32, #tpu.memory_space<vmem_shared>> -> memref<10240x16xf32, #tpu.memory_space<vmem_shared>>
      tpu.enqueue_indirect_dma source(%arg12 : memref<128x16xf32, #tpu.memory_space<vmem>>) target(%dma_start3A_301 : memref<10240x16xf32, #tpu.memory_space<vmem_shared>>) offsets(%dma_start3A_298 : memref<128xi32, #tpu.memory_space<vmem>>) semaphore(%arg28 : memref<!tpu.dma_semaphore, #tpu.memory_space<semaphore_mem>>) {add = true}
      %add3A_302 = arith.constant 3 : i32
      %add3A_303 = arith.addi %add3A_253, %add3A_302 : i32
      %dma_wait3A_304 = arith.constant 0 : i32
      %dma_wait3A_305 = tpu.memref_slice %arg5[%add3A_303, %dma_wait3A_304] : memref<80x128xi32, #tpu.memory_space<vmem>> -> memref<1x128xi32, #tpu.memory_space<vmem>>
      %dma_wait3A_306 = tpu.memref_squeeze %dma_wait3A_305 : memref<1x128xi32, #tpu.memory_space<vmem>> -> memref<128xi32, #tpu.memory_space<vmem>>
      %dma_wait3A_307 = arith.constant 0 : i32
      %dma_wait3A_308 = arith.constant 0 : i32
      %dma_wait3A_309 = tpu.memref_slice %arg9[%dma_wait3A_307, %dma_wait3A_308] : memref<10048x16xf32, #tpu.memory_space<vmem_shared>> -> memref<10048x16xf32, #tpu.memory_space<vmem_shared>>
      tpu.wait_indirect_dma semaphore(%arg21 : memref<!tpu.dma_semaphore, #tpu.memory_space<semaphore_mem>>) src(%dma_wait3A_309 : memref<10048x16xf32, #tpu.memory_space<vmem_shared>>) dst(%arg13 : memref<128x16xf32, #tpu.memory_space<vmem>>)
      %add3A_310 = arith.constant 3 : i32
      %add3A_311 = arith.addi %add3A_253, %add3A_310 : i32
      %dma_start3A_312 = arith.constant 0 : i32
      %dma_start3A_313 = tpu.memref_slice %arg6[%add3A_311, %dma_start3A_312] : memref<80x128xi32, #tpu.memory_space<vmem>> -> memref<1x128xi32, #tpu.memory_space<vmem>>
      %dma_start3A_314 = tpu.memref_squeeze %dma_start3A_313 : memref<1x128xi32, #tpu.memory_space<vmem>> -> memref<128xi32, #tpu.memory_space<vmem>>
      %dma_start3A_315 = arith.constant 0 : i32
      %dma_start3A_316 = arith.constant 0 : i32
      %dma_start3A_317 = tpu.memref_slice %arg8[%dma_start3A_315, %dma_start3A_316] : memref<10240x16xf32, #tpu.memory_space<vmem_shared>> -> memref<10240x16xf32, #tpu.memory_space<vmem_shared>>
      tpu.enqueue_indirect_dma source(%arg13 : memref<128x16xf32, #tpu.memory_space<vmem>>) target(%dma_start3A_317 : memref<10240x16xf32, #tpu.memory_space<vmem_shared>>) offsets(%dma_start3A_314 : memref<128xi32, #tpu.memory_space<vmem>>) semaphore(%arg29 : memref<!tpu.dma_semaphore, #tpu.memory_space<semaphore_mem>>) {add = true}
      %add3A_318 = arith.constant 4 : i32
      %add3A_319 = arith.addi %add3A_253, %add3A_318 : i32
      %dma_wait3A_320 = arith.constant 0 : i32
      %dma_wait3A_321 = tpu.memref_slice %arg5[%add3A_319, %dma_wait3A_320] : memref<80x128xi32, #tpu.memory_space<vmem>> -> memref<1x128xi32, #tpu.memory_space<vmem>>
      %dma_wait3A_322 = tpu.memref_squeeze %dma_wait3A_321 : memref<1x128xi32, #tpu.memory_space<vmem>> -> memref<128xi32, #tpu.memory_space<vmem>>
      %dma_wait3A_323 = arith.constant 0 : i32
      %dma_wait3A_324 = arith.constant 0 : i32
      %dma_wait3A_325 = tpu.memref_slice %arg9[%dma_wait3A_323, %dma_wait3A_324] : memref<10048x16xf32, #tpu.memory_space<vmem_shared>> -> memref<10048x16xf32, #tpu.memory_space<vmem_shared>>
      tpu.wait_indirect_dma semaphore(%arg22 : memref<!tpu.dma_semaphore, #tpu.memory_space<semaphore_mem>>) src(%dma_wait3A_325 : memref<10048x16xf32, #tpu.memory_space<vmem_shared>>) dst(%arg14 : memref<128x16xf32, #tpu.memory_space<vmem>>)
      %add3A_326 = arith.constant 4 : i32
      %add3A_327 = arith.addi %add3A_253, %add3A_326 : i32
      %dma_start3A_328 = arith.constant 0 : i32
      %dma_start3A_329 = tpu.memref_slice %arg6[%add3A_327, %dma_start3A_328] : memref<80x128xi32, #tpu.memory_space<vmem>> -> memref<1x128xi32, #tpu.memory_space<vmem>>
      %dma_start3A_330 = tpu.memref_squeeze %dma_start3A_329 : memref<1x128xi32, #tpu.memory_space<vmem>> -> memref<128xi32, #tpu.memory_space<vmem>>
      %dma_start3A_331 = arith.constant 0 : i32
      %dma_start3A_332 = arith.constant 0 : i32
      %dma_start3A_333 = tpu.memref_slice %arg8[%dma_start3A_331, %dma_start3A_332] : memref<10240x16xf32, #tpu.memory_space<vmem_shared>> -> memref<10240x16xf32, #tpu.memory_space<vmem_shared>>
      tpu.enqueue_indirect_dma source(%arg14 : memref<128x16xf32, #tpu.memory_space<vmem>>) target(%dma_start3A_333 : memref<10240x16xf32, #tpu.memory_space<vmem_shared>>) offsets(%dma_start3A_330 : memref<128xi32, #tpu.memory_space<vmem>>) semaphore(%arg30 : memref<!tpu.dma_semaphore, #tpu.memory_space<semaphore_mem>>) {add = true}
      %add3A_334 = arith.constant 5 : i32
      %add3A_335 = arith.addi %add3A_253, %add3A_334 : i32
      %dma_wait3A_336 = arith.constant 0 : i32
      %dma_wait3A_337 = tpu.memref_slice %arg5[%add3A_335, %dma_wait3A_336] : memref<80x128xi32, #tpu.memory_space<vmem>> -> memref<1x128xi32, #tpu.memory_space<vmem>>
      %dma_wait3A_338 = tpu.memref_squeeze %dma_wait3A_337 : memref<1x128xi32, #tpu.memory_space<vmem>> -> memref<128xi32, #tpu.memory_space<vmem>>
      %dma_wait3A_339 = arith.constant 0 : i32
      %dma_wait3A_340 = arith.constant 0 : i32
      %dma_wait3A_341 = tpu.memref_slice %arg9[%dma_wait3A_339, %dma_wait3A_340] : memref<10048x16xf32, #tpu.memory_space<vmem_shared>> -> memref<10048x16xf32, #tpu.memory_space<vmem_shared>>
      tpu.wait_indirect_dma semaphore(%arg23 : memref<!tpu.dma_semaphore, #tpu.memory_space<semaphore_mem>>) src(%dma_wait3A_341 : memref<10048x16xf32, #tpu.memory_space<vmem_shared>>) dst(%arg15 : memref<128x16xf32, #tpu.memory_space<vmem>>)
      %add3A_342 = arith.constant 5 : i32
      %add3A_343 = arith.addi %add3A_253, %add3A_342 : i32
      %dma_start3A_344 = arith.constant 0 : i32
      %dma_start3A_345 = tpu.memref_slice %arg6[%add3A_343, %dma_start3A_344] : memref<80x128xi32, #tpu.memory_space<vmem>> -> memref<1x128xi32, #tpu.memory_space<vmem>>
      %dma_start3A_346 = tpu.memref_squeeze %dma_start3A_345 : memref<1x128xi32, #tpu.memory_space<vmem>> -> memref<128xi32, #tpu.memory_space<vmem>>
      %dma_start3A_347 = arith.constant 0 : i32
      %dma_start3A_348 = arith.constant 0 : i32
      %dma_start3A_349 = tpu.memref_slice %arg8[%dma_start3A_347, %dma_start3A_348] : memref<10240x16xf32, #tpu.memory_space<vmem_shared>> -> memref<10240x16xf32, #tpu.memory_space<vmem_shared>>
      tpu.enqueue_indirect_dma source(%arg15 : memref<128x16xf32, #tpu.memory_space<vmem>>) target(%dma_start3A_349 : memref<10240x16xf32, #tpu.memory_space<vmem_shared>>) offsets(%dma_start3A_346 : memref<128xi32, #tpu.memory_space<vmem>>) semaphore(%arg31 : memref<!tpu.dma_semaphore, #tpu.memory_space<semaphore_mem>>) {add = true}
      %add3A_350 = arith.constant 6 : i32
      %add3A_351 = arith.addi %add3A_253, %add3A_350 : i32
      %dma_wait3A_352 = arith.constant 0 : i32
      %dma_wait3A_353 = tpu.memref_slice %arg5[%add3A_351, %dma_wait3A_352] : memref<80x128xi32, #tpu.memory_space<vmem>> -> memref<1x128xi32, #tpu.memory_space<vmem>>
      %dma_wait3A_354 = tpu.memref_squeeze %dma_wait3A_353 : memref<1x128xi32, #tpu.memory_space<vmem>> -> memref<128xi32, #tpu.memory_space<vmem>>
      %dma_wait3A_355 = arith.constant 0 : i32
      %dma_wait3A_356 = arith.constant 0 : i32
      %dma_wait3A_357 = tpu.memref_slice %arg9[%dma_wait3A_355, %dma_wait3A_356] : memref<10048x16xf32, #tpu.memory_space<vmem_shared>> -> memref<10048x16xf32, #tpu.memory_space<vmem_shared>>
      tpu.wait_indirect_dma semaphore(%arg24 : memref<!tpu.dma_semaphore, #tpu.memory_space<semaphore_mem>>) src(%dma_wait3A_357 : memref<10048x16xf32, #tpu.memory_space<vmem_shared>>) dst(%arg16 : memref<128x16xf32, #tpu.memory_space<vmem>>)
      %add3A_358 = arith.constant 6 : i32
      %add3A_359 = arith.addi %add3A_253, %add3A_358 : i32
      %dma_start3A_360 = arith.constant 0 : i32
      %dma_start3A_361 = tpu.memref_slice %arg6[%add3A_359, %dma_start3A_360] : memref<80x128xi32, #tpu.memory_space<vmem>> -> memref<1x128xi32, #tpu.memory_space<vmem>>
      %dma_start3A_362 = tpu.memref_squeeze %dma_start3A_361 : memref<1x128xi32, #tpu.memory_space<vmem>> -> memref<128xi32, #tpu.memory_space<vmem>>
      %dma_start3A_363 = arith.constant 0 : i32
      %dma_start3A_364 = arith.constant 0 : i32
      %dma_start3A_365 = tpu.memref_slice %arg8[%dma_start3A_363, %dma_start3A_364] : memref<10240x16xf32, #tpu.memory_space<vmem_shared>> -> memref<10240x16xf32, #tpu.memory_space<vmem_shared>>
      tpu.enqueue_indirect_dma source(%arg16 : memref<128x16xf32, #tpu.memory_space<vmem>>) target(%dma_start3A_365 : memref<10240x16xf32, #tpu.memory_space<vmem_shared>>) offsets(%dma_start3A_362 : memref<128xi32, #tpu.memory_space<vmem>>) semaphore(%arg32 : memref<!tpu.dma_semaphore, #tpu.memory_space<semaphore_mem>>) {add = true}
      %add3A_366 = arith.constant 7 : i32
      %add3A_367 = arith.addi %add3A_253, %add3A_366 : i32
      %dma_wait3A_368 = arith.constant 0 : i32
      %dma_wait3A_369 = tpu.memref_slice %arg5[%add3A_367, %dma_wait3A_368] : memref<80x128xi32, #tpu.memory_space<vmem>> -> memref<1x128xi32, #tpu.memory_space<vmem>>
      %dma_wait3A_370 = tpu.memref_squeeze %dma_wait3A_369 : memref<1x128xi32, #tpu.memory_space<vmem>> -> memref<128xi32, #tpu.memory_space<vmem>>
      %dma_wait3A_371 = arith.constant 0 : i32
      %dma_wait3A_372 = arith.constant 0 : i32
      %dma_wait3A_373 = tpu.memref_slice %arg9[%dma_wait3A_371, %dma_wait3A_372] : memref<10048x16xf32, #tpu.memory_space<vmem_shared>> -> memref<10048x16xf32, #tpu.memory_space<vmem_shared>>
      tpu.wait_indirect_dma semaphore(%arg25 : memref<!tpu.dma_semaphore, #tpu.memory_space<semaphore_mem>>) src(%dma_wait3A_373 : memref<10048x16xf32, #tpu.memory_space<vmem_shared>>) dst(%arg17 : memref<128x16xf32, #tpu.memory_space<vmem>>)
      %add3A_374 = arith.constant 7 : i32
      %add3A_375 = arith.addi %add3A_253, %add3A_374 : i32
      %dma_start3A_376 = arith.constant 0 : i32
      %dma_start3A_377 = tpu.memref_slice %arg6[%add3A_375, %dma_start3A_376] : memref<80x128xi32, #tpu.memory_space<vmem>> -> memref<1x128xi32, #tpu.memory_space<vmem>>
      %dma_start3A_378 = tpu.memref_squeeze %dma_start3A_377 : memref<1x128xi32, #tpu.memory_space<vmem>> -> memref<128xi32, #tpu.memory_space<vmem>>
      %dma_start3A_379 = arith.constant 0 : i32
      %dma_start3A_380 = arith.constant 0 : i32
      %dma_start3A_381 = tpu.memref_slice %arg8[%dma_start3A_379, %dma_start3A_380] : memref<10240x16xf32, #tpu.memory_space<vmem_shared>> -> memref<10240x16xf32, #tpu.memory_space<vmem_shared>>
      tpu.enqueue_indirect_dma source(%arg17 : memref<128x16xf32, #tpu.memory_space<vmem>>) target(%dma_start3A_381 : memref<10240x16xf32, #tpu.memory_space<vmem_shared>>) offsets(%dma_start3A_378 : memref<128xi32, #tpu.memory_space<vmem>>) semaphore(%arg33 : memref<!tpu.dma_semaphore, #tpu.memory_space<semaphore_mem>>) {add = true}
      %add3A_382 = arith.constant 0 : i32
      %add3A_383 = arith.addi %add3A_253, %add3A_382 : i32
      %dma_wait3A_384 = arith.constant 0 : i32
      %dma_wait3A_385 = tpu.memref_slice %arg6[%add3A_383, %dma_wait3A_384] : memref<80x128xi32, #tpu.memory_space<vmem>> -> memref<1x128xi32, #tpu.memory_space<vmem>>
      %dma_wait3A_386 = tpu.memref_squeeze %dma_wait3A_385 : memref<1x128xi32, #tpu.memory_space<vmem>> -> memref<128xi32, #tpu.memory_space<vmem>>
      %dma_wait3A_387 = arith.constant 0 : i32
      %dma_wait3A_388 = arith.constant 0 : i32
      %dma_wait3A_389 = tpu.memref_slice %arg8[%dma_wait3A_387, %dma_wait3A_388] : memref<10240x16xf32, #tpu.memory_space<vmem_shared>> -> memref<10240x16xf32, #tpu.memory_space<vmem_shared>>
      tpu.wait_indirect_dma semaphore(%arg26 : memref<!tpu.dma_semaphore, #tpu.memory_space<semaphore_mem>>) src(%arg10 : memref<128x16xf32, #tpu.memory_space<vmem>>) dst(%dma_wait3A_389 : memref<10240x16xf32, #tpu.memory_space<vmem_shared>>)
      %add3A_390 = arith.constant 8 : i32
      %add3A_391 = arith.addi %add3A_253, %add3A_390 : i32
      %add3A_392 = arith.constant 0 : i32
      %add3A_393 = arith.addi %add3A_391, %add3A_392 : i32
      %dma_start3A_394 = arith.constant 0 : i32
      %dma_start3A_395 = tpu.memref_slice %arg5[%add3A_393, %dma_start3A_394] : memref<80x128xi32, #tpu.memory_space<vmem>> -> memref<1x128xi32, #tpu.memory_space<vmem>>
      %dma_start3A_396 = tpu.memref_squeeze %dma_start3A_395 : memref<1x128xi32, #tpu.memory_space<vmem>> -> memref<128xi32, #tpu.memory_space<vmem>>
      %dma_start3A_397 = arith.constant 0 : i32
      %dma_start3A_398 = arith.constant 0 : i32
      %dma_start3A_399 = tpu.memref_slice %arg9[%dma_start3A_397, %dma_start3A_398] : memref<10048x16xf32, #tpu.memory_space<vmem_shared>> -> memref<10048x16xf32, #tpu.memory_space<vmem_shared>>
      tpu.enqueue_indirect_dma source(%dma_start3A_399 : memref<10048x16xf32, #tpu.memory_space<vmem_shared>>) target(%arg10 : memref<128x16xf32, #tpu.memory_space<vmem>>) offsets(%dma_start3A_396 : memref<128xi32, #tpu.memory_space<vmem>>) semaphore(%arg18 : memref<!tpu.dma_semaphore, #tpu.memory_space<semaphore_mem>>)
      %add3A_400 = arith.constant 1 : i32
      %add3A_401 = arith.addi %add3A_253, %add3A_400 : i32
      %dma_wait3A_402 = arith.constant 0 : i32
      %dma_wait3A_403 = tpu.memref_slice %arg6[%add3A_401, %dma_wait3A_402] : memref<80x128xi32, #tpu.memory_space<vmem>> -> memref<1x128xi32, #tpu.memory_space<vmem>>
      %dma_wait3A_404 = tpu.memref_squeeze %dma_wait3A_403 : memref<1x128xi32, #tpu.memory_space<vmem>> -> memref<128xi32, #tpu.memory_space<vmem>>
      %dma_wait3A_405 = arith.constant 0 : i32
      %dma_wait3A_406 = arith.constant 0 : i32
      %dma_wait3A_407 = tpu.memref_slice %arg8[%dma_wait3A_405, %dma_wait3A_406] : memref<10240x16xf32, #tpu.memory_space<vmem_shared>> -> memref<10240x16xf32, #tpu.memory_space<vmem_shared>>
      tpu.wait_indirect_dma semaphore(%arg27 : memref<!tpu.dma_semaphore, #tpu.memory_space<semaphore_mem>>) src(%arg11 : memref<128x16xf32, #tpu.memory_space<vmem>>) dst(%dma_wait3A_407 : memref<10240x16xf32, #tpu.memory_space<vmem_shared>>)
      %add3A_408 = arith.constant 8 : i32
      %add3A_409 = arith.addi %add3A_253, %add3A_408 : i32
      %add3A_410 = arith.constant 1 : i32
      %add3A_411 = arith.addi %add3A_409, %add3A_410 : i32
      %dma_start3A_412 = arith.constant 0 : i32
      %dma_start3A_413 = tpu.memref_slice %arg5[%add3A_411, %dma_start3A_412] : memref<80x128xi32, #tpu.memory_space<vmem>> -> memref<1x128xi32, #tpu.memory_space<vmem>>
      %dma_start3A_414 = tpu.memref_squeeze %dma_start3A_413 : memref<1x128xi32, #tpu.memory_space<vmem>> -> memref<128xi32, #tpu.memory_space<vmem>>
      %dma_start3A_415 = arith.constant 0 : i32
      %dma_start3A_416 = arith.constant 0 : i32
      %dma_start3A_417 = tpu.memref_slice %arg9[%dma_start3A_415, %dma_start3A_416] : memref<10048x16xf32, #tpu.memory_space<vmem_shared>> -> memref<10048x16xf32, #tpu.memory_space<vmem_shared>>
      tpu.enqueue_indirect_dma source(%dma_start3A_417 : memref<10048x16xf32, #tpu.memory_space<vmem_shared>>) target(%arg11 : memref<128x16xf32, #tpu.memory_space<vmem>>) offsets(%dma_start3A_414 : memref<128xi32, #tpu.memory_space<vmem>>) semaphore(%arg19 : memref<!tpu.dma_semaphore, #tpu.memory_space<semaphore_mem>>)
      %add3A_418 = arith.constant 2 : i32
      %add3A_419 = arith.addi %add3A_253, %add3A_418 : i32
      %dma_wait3A_420 = arith.constant 0 : i32
      %dma_wait3A_421 = tpu.memref_slice %arg6[%add3A_419, %dma_wait3A_420] : memref<80x128xi32, #tpu.memory_space<vmem>> -> memref<1x128xi32, #tpu.memory_space<vmem>>
      %dma_wait3A_422 = tpu.memref_squeeze %dma_wait3A_421 : memref<1x128xi32, #tpu.memory_space<vmem>> -> memref<128xi32, #tpu.memory_space<vmem>>
      %dma_wait3A_423 = arith.constant 0 : i32
      %dma_wait3A_424 = arith.constant 0 : i32
      %dma_wait3A_425 = tpu.memref_slice %arg8[%dma_wait3A_423, %dma_wait3A_424] : memref<10240x16xf32, #tpu.memory_space<vmem_shared>> -> memref<10240x16xf32, #tpu.memory_space<vmem_shared>>
      tpu.wait_indirect_dma semaphore(%arg28 : memref<!tpu.dma_semaphore, #tpu.memory_space<semaphore_mem>>) src(%arg12 : memref<128x16xf32, #tpu.memory_space<vmem>>) dst(%dma_wait3A_425 : memref<10240x16xf32, #tpu.memory_space<vmem_shared>>)
      %add3A_426 = arith.constant 8 : i32
      %add3A_427 = arith.addi %add3A_253, %add3A_426 : i32
      %add3A_428 = arith.constant 2 : i32
      %add3A_429 = arith.addi %add3A_427, %add3A_428 : i32
      %dma_start3A_430 = arith.constant 0 : i32
      %dma_start3A_431 = tpu.memref_slice %arg5[%add3A_429, %dma_start3A_430] : memref<80x128xi32, #tpu.memory_space<vmem>> -> memref<1x128xi32, #tpu.memory_space<vmem>>
      %dma_start3A_432 = tpu.memref_squeeze %dma_start3A_431 : memref<1x128xi32, #tpu.memory_space<vmem>> -> memref<128xi32, #tpu.memory_space<vmem>>
      %dma_start3A_433 = arith.constant 0 : i32
      %dma_start3A_434 = arith.constant 0 : i32
      %dma_start3A_435 = tpu.memref_slice %arg9[%dma_start3A_433, %dma_start3A_434] : memref<10048x16xf32, #tpu.memory_space<vmem_shared>> -> memref<10048x16xf32, #tpu.memory_space<vmem_shared>>
      tpu.enqueue_indirect_dma source(%dma_start3A_435 : memref<10048x16xf32, #tpu.memory_space<vmem_shared>>) target(%arg12 : memref<128x16xf32, #tpu.memory_space<vmem>>) offsets(%dma_start3A_432 : memref<128xi32, #tpu.memory_space<vmem>>) semaphore(%arg20 : memref<!tpu.dma_semaphore, #tpu.memory_space<semaphore_mem>>)
      %add3A_436 = arith.constant 3 : i32
      %add3A_437 = arith.addi %add3A_253, %add3A_436 : i32
      %dma_wait3A_438 = arith.constant 0 : i32
      %dma_wait3A_439 = tpu.memref_slice %arg6[%add3A_437, %dma_wait3A_438] : memref<80x128xi32, #tpu.memory_space<vmem>> -> memref<1x128xi32, #tpu.memory_space<vmem>>
      %dma_wait3A_440 = tpu.memref_squeeze %dma_wait3A_439 : memref<1x128xi32, #tpu.memory_space<vmem>> -> memref<128xi32, #tpu.memory_space<vmem>>
      %dma_wait3A_441 = arith.constant 0 : i32
      %dma_wait3A_442 = arith.constant 0 : i32
      %dma_wait3A_443 = tpu.memref_slice %arg8[%dma_wait3A_441, %dma_wait3A_442] : memref<10240x16xf32, #tpu.memory_space<vmem_shared>> -> memref<10240x16xf32, #tpu.memory_space<vmem_shared>>
      tpu.wait_indirect_dma semaphore(%arg29 : memref<!tpu.dma_semaphore, #tpu.memory_space<semaphore_mem>>) src(%arg13 : memref<128x16xf32, #tpu.memory_space<vmem>>) dst(%dma_wait3A_443 : memref<10240x16xf32, #tpu.memory_space<vmem_shared>>)
      %add3A_444 = arith.constant 8 : i32
      %add3A_445 = arith.addi %add3A_253, %add3A_444 : i32
      %add3A_446 = arith.constant 3 : i32
      %add3A_447 = arith.addi %add3A_445, %add3A_446 : i32
      %dma_start3A_448 = arith.constant 0 : i32
      %dma_start3A_449 = tpu.memref_slice %arg5[%add3A_447, %dma_start3A_448] : memref<80x128xi32, #tpu.memory_space<vmem>> -> memref<1x128xi32, #tpu.memory_space<vmem>>
      %dma_start3A_450 = tpu.memref_squeeze %dma_start3A_449 : memref<1x128xi32, #tpu.memory_space<vmem>> -> memref<128xi32, #tpu.memory_space<vmem>>
      %dma_start3A_451 = arith.constant 0 : i32
      %dma_start3A_452 = arith.constant 0 : i32
      %dma_start3A_453 = tpu.memref_slice %arg9[%dma_start3A_451, %dma_start3A_452] : memref<10048x16xf32, #tpu.memory_space<vmem_shared>> -> memref<10048x16xf32, #tpu.memory_space<vmem_shared>>
      tpu.enqueue_indirect_dma source(%dma_start3A_453 : memref<10048x16xf32, #tpu.memory_space<vmem_shared>>) target(%arg13 : memref<128x16xf32, #tpu.memory_space<vmem>>) offsets(%dma_start3A_450 : memref<128xi32, #tpu.memory_space<vmem>>) semaphore(%arg21 : memref<!tpu.dma_semaphore, #tpu.memory_space<semaphore_mem>>)
      %add3A_454 = arith.constant 4 : i32
      %add3A_455 = arith.addi %add3A_253, %add3A_454 : i32
      %dma_wait3A_456 = arith.constant 0 : i32
      %dma_wait3A_457 = tpu.memref_slice %arg6[%add3A_455, %dma_wait3A_456] : memref<80x128xi32, #tpu.memory_space<vmem>> -> memref<1x128xi32, #tpu.memory_space<vmem>>
      %dma_wait3A_458 = tpu.memref_squeeze %dma_wait3A_457 : memref<1x128xi32, #tpu.memory_space<vmem>> -> memref<128xi32, #tpu.memory_space<vmem>>
      %dma_wait3A_459 = arith.constant 0 : i32
      %dma_wait3A_460 = arith.constant 0 : i32
      %dma_wait3A_461 = tpu.memref_slice %arg8[%dma_wait3A_459, %dma_wait3A_460] : memref<10240x16xf32, #tpu.memory_space<vmem_shared>> -> memref<10240x16xf32, #tpu.memory_space<vmem_shared>>
      tpu.wait_indirect_dma semaphore(%arg30 : memref<!tpu.dma_semaphore, #tpu.memory_space<semaphore_mem>>) src(%arg14 : memref<128x16xf32, #tpu.memory_space<vmem>>) dst(%dma_wait3A_461 : memref<10240x16xf32, #tpu.memory_space<vmem_shared>>)
      %add3A_462 = arith.constant 8 : i32
      %add3A_463 = arith.addi %add3A_253, %add3A_462 : i32
      %add3A_464 = arith.constant 4 : i32
      %add3A_465 = arith.addi %add3A_463, %add3A_464 : i32
      %dma_start3A_466 = arith.constant 0 : i32
      %dma_start3A_467 = tpu.memref_slice %arg5[%add3A_465, %dma_start3A_466] : memref<80x128xi32, #tpu.memory_space<vmem>> -> memref<1x128xi32, #tpu.memory_space<vmem>>
      %dma_start3A_468 = tpu.memref_squeeze %dma_start3A_467 : memref<1x128xi32, #tpu.memory_space<vmem>> -> memref<128xi32, #tpu.memory_space<vmem>>
      %dma_start3A_469 = arith.constant 0 : i32
      %dma_start3A_470 = arith.constant 0 : i32
      %dma_start3A_471 = tpu.memref_slice %arg9[%dma_start3A_469, %dma_start3A_470] : memref<10048x16xf32, #tpu.memory_space<vmem_shared>> -> memref<10048x16xf32, #tpu.memory_space<vmem_shared>>
      tpu.enqueue_indirect_dma source(%dma_start3A_471 : memref<10048x16xf32, #tpu.memory_space<vmem_shared>>) target(%arg14 : memref<128x16xf32, #tpu.memory_space<vmem>>) offsets(%dma_start3A_468 : memref<128xi32, #tpu.memory_space<vmem>>) semaphore(%arg22 : memref<!tpu.dma_semaphore, #tpu.memory_space<semaphore_mem>>)
      %add3A_472 = arith.constant 5 : i32
      %add3A_473 = arith.addi %add3A_253, %add3A_472 : i32
      %dma_wait3A_474 = arith.constant 0 : i32
      %dma_wait3A_475 = tpu.memref_slice %arg6[%add3A_473, %dma_wait3A_474] : memref<80x128xi32, #tpu.memory_space<vmem>> -> memref<1x128xi32, #tpu.memory_space<vmem>>
      %dma_wait3A_476 = tpu.memref_squeeze %dma_wait3A_475 : memref<1x128xi32, #tpu.memory_space<vmem>> -> memref<128xi32, #tpu.memory_space<vmem>>
      %dma_wait3A_477 = arith.constant 0 : i32
      %dma_wait3A_478 = arith.constant 0 : i32
      %dma_wait3A_479 = tpu.memref_slice %arg8[%dma_wait3A_477, %dma_wait3A_478] : memref<10240x16xf32, #tpu.memory_space<vmem_shared>> -> memref<10240x16xf32, #tpu.memory_space<vmem_shared>>
      tpu.wait_indirect_dma semaphore(%arg31 : memref<!tpu.dma_semaphore, #tpu.memory_space<semaphore_mem>>) src(%arg15 : memref<128x16xf32, #tpu.memory_space<vmem>>) dst(%dma_wait3A_479 : memref<10240x16xf32, #tpu.memory_space<vmem_shared>>)
      %add3A_480 = arith.constant 8 : i32
      %add3A_481 = arith.addi %add3A_253, %add3A_480 : i32
      %add3A_482 = arith.constant 5 : i32
      %add3A_483 = arith.addi %add3A_481, %add3A_482 : i32
      %dma_start3A_484 = arith.constant 0 : i32
      %dma_start3A_485 = tpu.memref_slice %arg5[%add3A_483, %dma_start3A_484] : memref<80x128xi32, #tpu.memory_space<vmem>> -> memref<1x128xi32, #tpu.memory_space<vmem>>
      %dma_start3A_486 = tpu.memref_squeeze %dma_start3A_485 : memref<1x128xi32, #tpu.memory_space<vmem>> -> memref<128xi32, #tpu.memory_space<vmem>>
      %dma_start3A_487 = arith.constant 0 : i32
      %dma_start3A_488 = arith.constant 0 : i32
      %dma_start3A_489 = tpu.memref_slice %arg9[%dma_start3A_487, %dma_start3A_488] : memref<10048x16xf32, #tpu.memory_space<vmem_shared>> -> memref<10048x16xf32, #tpu.memory_space<vmem_shared>>
      tpu.enqueue_indirect_dma source(%dma_start3A_489 : memref<10048x16xf32, #tpu.memory_space<vmem_shared>>) target(%arg15 : memref<128x16xf32, #tpu.memory_space<vmem>>) offsets(%dma_start3A_486 : memref<128xi32, #tpu.memory_space<vmem>>) semaphore(%arg23 : memref<!tpu.dma_semaphore, #tpu.memory_space<semaphore_mem>>)
      %add3A_490 = arith.constant 6 : i32
      %add3A_491 = arith.addi %add3A_253, %add3A_490 : i32
      %dma_wait3A_492 = arith.constant 0 : i32
      %dma_wait3A_493 = tpu.memref_slice %arg6[%add3A_491, %dma_wait3A_492] : memref<80x128xi32, #tpu.memory_space<vmem>> -> memref<1x128xi32, #tpu.memory_space<vmem>>
      %dma_wait3A_494 = tpu.memref_squeeze %dma_wait3A_493 : memref<1x128xi32, #tpu.memory_space<vmem>> -> memref<128xi32, #tpu.memory_space<vmem>>
      %dma_wait3A_495 = arith.constant 0 : i32
      %dma_wait3A_496 = arith.constant 0 : i32
      %dma_wait3A_497 = tpu.memref_slice %arg8[%dma_wait3A_495, %dma_wait3A_496] : memref<10240x16xf32, #tpu.memory_space<vmem_shared>> -> memref<10240x16xf32, #tpu.memory_space<vmem_shared>>
      tpu.wait_indirect_dma semaphore(%arg32 : memref<!tpu.dma_semaphore, #tpu.memory_space<semaphore_mem>>) src(%arg16 : memref<128x16xf32, #tpu.memory_space<vmem>>) dst(%dma_wait3A_497 : memref<10240x16xf32, #tpu.memory_space<vmem_shared>>)
      %add3A_498 = arith.constant 8 : i32
      %add3A_499 = arith.addi %add3A_253, %add3A_498 : i32
      %add3A_500 = arith.constant 6 : i32
      %add3A_501 = arith.addi %add3A_499, %add3A_500 : i32
      %dma_start3A_502 = arith.constant 0 : i32
      %dma_start3A_503 = tpu.memref_slice %arg5[%add3A_501, %dma_start3A_502] : memref<80x128xi32, #tpu.memory_space<vmem>> -> memref<1x128xi32, #tpu.memory_space<vmem>>
      %dma_start3A_504 = tpu.memref_squeeze %dma_start3A_503 : memref<1x128xi32, #tpu.memory_space<vmem>> -> memref<128xi32, #tpu.memory_space<vmem>>
      %dma_start3A_505 = arith.constant 0 : i32
      %dma_start3A_506 = arith.constant 0 : i32
      %dma_start3A_507 = tpu.memref_slice %arg9[%dma_start3A_505, %dma_start3A_506] : memref<10048x16xf32, #tpu.memory_space<vmem_shared>> -> memref<10048x16xf32, #tpu.memory_space<vmem_shared>>
      tpu.enqueue_indirect_dma source(%dma_start3A_507 : memref<10048x16xf32, #tpu.memory_space<vmem_shared>>) target(%arg16 : memref<128x16xf32, #tpu.memory_space<vmem>>) offsets(%dma_start3A_504 : memref<128xi32, #tpu.memory_space<vmem>>) semaphore(%arg24 : memref<!tpu.dma_semaphore, #tpu.memory_space<semaphore_mem>>)
      %add3A_508 = arith.constant 7 : i32
      %add3A_509 = arith.addi %add3A_253, %add3A_508 : i32
      %dma_wait3A_510 = arith.constant 0 : i32
      %dma_wait3A_511 = tpu.memref_slice %arg6[%add3A_509, %dma_wait3A_510] : memref<80x128xi32, #tpu.memory_space<vmem>> -> memref<1x128xi32, #tpu.memory_space<vmem>>
      %dma_wait3A_512 = tpu.memref_squeeze %dma_wait3A_511 : memref<1x128xi32, #tpu.memory_space<vmem>> -> memref<128xi32, #tpu.memory_space<vmem>>
      %dma_wait3A_513 = arith.constant 0 : i32
      %dma_wait3A_514 = arith.constant 0 : i32
      %dma_wait3A_515 = tpu.memref_slice %arg8[%dma_wait3A_513, %dma_wait3A_514] : memref<10240x16xf32, #tpu.memory_space<vmem_shared>> -> memref<10240x16xf32, #tpu.memory_space<vmem_shared>>
      tpu.wait_indirect_dma semaphore(%arg33 : memref<!tpu.dma_semaphore, #tpu.memory_space<semaphore_mem>>) src(%arg17 : memref<128x16xf32, #tpu.memory_space<vmem>>) dst(%dma_wait3A_515 : memref<10240x16xf32, #tpu.memory_space<vmem_shared>>)
      %add3A_516 = arith.constant 8 : i32
      %add3A_517 = arith.addi %add3A_253, %add3A_516 : i32
      %add3A_518 = arith.constant 7 : i32
      %add3A_519 = arith.addi %add3A_517, %add3A_518 : i32
      %dma_start3A_520 = arith.constant 0 : i32
      %dma_start3A_521 = tpu.memref_slice %arg5[%add3A_519, %dma_start3A_520] : memref<80x128xi32, #tpu.memory_space<vmem>> -> memref<1x128xi32, #tpu.memory_space<vmem>>
      %dma_start3A_522 = tpu.memref_squeeze %dma_start3A_521 : memref<1x128xi32, #tpu.memory_space<vmem>> -> memref<128xi32, #tpu.memory_space<vmem>>
      %dma_start3A_523 = arith.constant 0 : i32
      %dma_start3A_524 = arith.constant 0 : i32
      %dma_start3A_525 = tpu.memref_slice %arg9[%dma_start3A_523, %dma_start3A_524] : memref<10048x16xf32, #tpu.memory_space<vmem_shared>> -> memref<10048x16xf32, #tpu.memory_space<vmem_shared>>
      tpu.enqueue_indirect_dma source(%dma_start3A_525 : memref<10048x16xf32, #tpu.memory_space<vmem_shared>>) target(%arg17 : memref<128x16xf32, #tpu.memory_space<vmem>>) offsets(%dma_start3A_522 : memref<128xi32, #tpu.memory_space<vmem>>) semaphore(%arg25 : memref<!tpu.dma_semaphore, #tpu.memory_space<semaphore_mem>>)
    }
    %scan3A_76 = arith.constant 9 : i32
    %dma_wait3A = arith.constant 72 : i32
    %dma_wait3A_77 = arith.constant 0 : i32
    %dma_wait3A_78 = tpu.memref_slice %arg5[%dma_wait3A, %dma_wait3A_77] : memref<80x128xi32, #tpu.memory_space<vmem>> -> memref<1x128xi32, #tpu.memory_space<vmem>>
    %dma_wait3A_79 = tpu.memref_squeeze %dma_wait3A_78 : memref<1x128xi32, #tpu.memory_space<vmem>> -> memref<128xi32, #tpu.memory_space<vmem>>
    %dma_wait3A_80 = arith.constant 0 : i32
    %dma_wait3A_81 = arith.constant 0 : i32
    %dma_wait3A_82 = tpu.memref_slice %arg9[%dma_wait3A_80, %dma_wait3A_81] : memref<10048x16xf32, #tpu.memory_space<vmem_shared>> -> memref<10048x16xf32, #tpu.memory_space<vmem_shared>>
    tpu.wait_indirect_dma semaphore(%arg18 : memref<!tpu.dma_semaphore, #tpu.memory_space<semaphore_mem>>) src(%dma_wait3A_82 : memref<10048x16xf32, #tpu.memory_space<vmem_shared>>) dst(%arg10 : memref<128x16xf32, #tpu.memory_space<vmem>>)
    %dma_start3A_83 = arith.constant 72 : i32
    %dma_start3A_84 = arith.constant 0 : i32
    %dma_start3A_85 = tpu.memref_slice %arg6[%dma_start3A_83, %dma_start3A_84] : memref<80x128xi32, #tpu.memory_space<vmem>> -> memref<1x128xi32, #tpu.memory_space<vmem>>
    %dma_start3A_86 = tpu.memref_squeeze %dma_start3A_85 : memref<1x128xi32, #tpu.memory_space<vmem>> -> memref<128xi32, #tpu.memory_space<vmem>>
    %dma_start3A_87 = arith.constant 0 : i32
    %dma_start3A_88 = arith.constant 0 : i32
    %dma_start3A_89 = tpu.memref_slice %arg8[%dma_start3A_87, %dma_start3A_88] : memref<10240x16xf32, #tpu.memory_space<vmem_shared>> -> memref<10240x16xf32, #tpu.memory_space<vmem_shared>>
    tpu.enqueue_indirect_dma source(%arg10 : memref<128x16xf32, #tpu.memory_space<vmem>>) target(%dma_start3A_89 : memref<10240x16xf32, #tpu.memory_space<vmem_shared>>) offsets(%dma_start3A_86 : memref<128xi32, #tpu.memory_space<vmem>>) semaphore(%arg26 : memref<!tpu.dma_semaphore, #tpu.memory_space<semaphore_mem>>) {add = true}
    %dma_wait3A_90 = arith.constant 73 : i32
    %dma_wait3A_91 = arith.constant 0 : i32
    %dma_wait3A_92 = tpu.memref_slice %arg5[%dma_wait3A_90, %dma_wait3A_91] : memref<80x128xi32, #tpu.memory_space<vmem>> -> memref<1x128xi32, #tpu.memory_space<vmem>>
    %dma_wait3A_93 = tpu.memref_squeeze %dma_wait3A_92 : memref<1x128xi32, #tpu.memory_space<vmem>> -> memref<128xi32, #tpu.memory_space<vmem>>
    %dma_wait3A_94 = arith.constant 0 : i32
    %dma_wait3A_95 = arith.constant 0 : i32
    %dma_wait3A_96 = tpu.memref_slice %arg9[%dma_wait3A_94, %dma_wait3A_95] : memref<10048x16xf32, #tpu.memory_space<vmem_shared>> -> memref<10048x16xf32, #tpu.memory_space<vmem_shared>>
    tpu.wait_indirect_dma semaphore(%arg19 : memref<!tpu.dma_semaphore, #tpu.memory_space<semaphore_mem>>) src(%dma_wait3A_96 : memref<10048x16xf32, #tpu.memory_space<vmem_shared>>) dst(%arg11 : memref<128x16xf32, #tpu.memory_space<vmem>>)
    %dma_start3A_97 = arith.constant 73 : i32
    %dma_start3A_98 = arith.constant 0 : i32
    %dma_start3A_99 = tpu.memref_slice %arg6[%dma_start3A_97, %dma_start3A_98] : memref<80x128xi32, #tpu.memory_space<vmem>> -> memref<1x128xi32, #tpu.memory_space<vmem>>
    %dma_start3A_100 = tpu.memref_squeeze %dma_start3A_99 : memref<1x128xi32, #tpu.memory_space<vmem>> -> memref<128xi32, #tpu.memory_space<vmem>>
    %dma_start3A_101 = arith.constant 0 : i32
    %dma_start3A_102 = arith.constant 0 : i32
    %dma_start3A_103 = tpu.memref_slice %arg8[%dma_start3A_101, %dma_start3A_102] : memref<10240x16xf32, #tpu.memory_space<vmem_shared>> -> memref<10240x16xf32, #tpu.memory_space<vmem_shared>>
    tpu.enqueue_indirect_dma source(%arg11 : memref<128x16xf32, #tpu.memory_space<vmem>>) target(%dma_start3A_103 : memref<10240x16xf32, #tpu.memory_space<vmem_shared>>) offsets(%dma_start3A_100 : memref<128xi32, #tpu.memory_space<vmem>>) semaphore(%arg27 : memref<!tpu.dma_semaphore, #tpu.memory_space<semaphore_mem>>) {add = true}
    %dma_wait3A_104 = arith.constant 74 : i32
    %dma_wait3A_105 = arith.constant 0 : i32
    %dma_wait3A_106 = tpu.memref_slice %arg5[%dma_wait3A_104, %dma_wait3A_105] : memref<80x128xi32, #tpu.memory_space<vmem>> -> memref<1x128xi32, #tpu.memory_space<vmem>>
    %dma_wait3A_107 = tpu.memref_squeeze %dma_wait3A_106 : memref<1x128xi32, #tpu.memory_space<vmem>> -> memref<128xi32, #tpu.memory_space<vmem>>
    %dma_wait3A_108 = arith.constant 0 : i32
    %dma_wait3A_109 = arith.constant 0 : i32
    %dma_wait3A_110 = tpu.memref_slice %arg9[%dma_wait3A_108, %dma_wait3A_109] : memref<10048x16xf32, #tpu.memory_space<vmem_shared>> -> memref<10048x16xf32, #tpu.memory_space<vmem_shared>>
    tpu.wait_indirect_dma semaphore(%arg20 : memref<!tpu.dma_semaphore, #tpu.memory_space<semaphore_mem>>) src(%dma_wait3A_110 : memref<10048x16xf32, #tpu.memory_space<vmem_shared>>) dst(%arg12 : memref<128x16xf32, #tpu.memory_space<vmem>>)
    %dma_start3A_111 = arith.constant 74 : i32
    %dma_start3A_112 = arith.constant 0 : i32
    %dma_start3A_113 = tpu.memref_slice %arg6[%dma_start3A_111, %dma_start3A_112] : memref<80x128xi32, #tpu.memory_space<vmem>> -> memref<1x128xi32, #tpu.memory_space<vmem>>
    %dma_start3A_114 = tpu.memref_squeeze %dma_start3A_113 : memref<1x128xi32, #tpu.memory_space<vmem>> -> memref<128xi32, #tpu.memory_space<vmem>>
    %dma_start3A_115 = arith.constant 0 : i32
    %dma_start3A_116 = arith.constant 0 : i32
    %dma_start3A_117 = tpu.memref_slice %arg8[%dma_start3A_115, %dma_start3A_116] : memref<10240x16xf32, #tpu.memory_space<vmem_shared>> -> memref<10240x16xf32, #tpu.memory_space<vmem_shared>>
    tpu.enqueue_indirect_dma source(%arg12 : memref<128x16xf32, #tpu.memory_space<vmem>>) target(%dma_start3A_117 : memref<10240x16xf32, #tpu.memory_space<vmem_shared>>) offsets(%dma_start3A_114 : memref<128xi32, #tpu.memory_space<vmem>>) semaphore(%arg28 : memref<!tpu.dma_semaphore, #tpu.memory_space<semaphore_mem>>) {add = true}
    %dma_wait3A_118 = arith.constant 75 : i32
    %dma_wait3A_119 = arith.constant 0 : i32
    %dma_wait3A_120 = tpu.memref_slice %arg5[%dma_wait3A_118, %dma_wait3A_119] : memref<80x128xi32, #tpu.memory_space<vmem>> -> memref<1x128xi32, #tpu.memory_space<vmem>>
    %dma_wait3A_121 = tpu.memref_squeeze %dma_wait3A_120 : memref<1x128xi32, #tpu.memory_space<vmem>> -> memref<128xi32, #tpu.memory_space<vmem>>
    %dma_wait3A_122 = arith.constant 0 : i32
    %dma_wait3A_123 = arith.constant 0 : i32
    %dma_wait3A_124 = tpu.memref_slice %arg9[%dma_wait3A_122, %dma_wait3A_123] : memref<10048x16xf32, #tpu.memory_space<vmem_shared>> -> memref<10048x16xf32, #tpu.memory_space<vmem_shared>>
    tpu.wait_indirect_dma semaphore(%arg21 : memref<!tpu.dma_semaphore, #tpu.memory_space<semaphore_mem>>) src(%dma_wait3A_124 : memref<10048x16xf32, #tpu.memory_space<vmem_shared>>) dst(%arg13 : memref<128x16xf32, #tpu.memory_space<vmem>>)
    %dma_start3A_125 = arith.constant 75 : i32
    %dma_start3A_126 = arith.constant 0 : i32
    %dma_start3A_127 = tpu.memref_slice %arg6[%dma_start3A_125, %dma_start3A_126] : memref<80x128xi32, #tpu.memory_space<vmem>> -> memref<1x128xi32, #tpu.memory_space<vmem>>
    %dma_start3A_128 = tpu.memref_squeeze %dma_start3A_127 : memref<1x128xi32, #tpu.memory_space<vmem>> -> memref<128xi32, #tpu.memory_space<vmem>>
    %dma_start3A_129 = arith.constant 0 : i32
    %dma_start3A_130 = arith.constant 0 : i32
    %dma_start3A_131 = tpu.memref_slice %arg8[%dma_start3A_129, %dma_start3A_130] : memref<10240x16xf32, #tpu.memory_space<vmem_shared>> -> memref<10240x16xf32, #tpu.memory_space<vmem_shared>>
    tpu.enqueue_indirect_dma source(%arg13 : memref<128x16xf32, #tpu.memory_space<vmem>>) target(%dma_start3A_131 : memref<10240x16xf32, #tpu.memory_space<vmem_shared>>) offsets(%dma_start3A_128 : memref<128xi32, #tpu.memory_space<vmem>>) semaphore(%arg29 : memref<!tpu.dma_semaphore, #tpu.memory_space<semaphore_mem>>) {add = true}
    %dma_wait3A_132 = arith.constant 76 : i32
    %dma_wait3A_133 = arith.constant 0 : i32
    %dma_wait3A_134 = tpu.memref_slice %arg5[%dma_wait3A_132, %dma_wait3A_133] : memref<80x128xi32, #tpu.memory_space<vmem>> -> memref<1x128xi32, #tpu.memory_space<vmem>>
    %dma_wait3A_135 = tpu.memref_squeeze %dma_wait3A_134 : memref<1x128xi32, #tpu.memory_space<vmem>> -> memref<128xi32, #tpu.memory_space<vmem>>
    %dma_wait3A_136 = arith.constant 0 : i32
    %dma_wait3A_137 = arith.constant 0 : i32
    %dma_wait3A_138 = tpu.memref_slice %arg9[%dma_wait3A_136, %dma_wait3A_137] : memref<10048x16xf32, #tpu.memory_space<vmem_shared>> -> memref<10048x16xf32, #tpu.memory_space<vmem_shared>>
    tpu.wait_indirect_dma semaphore(%arg22 : memref<!tpu.dma_semaphore, #tpu.memory_space<semaphore_mem>>) src(%dma_wait3A_138 : memref<10048x16xf32, #tpu.memory_space<vmem_shared>>) dst(%arg14 : memref<128x16xf32, #tpu.memory_space<vmem>>)
    %dma_start3A_139 = arith.constant 76 : i32
    %dma_start3A_140 = arith.constant 0 : i32
    %dma_start3A_141 = tpu.memref_slice %arg6[%dma_start3A_139, %dma_start3A_140] : memref<80x128xi32, #tpu.memory_space<vmem>> -> memref<1x128xi32, #tpu.memory_space<vmem>>
    %dma_start3A_142 = tpu.memref_squeeze %dma_start3A_141 : memref<1x128xi32, #tpu.memory_space<vmem>> -> memref<128xi32, #tpu.memory_space<vmem>>
    %dma_start3A_143 = arith.constant 0 : i32
    %dma_start3A_144 = arith.constant 0 : i32
    %dma_start3A_145 = tpu.memref_slice %arg8[%dma_start3A_143, %dma_start3A_144] : memref<10240x16xf32, #tpu.memory_space<vmem_shared>> -> memref<10240x16xf32, #tpu.memory_space<vmem_shared>>
    tpu.enqueue_indirect_dma source(%arg14 : memref<128x16xf32, #tpu.memory_space<vmem>>) target(%dma_start3A_145 : memref<10240x16xf32, #tpu.memory_space<vmem_shared>>) offsets(%dma_start3A_142 : memref<128xi32, #tpu.memory_space<vmem>>) semaphore(%arg30 : memref<!tpu.dma_semaphore, #tpu.memory_space<semaphore_mem>>) {add = true}
    %dma_wait3A_146 = arith.constant 77 : i32
    %dma_wait3A_147 = arith.constant 0 : i32
    %dma_wait3A_148 = tpu.memref_slice %arg5[%dma_wait3A_146, %dma_wait3A_147] : memref<80x128xi32, #tpu.memory_space<vmem>> -> memref<1x128xi32, #tpu.memory_space<vmem>>
    %dma_wait3A_149 = tpu.memref_squeeze %dma_wait3A_148 : memref<1x128xi32, #tpu.memory_space<vmem>> -> memref<128xi32, #tpu.memory_space<vmem>>
    %dma_wait3A_150 = arith.constant 0 : i32
    %dma_wait3A_151 = arith.constant 0 : i32
    %dma_wait3A_152 = tpu.memref_slice %arg9[%dma_wait3A_150, %dma_wait3A_151] : memref<10048x16xf32, #tpu.memory_space<vmem_shared>> -> memref<10048x16xf32, #tpu.memory_space<vmem_shared>>
    tpu.wait_indirect_dma semaphore(%arg23 : memref<!tpu.dma_semaphore, #tpu.memory_space<semaphore_mem>>) src(%dma_wait3A_152 : memref<10048x16xf32, #tpu.memory_space<vmem_shared>>) dst(%arg15 : memref<128x16xf32, #tpu.memory_space<vmem>>)
    %dma_start3A_153 = arith.constant 77 : i32
    %dma_start3A_154 = arith.constant 0 : i32
    %dma_start3A_155 = tpu.memref_slice %arg6[%dma_start3A_153, %dma_start3A_154] : memref<80x128xi32, #tpu.memory_space<vmem>> -> memref<1x128xi32, #tpu.memory_space<vmem>>
    %dma_start3A_156 = tpu.memref_squeeze %dma_start3A_155 : memref<1x128xi32, #tpu.memory_space<vmem>> -> memref<128xi32, #tpu.memory_space<vmem>>
    %dma_start3A_157 = arith.constant 0 : i32
    %dma_start3A_158 = arith.constant 0 : i32
    %dma_start3A_159 = tpu.memref_slice %arg8[%dma_start3A_157, %dma_start3A_158] : memref<10240x16xf32, #tpu.memory_space<vmem_shared>> -> memref<10240x16xf32, #tpu.memory_space<vmem_shared>>
    tpu.enqueue_indirect_dma source(%arg15 : memref<128x16xf32, #tpu.memory_space<vmem>>) target(%dma_start3A_159 : memref<10240x16xf32, #tpu.memory_space<vmem_shared>>) offsets(%dma_start3A_156 : memref<128xi32, #tpu.memory_space<vmem>>) semaphore(%arg31 : memref<!tpu.dma_semaphore, #tpu.memory_space<semaphore_mem>>) {add = true}
    %dma_wait3A_160 = arith.constant 78 : i32
    %dma_wait3A_161 = arith.constant 0 : i32
    %dma_wait3A_162 = tpu.memref_slice %arg5[%dma_wait3A_160, %dma_wait3A_161] : memref<80x128xi32, #tpu.memory_space<vmem>> -> memref<1x128xi32, #tpu.memory_space<vmem>>
    %dma_wait3A_163 = tpu.memref_squeeze %dma_wait3A_162 : memref<1x128xi32, #tpu.memory_space<vmem>> -> memref<128xi32, #tpu.memory_space<vmem>>
    %dma_wait3A_164 = arith.constant 0 : i32
    %dma_wait3A_165 = arith.constant 0 : i32
    %dma_wait3A_166 = tpu.memref_slice %arg9[%dma_wait3A_164, %dma_wait3A_165] : memref<10048x16xf32, #tpu.memory_space<vmem_shared>> -> memref<10048x16xf32, #tpu.memory_space<vmem_shared>>
    tpu.wait_indirect_dma semaphore(%arg24 : memref<!tpu.dma_semaphore, #tpu.memory_space<semaphore_mem>>) src(%dma_wait3A_166 : memref<10048x16xf32, #tpu.memory_space<vmem_shared>>) dst(%arg16 : memref<128x16xf32, #tpu.memory_space<vmem>>)
    %dma_start3A_167 = arith.constant 78 : i32
    %dma_start3A_168 = arith.constant 0 : i32
    %dma_start3A_169 = tpu.memref_slice %arg6[%dma_start3A_167, %dma_start3A_168] : memref<80x128xi32, #tpu.memory_space<vmem>> -> memref<1x128xi32, #tpu.memory_space<vmem>>
    %dma_start3A_170 = tpu.memref_squeeze %dma_start3A_169 : memref<1x128xi32, #tpu.memory_space<vmem>> -> memref<128xi32, #tpu.memory_space<vmem>>
    %dma_start3A_171 = arith.constant 0 : i32
    %dma_start3A_172 = arith.constant 0 : i32
    %dma_start3A_173 = tpu.memref_slice %arg8[%dma_start3A_171, %dma_start3A_172] : memref<10240x16xf32, #tpu.memory_space<vmem_shared>> -> memref<10240x16xf32, #tpu.memory_space<vmem_shared>>
    tpu.enqueue_indirect_dma source(%arg16 : memref<128x16xf32, #tpu.memory_space<vmem>>) target(%dma_start3A_173 : memref<10240x16xf32, #tpu.memory_space<vmem_shared>>) offsets(%dma_start3A_170 : memref<128xi32, #tpu.memory_space<vmem>>) semaphore(%arg32 : memref<!tpu.dma_semaphore, #tpu.memory_space<semaphore_mem>>) {add = true}
    %dma_wait3A_174 = arith.constant 79 : i32
    %dma_wait3A_175 = arith.constant 0 : i32
    %dma_wait3A_176 = tpu.memref_slice %arg5[%dma_wait3A_174, %dma_wait3A_175] : memref<80x128xi32, #tpu.memory_space<vmem>> -> memref<1x128xi32, #tpu.memory_space<vmem>>
    %dma_wait3A_177 = tpu.memref_squeeze %dma_wait3A_176 : memref<1x128xi32, #tpu.memory_space<vmem>> -> memref<128xi32, #tpu.memory_space<vmem>>
    %dma_wait3A_178 = arith.constant 0 : i32
    %dma_wait3A_179 = arith.constant 0 : i32
    %dma_wait3A_180 = tpu.memref_slice %arg9[%dma_wait3A_178, %dma_wait3A_179] : memref<10048x16xf32, #tpu.memory_space<vmem_shared>> -> memref<10048x16xf32, #tpu.memory_space<vmem_shared>>
    tpu.wait_indirect_dma semaphore(%arg25 : memref<!tpu.dma_semaphore, #tpu.memory_space<semaphore_mem>>) src(%dma_wait3A_180 : memref<10048x16xf32, #tpu.memory_space<vmem_shared>>) dst(%arg17 : memref<128x16xf32, #tpu.memory_space<vmem>>)
    %dma_start3A_181 = arith.constant 79 : i32
    %dma_start3A_182 = arith.constant 0 : i32
    %dma_start3A_183 = tpu.memref_slice %arg6[%dma_start3A_181, %dma_start3A_182] : memref<80x128xi32, #tpu.memory_space<vmem>> -> memref<1x128xi32, #tpu.memory_space<vmem>>
    %dma_start3A_184 = tpu.memref_squeeze %dma_start3A_183 : memref<1x128xi32, #tpu.memory_space<vmem>> -> memref<128xi32, #tpu.memory_space<vmem>>
    %dma_start3A_185 = arith.constant 0 : i32
    %dma_start3A_186 = arith.constant 0 : i32
    %dma_start3A_187 = tpu.memref_slice %arg8[%dma_start3A_185, %dma_start3A_186] : memref<10240x16xf32, #tpu.memory_space<vmem_shared>> -> memref<10240x16xf32, #tpu.memory_space<vmem_shared>>
    tpu.enqueue_indirect_dma source(%arg17 : memref<128x16xf32, #tpu.memory_space<vmem>>) target(%dma_start3A_187 : memref<10240x16xf32, #tpu.memory_space<vmem_shared>>) offsets(%dma_start3A_184 : memref<128xi32, #tpu.memory_space<vmem>>) semaphore(%arg33 : memref<!tpu.dma_semaphore, #tpu.memory_space<semaphore_mem>>) {add = true}
    %dma_wait3A_188 = arith.constant 0 : i32
    %dma_wait3A_189 = arith.constant 0 : i32
    %dma_wait3A_190 = tpu.memref_slice %arg6[%dma_wait3A_188, %dma_wait3A_189] : memref<80x128xi32, #tpu.memory_space<vmem>> -> memref<1x128xi32, #tpu.memory_space<vmem>>
    %dma_wait3A_191 = tpu.memref_squeeze %dma_wait3A_190 : memref<1x128xi32, #tpu.memory_space<vmem>> -> memref<128xi32, #tpu.memory_space<vmem>>
    %dma_wait3A_192 = arith.constant 0 : i32
    %dma_wait3A_193 = arith.constant 0 : i32
    %dma_wait3A_194 = tpu.memref_slice %arg8[%dma_wait3A_192, %dma_wait3A_193] : memref<10240x16xf32, #tpu.memory_space<vmem_shared>> -> memref<10240x16xf32, #tpu.memory_space<vmem_shared>>
    tpu.wait_indirect_dma semaphore(%arg26 : memref<!tpu.dma_semaphore, #tpu.memory_space<semaphore_mem>>) src(%arg10 : memref<128x16xf32, #tpu.memory_space<vmem>>) dst(%dma_wait3A_194 : memref<10240x16xf32, #tpu.memory_space<vmem_shared>>)
    %dma_wait3A_195 = arith.constant 0 : i32
    %dma_wait3A_196 = arith.constant 0 : i32
    %dma_wait3A_197 = tpu.memref_slice %arg6[%dma_wait3A_195, %dma_wait3A_196] : memref<80x128xi32, #tpu.memory_space<vmem>> -> memref<1x128xi32, #tpu.memory_space<vmem>>
    %dma_wait3A_198 = tpu.memref_squeeze %dma_wait3A_197 : memref<1x128xi32, #tpu.memory_space<vmem>> -> memref<128xi32, #tpu.memory_space<vmem>>
    %dma_wait3A_199 = arith.constant 0 : i32
    %dma_wait3A_200 = arith.constant 0 : i32
    %dma_wait3A_201 = tpu.memref_slice %arg8[%dma_wait3A_199, %dma_wait3A_200] : memref<10240x16xf32, #tpu.memory_space<vmem_shared>> -> memref<10240x16xf32, #tpu.memory_space<vmem_shared>>
    tpu.wait_indirect_dma semaphore(%arg27 : memref<!tpu.dma_semaphore, #tpu.memory_space<semaphore_mem>>) src(%arg11 : memref<128x16xf32, #tpu.memory_space<vmem>>) dst(%dma_wait3A_201 : memref<10240x16xf32, #tpu.memory_space<vmem_shared>>)
    %dma_wait3A_202 = arith.constant 0 : i32
    %dma_wait3A_203 = arith.constant 0 : i32
    %dma_wait3A_204 = tpu.memref_slice %arg6[%dma_wait3A_202, %dma_wait3A_203] : memref<80x128xi32, #tpu.memory_space<vmem>> -> memref<1x128xi32, #tpu.memory_space<vmem>>
    %dma_wait3A_205 = tpu.memref_squeeze %dma_wait3A_204 : memref<1x128xi32, #tpu.memory_space<vmem>> -> memref<128xi32, #tpu.memory_space<vmem>>
    %dma_wait3A_206 = arith.constant 0 : i32
    %dma_wait3A_207 = arith.constant 0 : i32
    %dma_wait3A_208 = tpu.memref_slice %arg8[%dma_wait3A_206, %dma_wait3A_207] : memref<10240x16xf32, #tpu.memory_space<vmem_shared>> -> memref<10240x16xf32, #tpu.memory_space<vmem_shared>>
    tpu.wait_indirect_dma semaphore(%arg28 : memref<!tpu.dma_semaphore, #tpu.memory_space<semaphore_mem>>) src(%arg12 : memref<128x16xf32, #tpu.memory_space<vmem>>) dst(%dma_wait3A_208 : memref<10240x16xf32, #tpu.memory_space<vmem_shared>>)
    %dma_wait3A_209 = arith.constant 0 : i32
    %dma_wait3A_210 = arith.constant 0 : i32
    %dma_wait3A_211 = tpu.memref_slice %arg6[%dma_wait3A_209, %dma_wait3A_210] : memref<80x128xi32, #tpu.memory_space<vmem>> -> memref<1x128xi32, #tpu.memory_space<vmem>>
    %dma_wait3A_212 = tpu.memref_squeeze %dma_wait3A_211 : memref<1x128xi32, #tpu.memory_space<vmem>> -> memref<128xi32, #tpu.memory_space<vmem>>
    %dma_wait3A_213 = arith.constant 0 : i32
    %dma_wait3A_214 = arith.constant 0 : i32
    %dma_wait3A_215 = tpu.memref_slice %arg8[%dma_wait3A_213, %dma_wait3A_214] : memref<10240x16xf32, #tpu.memory_space<vmem_shared>> -> memref<10240x16xf32, #tpu.memory_space<vmem_shared>>
    tpu.wait_indirect_dma semaphore(%arg29 : memref<!tpu.dma_semaphore, #tpu.memory_space<semaphore_mem>>) src(%arg13 : memref<128x16xf32, #tpu.memory_space<vmem>>) dst(%dma_wait3A_215 : memref<10240x16xf32, #tpu.memory_space<vmem_shared>>)
    %dma_wait3A_216 = arith.constant 0 : i32
    %dma_wait3A_217 = arith.constant 0 : i32
    %dma_wait3A_218 = tpu.memref_slice %arg6[%dma_wait3A_216, %dma_wait3A_217] : memref<80x128xi32, #tpu.memory_space<vmem>> -> memref<1x128xi32, #tpu.memory_space<vmem>>
    %dma_wait3A_219 = tpu.memref_squeeze %dma_wait3A_218 : memref<1x128xi32, #tpu.memory_space<vmem>> -> memref<128xi32, #tpu.memory_space<vmem>>
    %dma_wait3A_220 = arith.constant 0 : i32
    %dma_wait3A_221 = arith.constant 0 : i32
    %dma_wait3A_222 = tpu.memref_slice %arg8[%dma_wait3A_220, %dma_wait3A_221] : memref<10240x16xf32, #tpu.memory_space<vmem_shared>> -> memref<10240x16xf32, #tpu.memory_space<vmem_shared>>
    tpu.wait_indirect_dma semaphore(%arg30 : memref<!tpu.dma_semaphore, #tpu.memory_space<semaphore_mem>>) src(%arg14 : memref<128x16xf32, #tpu.memory_space<vmem>>) dst(%dma_wait3A_222 : memref<10240x16xf32, #tpu.memory_space<vmem_shared>>)
    %dma_wait3A_223 = arith.constant 0 : i32
    %dma_wait3A_224 = arith.constant 0 : i32
    %dma_wait3A_225 = tpu.memref_slice %arg6[%dma_wait3A_223, %dma_wait3A_224] : memref<80x128xi32, #tpu.memory_space<vmem>> -> memref<1x128xi32, #tpu.memory_space<vmem>>
    %dma_wait3A_226 = tpu.memref_squeeze %dma_wait3A_225 : memref<1x128xi32, #tpu.memory_space<vmem>> -> memref<128xi32, #tpu.memory_space<vmem>>
    %dma_wait3A_227 = arith.constant 0 : i32
    %dma_wait3A_228 = arith.constant 0 : i32
    %dma_wait3A_229 = tpu.memref_slice %arg8[%dma_wait3A_227, %dma_wait3A_228] : memref<10240x16xf32, #tpu.memory_space<vmem_shared>> -> memref<10240x16xf32, #tpu.memory_space<vmem_shared>>
    tpu.wait_indirect_dma semaphore(%arg31 : memref<!tpu.dma_semaphore, #tpu.memory_space<semaphore_mem>>) src(%arg15 : memref<128x16xf32, #tpu.memory_space<vmem>>) dst(%dma_wait3A_229 : memref<10240x16xf32, #tpu.memory_space<vmem_shared>>)
    %dma_wait3A_230 = arith.constant 0 : i32
    %dma_wait3A_231 = arith.constant 0 : i32
    %dma_wait3A_232 = tpu.memref_slice %arg6[%dma_wait3A_230, %dma_wait3A_231] : memref<80x128xi32, #tpu.memory_space<vmem>> -> memref<1x128xi32, #tpu.memory_space<vmem>>
    %dma_wait3A_233 = tpu.memref_squeeze %dma_wait3A_232 : memref<1x128xi32, #tpu.memory_space<vmem>> -> memref<128xi32, #tpu.memory_space<vmem>>
    %dma_wait3A_234 = arith.constant 0 : i32
    %dma_wait3A_235 = arith.constant 0 : i32
    %dma_wait3A_236 = tpu.memref_slice %arg8[%dma_wait3A_234, %dma_wait3A_235] : memref<10240x16xf32, #tpu.memory_space<vmem_shared>> -> memref<10240x16xf32, #tpu.memory_space<vmem_shared>>
    tpu.wait_indirect_dma semaphore(%arg32 : memref<!tpu.dma_semaphore, #tpu.memory_space<semaphore_mem>>) src(%arg16 : memref<128x16xf32, #tpu.memory_space<vmem>>) dst(%dma_wait3A_236 : memref<10240x16xf32, #tpu.memory_space<vmem_shared>>)
    %dma_wait3A_237 = arith.constant 0 : i32
    %dma_wait3A_238 = arith.constant 0 : i32
    %dma_wait3A_239 = tpu.memref_slice %arg6[%dma_wait3A_237, %dma_wait3A_238] : memref<80x128xi32, #tpu.memory_space<vmem>> -> memref<1x128xi32, #tpu.memory_space<vmem>>
    %dma_wait3A_240 = tpu.memref_squeeze %dma_wait3A_239 : memref<1x128xi32, #tpu.memory_space<vmem>> -> memref<128xi32, #tpu.memory_space<vmem>>
    %dma_wait3A_241 = arith.constant 0 : i32
    %dma_wait3A_242 = arith.constant 0 : i32
    %dma_wait3A_243 = tpu.memref_slice %arg8[%dma_wait3A_241, %dma_wait3A_242] : memref<10240x16xf32, #tpu.memory_space<vmem_shared>> -> memref<10240x16xf32, #tpu.memory_space<vmem_shared>>
    tpu.wait_indirect_dma semaphore(%arg33 : memref<!tpu.dma_semaphore, #tpu.memory_space<semaphore_mem>>) src(%arg17 : memref<128x16xf32, #tpu.memory_space<vmem>>) dst(%dma_wait3A_243 : memref<10240x16xf32, #tpu.memory_space<vmem_shared>>)
    %barrier3A_244 = arith.constant 0 : index
    tpu.barrier barrier_id(%barrier3A_244)
    %mul3A_245 = arith.constant 640 : i32
    %mul3A_246 = arith.muli %arg1, %mul3A_245 : i32
    %mul3A_247 = arith.constant 640 : i32
    %mul3A_248 = arith.muli %arg1, %mul3A_247 : i32
    "tpu.region"() ({
      %run_scoped3A_249 = tpu.sem_alloc : memref<!tpu.dma_semaphore, #tpu.memory_space<semaphore_mem>>
      %dma_start3A_250 = arith.constant 0 : i32
      %dma_start3A_251 = tpu.memref_slice %arg4[%arg0, %mul3A_248, %dma_start3A_250] : memref<2x10240x16xf32, #tpu.memory_space<hbm>> -> memref<1x640x16xf32, #tpu.memory_space<hbm>>
      %dma_start3A_252 = tpu.memref_squeeze %dma_start3A_251 : memref<1x640x16xf32, #tpu.memory_space<hbm>> -> memref<640x16xf32, #tpu.memory_space<hbm>>
      %dma_start3A_253 = arith.constant 0 : i32
      %dma_start3A_254 = tpu.memref_slice %arg8[%mul3A_246, %dma_start3A_253] : memref<10240x16xf32, #tpu.memory_space<vmem_shared>> -> memref<640x16xf32, #tpu.memory_space<vmem_shared>>
      tpu.enqueue_dma source(%dma_start3A_254 : memref<640x16xf32, #tpu.memory_space<vmem_shared>>) target(%dma_start3A_252 : memref<640x16xf32, #tpu.memory_space<hbm>>) target_semaphore(%run_scoped3A_249 : memref<!tpu.dma_semaphore, #tpu.memory_space<semaphore_mem>>)
      %dma_wait3A_255 = arith.constant 0 : i32
      %dma_wait3A_256 = tpu.memref_slice %arg4[%arg0, %mul3A_248, %dma_wait3A_255] : memref<2x10240x16xf32, #tpu.memory_space<hbm>> -> memref<1x640x16xf32, #tpu.memory_space<hbm>>
      %dma_wait3A_257 = tpu.memref_squeeze %dma_wait3A_256 : memref<1x640x16xf32, #tpu.memory_space<hbm>> -> memref<640x16xf32, #tpu.memory_space<hbm>>
      %dma_wait3A_258 = arith.constant 0 : i32
      %dma_wait3A_259 = tpu.memref_slice %arg8[%mul3A_246, %dma_wait3A_258] : memref<10240x16xf32, #tpu.memory_space<vmem_shared>> -> memref<640x16xf32, #tpu.memory_space<vmem_shared>>
      tpu.wait_dma2 semaphore(%run_scoped3A_249 : memref<!tpu.dma_semaphore, #tpu.memory_space<semaphore_mem>>) src(%dma_wait3A_259 : memref<640x16xf32, #tpu.memory_space<vmem_shared>>) dst(%dma_wait3A_257 : memref<640x16xf32, #tpu.memory_space<hbm>>)
      tpu.yield
    }) : () -> ()
    return
  }
}

#map = affine_map<(d0, d1) -> (0, 0, 0)>
module attributes {stable_mosaic.version = 14 : i64} {
  func.func @_sc_degree(%arg0: i32, %arg1: i32, %arg2: memref<2x2560x128xi32, #tpu.memory_space<hbm>>, %arg3: memref<2x10240x16xf32, #tpu.memory_space<hbm>>, %arg4: memref<80x128xi32, #tpu.memory_space<vmem>>, %arg5: memref<128x16xf32, #tpu.memory_space<vmem>>, %arg6: memref<640x16xf32, #tpu.memory_space<vmem>>, %arg7: memref<10240x16xf32, #tpu.memory_space<vmem_shared>>, %arg8: memref<!tpu.dma_semaphore, #tpu.memory_space<semaphore_mem>>, %arg9: memref<!tpu.dma_semaphore, #tpu.memory_space<semaphore_mem>>, %arg10: memref<!tpu.dma_semaphore, #tpu.memory_space<semaphore_mem>>, %arg11: memref<!tpu.dma_semaphore, #tpu.memory_space<semaphore_mem>>, %arg12: memref<!tpu.dma_semaphore, #tpu.memory_space<semaphore_mem>>, %arg13: memref<!tpu.dma_semaphore, #tpu.memory_space<semaphore_mem>>, %arg14: memref<!tpu.dma_semaphore, #tpu.memory_space<semaphore_mem>>, %arg15: memref<!tpu.dma_semaphore, #tpu.memory_space<semaphore_mem>>) attributes {dimension_semantics = [#tpu.dimension_semantics<core_parallel>, #tpu.dimension_semantics<subcore_parallel>], iteration_bounds = array<i64: 2, 16>, scalar_prefetch = 0 : i64, scratch_operands = 12 : i64, tpu.core_type = #tpu.core_type<sc_vector_subcore>, window_params = [{transform_indices = #map}, {transform_indices = #map}]} {
    %mul3A = arith.constant 16 : i32
    %mul3A_0 = arith.muli %arg0, %mul3A : i32
    %add3A = arith.addi %mul3A_0, %arg1 : i32
    %broadcast_in_dim3A = arith.constant 0.000000e+00 : f32
    %broadcast_in_dim3A_1 = vector.broadcast %broadcast_in_dim3A : f32 to vector<16xf32>
    %broadcast_in_dim3A_2 = arith.constant 1.000000e+00 : f32
    %broadcast_in_dim3A_3 = vector.broadcast %broadcast_in_dim3A_2 : f32 to vector<16xf32>
    %scan3A = arith.constant 0 : i32
    %scan3A_4 = arith.constant 640 : i32
    %scan3A_5 = arith.addi %scan3A, %scan3A_4 : i32
    %scan3A_6 = arith.constant 1 : i32
    scf.for %scan3A_137 = %scan3A to %scan3A_5 step %scan3A_6  : i32 {
      %mul3A_138 = arith.constant 1 : i32
      %mul3A_139 = arith.muli %scan3A_137, %mul3A_138 : i32
      %add3A_140 = arith.constant 0 : i32
      %add3A_141 = arith.addi %add3A_140, %mul3A_139 : i32
      %swap3A = arith.index_cast %add3A_141 : i32 to index
      %swap3A_142 = arith.constant 0 : index
      %swap3A_143 = tpu.vector_load %arg6[%swap3A, %swap3A_142] {strides = array<i32>} : memref<640x16xf32, #tpu.memory_space<vmem>>, vector<1x16xf32>,
      %swap3A_144 = vector.shape_cast %swap3A_143 : vector<1x16xf32> to vector<16xf32>
      %swap3A_145 = vector.shape_cast %broadcast_in_dim3A_1 : vector<16xf32> to vector<1x16xf32>
      tpu.vector_store %arg6[%swap3A, %swap3A_142], %swap3A_145 {strides = array<i32>} : memref<640x16xf32, #tpu.memory_space<vmem>>, vector<1x16xf32>,
    }
    %scan3A_7 = arith.constant 640 : i32
    %scan3A_8 = arith.constant 0 : i32
    %scan3A_9 = arith.constant 128 : i32
    %scan3A_10 = arith.addi %scan3A_8, %scan3A_9 : i32
    %scan3A_11 = arith.constant 1 : i32
    scf.for %scan3A_137 = %scan3A_8 to %scan3A_10 step %scan3A_11  : i32 {
      %mul3A_138 = arith.constant 1 : i32
      %mul3A_139 = arith.muli %scan3A_137, %mul3A_138 : i32
      %add3A_140 = arith.constant 0 : i32
      %add3A_141 = arith.addi %add3A_140, %mul3A_139 : i32
      %swap3A = arith.index_cast %add3A_141 : i32 to index
      %swap3A_142 = arith.constant 0 : index
      %swap3A_143 = tpu.vector_load %arg5[%swap3A, %swap3A_142] {strides = array<i32>} : memref<128x16xf32, #tpu.memory_space<vmem>>, vector<1x16xf32>,
      %swap3A_144 = vector.shape_cast %swap3A_143 : vector<1x16xf32> to vector<16xf32>
      %swap3A_145 = vector.shape_cast %broadcast_in_dim3A_3 : vector<16xf32> to vector<1x16xf32>
      tpu.vector_store %arg5[%swap3A, %swap3A_142], %swap3A_145 {strides = array<i32>} : memref<128x16xf32, #tpu.memory_space<vmem>>, vector<1x16xf32>,
    }
    %scan3A_12 = arith.constant 128 : i32
    %mul3A_13 = arith.constant 640 : i32
    %mul3A_14 = arith.muli %arg1, %mul3A_13 : i32
    "tpu.region"() ({
      %run_scoped3A_137 = tpu.sem_alloc : memref<!tpu.dma_semaphore, #tpu.memory_space<semaphore_mem>>
      %dma_start3A_138 = arith.constant 0 : i32
      %dma_start3A_139 = tpu.memref_slice %arg7[%mul3A_14, %dma_start3A_138] : memref<10240x16xf32, #tpu.memory_space<vmem_shared>> -> memref<640x16xf32, #tpu.memory_space<vmem_shared>>
      %dma_start3A_140 = arith.constant 0 : i32
      %dma_start3A_141 = tpu.memref_slice %arg7[%mul3A_14, %dma_start3A_140] : memref<10240x16xf32, #tpu.memory_space<vmem_shared>> -> memref<640x16xf32, #tpu.memory_space<vmem_shared>>
      tpu.enqueue_dma source(%arg6 : memref<640x16xf32, #tpu.memory_space<vmem>>) target(%dma_start3A_141 : memref<640x16xf32, #tpu.memory_space<vmem_shared>>) target_semaphore(%run_scoped3A_137 : memref<!tpu.dma_semaphore, #tpu.memory_space<semaphore_mem>>)
      %dma_wait3A_142 = arith.constant 0 : i32
      %dma_wait3A_143 = tpu.memref_slice %arg7[%mul3A_14, %dma_wait3A_142] : memref<10240x16xf32, #tpu.memory_space<vmem_shared>> -> memref<640x16xf32, #tpu.memory_space<vmem_shared>>
      %dma_wait3A_144 = arith.constant 0 : i32
      %dma_wait3A_145 = tpu.memref_slice %arg7[%mul3A_14, %dma_wait3A_144] : memref<10240x16xf32, #tpu.memory_space<vmem_shared>> -> memref<640x16xf32, #tpu.memory_space<vmem_shared>>
      tpu.wait_dma2 semaphore(%run_scoped3A_137 : memref<!tpu.dma_semaphore, #tpu.memory_space<semaphore_mem>>) src(%arg6 : memref<640x16xf32, #tpu.memory_space<vmem>>) dst(%dma_wait3A_145 : memref<640x16xf32, #tpu.memory_space<vmem_shared>>)
      tpu.yield
    }) : () -> ()
    %mul3A_15 = arith.constant 80 : i32
    %mul3A_16 = arith.muli %add3A, %mul3A_15 : i32
    %run_scoped3A = arith.constant 1 : i32
    "tpu.region"() ({
      %run_scoped3A_137 = tpu.sem_alloc : memref<!tpu.dma_semaphore, #tpu.memory_space<semaphore_mem>>
      %dma_start3A_138 = arith.constant 0 : i32
      %dma_start3A_139 = tpu.memref_slice %arg2[%run_scoped3A, %mul3A_16, %dma_start3A_138] : memref<2x2560x128xi32, #tpu.memory_space<hbm>> -> memref<1x80x128xi32, #tpu.memory_space<hbm>>
      %dma_start3A_140 = tpu.memref_squeeze %dma_start3A_139 : memref<1x80x128xi32, #tpu.memory_space<hbm>> -> memref<80x128xi32, #tpu.memory_space<hbm>>
      %dma_start3A_141 = arith.constant 0 : i32
      %dma_start3A_142 = tpu.memref_slice %arg2[%run_scoped3A, %mul3A_16, %dma_start3A_141] : memref<2x2560x128xi32, #tpu.memory_space<hbm>> -> memref<1x80x128xi32, #tpu.memory_space<hbm>>
      %dma_start3A_143 = tpu.memref_squeeze %dma_start3A_142 : memref<1x80x128xi32, #tpu.memory_space<hbm>> -> memref<80x128xi32, #tpu.memory_space<hbm>>
      tpu.enqueue_dma source(%dma_start3A_143 : memref<80x128xi32, #tpu.memory_space<hbm>>) target(%arg4 : memref<80x128xi32, #tpu.memory_space<vmem>>) target_semaphore(%run_scoped3A_137 : memref<!tpu.dma_semaphore, #tpu.memory_space<semaphore_mem>>)
      %dma_wait3A_144 = arith.constant 0 : i32
      %dma_wait3A_145 = tpu.memref_slice %arg2[%run_scoped3A, %mul3A_16, %dma_wait3A_144] : memref<2x2560x128xi32, #tpu.memory_space<hbm>> -> memref<1x80x128xi32, #tpu.memory_space<hbm>>
      %dma_wait3A_146 = tpu.memref_squeeze %dma_wait3A_145 : memref<1x80x128xi32, #tpu.memory_space<hbm>> -> memref<80x128xi32, #tpu.memory_space<hbm>>
      %dma_wait3A_147 = arith.constant 0 : i32
      %dma_wait3A_148 = tpu.memref_slice %arg2[%run_scoped3A, %mul3A_16, %dma_wait3A_147] : memref<2x2560x128xi32, #tpu.memory_space<hbm>> -> memref<1x80x128xi32, #tpu.memory_space<hbm>>
      %dma_wait3A_149 = tpu.memref_squeeze %dma_wait3A_148 : memref<1x80x128xi32, #tpu.memory_space<hbm>> -> memref<80x128xi32, #tpu.memory_space<hbm>>
      tpu.wait_dma2 semaphore(%run_scoped3A_137 : memref<!tpu.dma_semaphore, #tpu.memory_space<semaphore_mem>>) src(%dma_wait3A_149 : memref<80x128xi32, #tpu.memory_space<hbm>>) dst(%arg4 : memref<80x128xi32, #tpu.memory_space<vmem>>)
      tpu.yield
    }) : () -> ()
    %barrier3A = arith.constant 0 : index
    tpu.barrier barrier_id(%barrier3A)
    %dma_start3A = arith.constant 0 : i32
    %dma_start3A_17 = arith.constant 0 : i32
    %dma_start3A_18 = tpu.memref_slice %arg4[%dma_start3A, %dma_start3A_17] : memref<80x128xi32, #tpu.memory_space<vmem>> -> memref<1x128xi32, #tpu.memory_space<vmem>>
    %dma_start3A_19 = tpu.memref_squeeze %dma_start3A_18 : memref<1x128xi32, #tpu.memory_space<vmem>> -> memref<128xi32, #tpu.memory_space<vmem>>
    %dma_start3A_20 = arith.constant 0 : i32
    %dma_start3A_21 = arith.constant 0 : i32
    %dma_start3A_22 = tpu.memref_slice %arg7[%dma_start3A_20, %dma_start3A_21] : memref<10240x16xf32, #tpu.memory_space<vmem_shared>> -> memref<10240x16xf32, #tpu.memory_space<vmem_shared>>
    tpu.enqueue_indirect_dma source(%arg5 : memref<128x16xf32, #tpu.memory_space<vmem>>) target(%dma_start3A_22 : memref<10240x16xf32, #tpu.memory_space<vmem_shared>>) offsets(%dma_start3A_19 : memref<128xi32, #tpu.memory_space<vmem>>) semaphore(%arg8 : memref<!tpu.dma_semaphore, #tpu.memory_space<semaphore_mem>>) {add = true}
    %dma_start3A_23 = arith.constant 1 : i32
    %dma_start3A_24 = arith.constant 0 : i32
    %dma_start3A_25 = tpu.memref_slice %arg4[%dma_start3A_23, %dma_start3A_24] : memref<80x128xi32, #tpu.memory_space<vmem>> -> memref<1x128xi32, #tpu.memory_space<vmem>>
    %dma_start3A_26 = tpu.memref_squeeze %dma_start3A_25 : memref<1x128xi32, #tpu.memory_space<vmem>> -> memref<128xi32, #tpu.memory_space<vmem>>
    %dma_start3A_27 = arith.constant 0 : i32
    %dma_start3A_28 = arith.constant 0 : i32
    %dma_start3A_29 = tpu.memref_slice %arg7[%dma_start3A_27, %dma_start3A_28] : memref<10240x16xf32, #tpu.memory_space<vmem_shared>> -> memref<10240x16xf32, #tpu.memory_space<vmem_shared>>
    tpu.enqueue_indirect_dma source(%arg5 : memref<128x16xf32, #tpu.memory_space<vmem>>) target(%dma_start3A_29 : memref<10240x16xf32, #tpu.memory_space<vmem_shared>>) offsets(%dma_start3A_26 : memref<128xi32, #tpu.memory_space<vmem>>) semaphore(%arg9 : memref<!tpu.dma_semaphore, #tpu.memory_space<semaphore_mem>>) {add = true}
    %dma_start3A_30 = arith.constant 2 : i32
    %dma_start3A_31 = arith.constant 0 : i32
    %dma_start3A_32 = tpu.memref_slice %arg4[%dma_start3A_30, %dma_start3A_31] : memref<80x128xi32, #tpu.memory_space<vmem>> -> memref<1x128xi32, #tpu.memory_space<vmem>>
    %dma_start3A_33 = tpu.memref_squeeze %dma_start3A_32 : memref<1x128xi32, #tpu.memory_space<vmem>> -> memref<128xi32, #tpu.memory_space<vmem>>
    %dma_start3A_34 = arith.constant 0 : i32
    %dma_start3A_35 = arith.constant 0 : i32
    %dma_start3A_36 = tpu.memref_slice %arg7[%dma_start3A_34, %dma_start3A_35] : memref<10240x16xf32, #tpu.memory_space<vmem_shared>> -> memref<10240x16xf32, #tpu.memory_space<vmem_shared>>
    tpu.enqueue_indirect_dma source(%arg5 : memref<128x16xf32, #tpu.memory_space<vmem>>) target(%dma_start3A_36 : memref<10240x16xf32, #tpu.memory_space<vmem_shared>>) offsets(%dma_start3A_33 : memref<128xi32, #tpu.memory_space<vmem>>) semaphore(%arg10 : memref<!tpu.dma_semaphore, #tpu.memory_space<semaphore_mem>>) {add = true}
    %dma_start3A_37 = arith.constant 3 : i32
    %dma_start3A_38 = arith.constant 0 : i32
    %dma_start3A_39 = tpu.memref_slice %arg4[%dma_start3A_37, %dma_start3A_38] : memref<80x128xi32, #tpu.memory_space<vmem>> -> memref<1x128xi32, #tpu.memory_space<vmem>>
    %dma_start3A_40 = tpu.memref_squeeze %dma_start3A_39 : memref<1x128xi32, #tpu.memory_space<vmem>> -> memref<128xi32, #tpu.memory_space<vmem>>
    %dma_start3A_41 = arith.constant 0 : i32
    %dma_start3A_42 = arith.constant 0 : i32
    %dma_start3A_43 = tpu.memref_slice %arg7[%dma_start3A_41, %dma_start3A_42] : memref<10240x16xf32, #tpu.memory_space<vmem_shared>> -> memref<10240x16xf32, #tpu.memory_space<vmem_shared>>
    tpu.enqueue_indirect_dma source(%arg5 : memref<128x16xf32, #tpu.memory_space<vmem>>) target(%dma_start3A_43 : memref<10240x16xf32, #tpu.memory_space<vmem_shared>>) offsets(%dma_start3A_40 : memref<128xi32, #tpu.memory_space<vmem>>) semaphore(%arg11 : memref<!tpu.dma_semaphore, #tpu.memory_space<semaphore_mem>>) {add = true}
    %dma_start3A_44 = arith.constant 4 : i32
    %dma_start3A_45 = arith.constant 0 : i32
    %dma_start3A_46 = tpu.memref_slice %arg4[%dma_start3A_44, %dma_start3A_45] : memref<80x128xi32, #tpu.memory_space<vmem>> -> memref<1x128xi32, #tpu.memory_space<vmem>>
    %dma_start3A_47 = tpu.memref_squeeze %dma_start3A_46 : memref<1x128xi32, #tpu.memory_space<vmem>> -> memref<128xi32, #tpu.memory_space<vmem>>
    %dma_start3A_48 = arith.constant 0 : i32
    %dma_start3A_49 = arith.constant 0 : i32
    %dma_start3A_50 = tpu.memref_slice %arg7[%dma_start3A_48, %dma_start3A_49] : memref<10240x16xf32, #tpu.memory_space<vmem_shared>> -> memref<10240x16xf32, #tpu.memory_space<vmem_shared>>
    tpu.enqueue_indirect_dma source(%arg5 : memref<128x16xf32, #tpu.memory_space<vmem>>) target(%dma_start3A_50 : memref<10240x16xf32, #tpu.memory_space<vmem_shared>>) offsets(%dma_start3A_47 : memref<128xi32, #tpu.memory_space<vmem>>) semaphore(%arg12 : memref<!tpu.dma_semaphore, #tpu.memory_space<semaphore_mem>>) {add = true}
    %dma_start3A_51 = arith.constant 5 : i32
    %dma_start3A_52 = arith.constant 0 : i32
    %dma_start3A_53 = tpu.memref_slice %arg4[%dma_start3A_51, %dma_start3A_52] : memref<80x128xi32, #tpu.memory_space<vmem>> -> memref<1x128xi32, #tpu.memory_space<vmem>>
    %dma_start3A_54 = tpu.memref_squeeze %dma_start3A_53 : memref<1x128xi32, #tpu.memory_space<vmem>> -> memref<128xi32, #tpu.memory_space<vmem>>
    %dma_start3A_55 = arith.constant 0 : i32
    %dma_start3A_56 = arith.constant 0 : i32
    %dma_start3A_57 = tpu.memref_slice %arg7[%dma_start3A_55, %dma_start3A_56] : memref<10240x16xf32, #tpu.memory_space<vmem_shared>> -> memref<10240x16xf32, #tpu.memory_space<vmem_shared>>
    tpu.enqueue_indirect_dma source(%arg5 : memref<128x16xf32, #tpu.memory_space<vmem>>) target(%dma_start3A_57 : memref<10240x16xf32, #tpu.memory_space<vmem_shared>>) offsets(%dma_start3A_54 : memref<128xi32, #tpu.memory_space<vmem>>) semaphore(%arg13 : memref<!tpu.dma_semaphore, #tpu.memory_space<semaphore_mem>>) {add = true}
    %dma_start3A_58 = arith.constant 6 : i32
    %dma_start3A_59 = arith.constant 0 : i32
    %dma_start3A_60 = tpu.memref_slice %arg4[%dma_start3A_58, %dma_start3A_59] : memref<80x128xi32, #tpu.memory_space<vmem>> -> memref<1x128xi32, #tpu.memory_space<vmem>>
    %dma_start3A_61 = tpu.memref_squeeze %dma_start3A_60 : memref<1x128xi32, #tpu.memory_space<vmem>> -> memref<128xi32, #tpu.memory_space<vmem>>
    %dma_start3A_62 = arith.constant 0 : i32
    %dma_start3A_63 = arith.constant 0 : i32
    %dma_start3A_64 = tpu.memref_slice %arg7[%dma_start3A_62, %dma_start3A_63] : memref<10240x16xf32, #tpu.memory_space<vmem_shared>> -> memref<10240x16xf32, #tpu.memory_space<vmem_shared>>
    tpu.enqueue_indirect_dma source(%arg5 : memref<128x16xf32, #tpu.memory_space<vmem>>) target(%dma_start3A_64 : memref<10240x16xf32, #tpu.memory_space<vmem_shared>>) offsets(%dma_start3A_61 : memref<128xi32, #tpu.memory_space<vmem>>) semaphore(%arg14 : memref<!tpu.dma_semaphore, #tpu.memory_space<semaphore_mem>>) {add = true}
    %dma_start3A_65 = arith.constant 7 : i32
    %dma_start3A_66 = arith.constant 0 : i32
    %dma_start3A_67 = tpu.memref_slice %arg4[%dma_start3A_65, %dma_start3A_66] : memref<80x128xi32, #tpu.memory_space<vmem>> -> memref<1x128xi32, #tpu.memory_space<vmem>>
    %dma_start3A_68 = tpu.memref_squeeze %dma_start3A_67 : memref<1x128xi32, #tpu.memory_space<vmem>> -> memref<128xi32, #tpu.memory_space<vmem>>
    %dma_start3A_69 = arith.constant 0 : i32
    %dma_start3A_70 = arith.constant 0 : i32
    %dma_start3A_71 = tpu.memref_slice %arg7[%dma_start3A_69, %dma_start3A_70] : memref<10240x16xf32, #tpu.memory_space<vmem_shared>> -> memref<10240x16xf32, #tpu.memory_space<vmem_shared>>
    tpu.enqueue_indirect_dma source(%arg5 : memref<128x16xf32, #tpu.memory_space<vmem>>) target(%dma_start3A_71 : memref<10240x16xf32, #tpu.memory_space<vmem_shared>>) offsets(%dma_start3A_68 : memref<128xi32, #tpu.memory_space<vmem>>) semaphore(%arg15 : memref<!tpu.dma_semaphore, #tpu.memory_space<semaphore_mem>>) {add = true}
    %scan3A_72 = arith.constant 0 : i32
    %scan3A_73 = arith.constant 9 : i32
    %scan3A_74 = arith.addi %scan3A_72, %scan3A_73 : i32
    %scan3A_75 = arith.constant 1 : i32
    scf.for %scan3A_137 = %scan3A_72 to %scan3A_74 step %scan3A_75  : i32 {
      %mul3A_138 = arith.constant 8 : i32
      %mul3A_139 = arith.muli %scan3A_137, %mul3A_138 : i32
      %add3A_140 = arith.constant 0 : i32
      %add3A_141 = arith.addi %add3A_140, %mul3A_139 : i32
      %add3A_142 = arith.constant 0 : i32
      %add3A_143 = arith.addi %add3A_141, %add3A_142 : i32
      %dma_wait3A_144 = arith.constant 0 : i32
      %dma_wait3A_145 = tpu.memref_slice %arg4[%add3A_143, %dma_wait3A_144] : memref<80x128xi32, #tpu.memory_space<vmem>> -> memref<1x128xi32, #tpu.memory_space<vmem>>
      %dma_wait3A_146 = tpu.memref_squeeze %dma_wait3A_145 : memref<1x128xi32, #tpu.memory_space<vmem>> -> memref<128xi32, #tpu.memory_space<vmem>>
      %dma_wait3A_147 = arith.constant 0 : i32
      %dma_wait3A_148 = arith.constant 0 : i32
      %dma_wait3A_149 = tpu.memref_slice %arg7[%dma_wait3A_147, %dma_wait3A_148] : memref<10240x16xf32, #tpu.memory_space<vmem_shared>> -> memref<10240x16xf32, #tpu.memory_space<vmem_shared>>
      tpu.wait_indirect_dma semaphore(%arg8 : memref<!tpu.dma_semaphore, #tpu.memory_space<semaphore_mem>>) src(%arg5 : memref<128x16xf32, #tpu.memory_space<vmem>>) dst(%dma_wait3A_149 : memref<10240x16xf32, #tpu.memory_space<vmem_shared>>)
      %add3A_150 = arith.constant 8 : i32
      %add3A_151 = arith.addi %add3A_141, %add3A_150 : i32
      %add3A_152 = arith.constant 0 : i32
      %add3A_153 = arith.addi %add3A_151, %add3A_152 : i32
      %dma_start3A_154 = arith.constant 0 : i32
      %dma_start3A_155 = tpu.memref_slice %arg4[%add3A_153, %dma_start3A_154] : memref<80x128xi32, #tpu.memory_space<vmem>> -> memref<1x128xi32, #tpu.memory_space<vmem>>
      %dma_start3A_156 = tpu.memref_squeeze %dma_start3A_155 : memref<1x128xi32, #tpu.memory_space<vmem>> -> memref<128xi32, #tpu.memory_space<vmem>>
      %dma_start3A_157 = arith.constant 0 : i32
      %dma_start3A_158 = arith.constant 0 : i32
      %dma_start3A_159 = tpu.memref_slice %arg7[%dma_start3A_157, %dma_start3A_158] : memref<10240x16xf32, #tpu.memory_space<vmem_shared>> -> memref<10240x16xf32, #tpu.memory_space<vmem_shared>>
      tpu.enqueue_indirect_dma source(%arg5 : memref<128x16xf32, #tpu.memory_space<vmem>>) target(%dma_start3A_159 : memref<10240x16xf32, #tpu.memory_space<vmem_shared>>) offsets(%dma_start3A_156 : memref<128xi32, #tpu.memory_space<vmem>>) semaphore(%arg8 : memref<!tpu.dma_semaphore, #tpu.memory_space<semaphore_mem>>) {add = true}
      %add3A_160 = arith.constant 1 : i32
      %add3A_161 = arith.addi %add3A_141, %add3A_160 : i32
      %dma_wait3A_162 = arith.constant 0 : i32
      %dma_wait3A_163 = tpu.memref_slice %arg4[%add3A_161, %dma_wait3A_162] : memref<80x128xi32, #tpu.memory_space<vmem>> -> memref<1x128xi32, #tpu.memory_space<vmem>>
      %dma_wait3A_164 = tpu.memref_squeeze %dma_wait3A_163 : memref<1x128xi32, #tpu.memory_space<vmem>> -> memref<128xi32, #tpu.memory_space<vmem>>
      %dma_wait3A_165 = arith.constant 0 : i32
      %dma_wait3A_166 = arith.constant 0 : i32
      %dma_wait3A_167 = tpu.memref_slice %arg7[%dma_wait3A_165, %dma_wait3A_166] : memref<10240x16xf32, #tpu.memory_space<vmem_shared>> -> memref<10240x16xf32, #tpu.memory_space<vmem_shared>>
      tpu.wait_indirect_dma semaphore(%arg9 : memref<!tpu.dma_semaphore, #tpu.memory_space<semaphore_mem>>) src(%arg5 : memref<128x16xf32, #tpu.memory_space<vmem>>) dst(%dma_wait3A_167 : memref<10240x16xf32, #tpu.memory_space<vmem_shared>>)
      %add3A_168 = arith.constant 8 : i32
      %add3A_169 = arith.addi %add3A_141, %add3A_168 : i32
      %add3A_170 = arith.constant 1 : i32
      %add3A_171 = arith.addi %add3A_169, %add3A_170 : i32
      %dma_start3A_172 = arith.constant 0 : i32
      %dma_start3A_173 = tpu.memref_slice %arg4[%add3A_171, %dma_start3A_172] : memref<80x128xi32, #tpu.memory_space<vmem>> -> memref<1x128xi32, #tpu.memory_space<vmem>>
      %dma_start3A_174 = tpu.memref_squeeze %dma_start3A_173 : memref<1x128xi32, #tpu.memory_space<vmem>> -> memref<128xi32, #tpu.memory_space<vmem>>
      %dma_start3A_175 = arith.constant 0 : i32
      %dma_start3A_176 = arith.constant 0 : i32
      %dma_start3A_177 = tpu.memref_slice %arg7[%dma_start3A_175, %dma_start3A_176] : memref<10240x16xf32, #tpu.memory_space<vmem_shared>> -> memref<10240x16xf32, #tpu.memory_space<vmem_shared>>
      tpu.enqueue_indirect_dma source(%arg5 : memref<128x16xf32, #tpu.memory_space<vmem>>) target(%dma_start3A_177 : memref<10240x16xf32, #tpu.memory_space<vmem_shared>>) offsets(%dma_start3A_174 : memref<128xi32, #tpu.memory_space<vmem>>) semaphore(%arg9 : memref<!tpu.dma_semaphore, #tpu.memory_space<semaphore_mem>>) {add = true}
      %add3A_178 = arith.constant 2 : i32
      %add3A_179 = arith.addi %add3A_141, %add3A_178 : i32
      %dma_wait3A_180 = arith.constant 0 : i32
      %dma_wait3A_181 = tpu.memref_slice %arg4[%add3A_179, %dma_wait3A_180] : memref<80x128xi32, #tpu.memory_space<vmem>> -> memref<1x128xi32, #tpu.memory_space<vmem>>
      %dma_wait3A_182 = tpu.memref_squeeze %dma_wait3A_181 : memref<1x128xi32, #tpu.memory_space<vmem>> -> memref<128xi32, #tpu.memory_space<vmem>>
      %dma_wait3A_183 = arith.constant 0 : i32
      %dma_wait3A_184 = arith.constant 0 : i32
      %dma_wait3A_185 = tpu.memref_slice %arg7[%dma_wait3A_183, %dma_wait3A_184] : memref<10240x16xf32, #tpu.memory_space<vmem_shared>> -> memref<10240x16xf32, #tpu.memory_space<vmem_shared>>
      tpu.wait_indirect_dma semaphore(%arg10 : memref<!tpu.dma_semaphore, #tpu.memory_space<semaphore_mem>>) src(%arg5 : memref<128x16xf32, #tpu.memory_space<vmem>>) dst(%dma_wait3A_185 : memref<10240x16xf32, #tpu.memory_space<vmem_shared>>)
      %add3A_186 = arith.constant 8 : i32
      %add3A_187 = arith.addi %add3A_141, %add3A_186 : i32
      %add3A_188 = arith.constant 2 : i32
      %add3A_189 = arith.addi %add3A_187, %add3A_188 : i32
      %dma_start3A_190 = arith.constant 0 : i32
      %dma_start3A_191 = tpu.memref_slice %arg4[%add3A_189, %dma_start3A_190] : memref<80x128xi32, #tpu.memory_space<vmem>> -> memref<1x128xi32, #tpu.memory_space<vmem>>
      %dma_start3A_192 = tpu.memref_squeeze %dma_start3A_191 : memref<1x128xi32, #tpu.memory_space<vmem>> -> memref<128xi32, #tpu.memory_space<vmem>>
      %dma_start3A_193 = arith.constant 0 : i32
      %dma_start3A_194 = arith.constant 0 : i32
      %dma_start3A_195 = tpu.memref_slice %arg7[%dma_start3A_193, %dma_start3A_194] : memref<10240x16xf32, #tpu.memory_space<vmem_shared>> -> memref<10240x16xf32, #tpu.memory_space<vmem_shared>>
      tpu.enqueue_indirect_dma source(%arg5 : memref<128x16xf32, #tpu.memory_space<vmem>>) target(%dma_start3A_195 : memref<10240x16xf32, #tpu.memory_space<vmem_shared>>) offsets(%dma_start3A_192 : memref<128xi32, #tpu.memory_space<vmem>>) semaphore(%arg10 : memref<!tpu.dma_semaphore, #tpu.memory_space<semaphore_mem>>) {add = true}
      %add3A_196 = arith.constant 3 : i32
      %add3A_197 = arith.addi %add3A_141, %add3A_196 : i32
      %dma_wait3A_198 = arith.constant 0 : i32
      %dma_wait3A_199 = tpu.memref_slice %arg4[%add3A_197, %dma_wait3A_198] : memref<80x128xi32, #tpu.memory_space<vmem>> -> memref<1x128xi32, #tpu.memory_space<vmem>>
      %dma_wait3A_200 = tpu.memref_squeeze %dma_wait3A_199 : memref<1x128xi32, #tpu.memory_space<vmem>> -> memref<128xi32, #tpu.memory_space<vmem>>
      %dma_wait3A_201 = arith.constant 0 : i32
      %dma_wait3A_202 = arith.constant 0 : i32
      %dma_wait3A_203 = tpu.memref_slice %arg7[%dma_wait3A_201, %dma_wait3A_202] : memref<10240x16xf32, #tpu.memory_space<vmem_shared>> -> memref<10240x16xf32, #tpu.memory_space<vmem_shared>>
      tpu.wait_indirect_dma semaphore(%arg11 : memref<!tpu.dma_semaphore, #tpu.memory_space<semaphore_mem>>) src(%arg5 : memref<128x16xf32, #tpu.memory_space<vmem>>) dst(%dma_wait3A_203 : memref<10240x16xf32, #tpu.memory_space<vmem_shared>>)
      %add3A_204 = arith.constant 8 : i32
      %add3A_205 = arith.addi %add3A_141, %add3A_204 : i32
      %add3A_206 = arith.constant 3 : i32
      %add3A_207 = arith.addi %add3A_205, %add3A_206 : i32
      %dma_start3A_208 = arith.constant 0 : i32
      %dma_start3A_209 = tpu.memref_slice %arg4[%add3A_207, %dma_start3A_208] : memref<80x128xi32, #tpu.memory_space<vmem>> -> memref<1x128xi32, #tpu.memory_space<vmem>>
      %dma_start3A_210 = tpu.memref_squeeze %dma_start3A_209 : memref<1x128xi32, #tpu.memory_space<vmem>> -> memref<128xi32, #tpu.memory_space<vmem>>
      %dma_start3A_211 = arith.constant 0 : i32
      %dma_start3A_212 = arith.constant 0 : i32
      %dma_start3A_213 = tpu.memref_slice %arg7[%dma_start3A_211, %dma_start3A_212] : memref<10240x16xf32, #tpu.memory_space<vmem_shared>> -> memref<10240x16xf32, #tpu.memory_space<vmem_shared>>
      tpu.enqueue_indirect_dma source(%arg5 : memref<128x16xf32, #tpu.memory_space<vmem>>) target(%dma_start3A_213 : memref<10240x16xf32, #tpu.memory_space<vmem_shared>>) offsets(%dma_start3A_210 : memref<128xi32, #tpu.memory_space<vmem>>) semaphore(%arg11 : memref<!tpu.dma_semaphore, #tpu.memory_space<semaphore_mem>>) {add = true}
      %add3A_214 = arith.constant 4 : i32
      %add3A_215 = arith.addi %add3A_141, %add3A_214 : i32
      %dma_wait3A_216 = arith.constant 0 : i32
      %dma_wait3A_217 = tpu.memref_slice %arg4[%add3A_215, %dma_wait3A_216] : memref<80x128xi32, #tpu.memory_space<vmem>> -> memref<1x128xi32, #tpu.memory_space<vmem>>
      %dma_wait3A_218 = tpu.memref_squeeze %dma_wait3A_217 : memref<1x128xi32, #tpu.memory_space<vmem>> -> memref<128xi32, #tpu.memory_space<vmem>>
      %dma_wait3A_219 = arith.constant 0 : i32
      %dma_wait3A_220 = arith.constant 0 : i32
      %dma_wait3A_221 = tpu.memref_slice %arg7[%dma_wait3A_219, %dma_wait3A_220] : memref<10240x16xf32, #tpu.memory_space<vmem_shared>> -> memref<10240x16xf32, #tpu.memory_space<vmem_shared>>
      tpu.wait_indirect_dma semaphore(%arg12 : memref<!tpu.dma_semaphore, #tpu.memory_space<semaphore_mem>>) src(%arg5 : memref<128x16xf32, #tpu.memory_space<vmem>>) dst(%dma_wait3A_221 : memref<10240x16xf32, #tpu.memory_space<vmem_shared>>)
      %add3A_222 = arith.constant 8 : i32
      %add3A_223 = arith.addi %add3A_141, %add3A_222 : i32
      %add3A_224 = arith.constant 4 : i32
      %add3A_225 = arith.addi %add3A_223, %add3A_224 : i32
      %dma_start3A_226 = arith.constant 0 : i32
      %dma_start3A_227 = tpu.memref_slice %arg4[%add3A_225, %dma_start3A_226] : memref<80x128xi32, #tpu.memory_space<vmem>> -> memref<1x128xi32, #tpu.memory_space<vmem>>
      %dma_start3A_228 = tpu.memref_squeeze %dma_start3A_227 : memref<1x128xi32, #tpu.memory_space<vmem>> -> memref<128xi32, #tpu.memory_space<vmem>>
      %dma_start3A_229 = arith.constant 0 : i32
      %dma_start3A_230 = arith.constant 0 : i32
      %dma_start3A_231 = tpu.memref_slice %arg7[%dma_start3A_229, %dma_start3A_230] : memref<10240x16xf32, #tpu.memory_space<vmem_shared>> -> memref<10240x16xf32, #tpu.memory_space<vmem_shared>>
      tpu.enqueue_indirect_dma source(%arg5 : memref<128x16xf32, #tpu.memory_space<vmem>>) target(%dma_start3A_231 : memref<10240x16xf32, #tpu.memory_space<vmem_shared>>) offsets(%dma_start3A_228 : memref<128xi32, #tpu.memory_space<vmem>>) semaphore(%arg12 : memref<!tpu.dma_semaphore, #tpu.memory_space<semaphore_mem>>) {add = true}
      %add3A_232 = arith.constant 5 : i32
      %add3A_233 = arith.addi %add3A_141, %add3A_232 : i32
      %dma_wait3A_234 = arith.constant 0 : i32
      %dma_wait3A_235 = tpu.memref_slice %arg4[%add3A_233, %dma_wait3A_234] : memref<80x128xi32, #tpu.memory_space<vmem>> -> memref<1x128xi32, #tpu.memory_space<vmem>>
      %dma_wait3A_236 = tpu.memref_squeeze %dma_wait3A_235 : memref<1x128xi32, #tpu.memory_space<vmem>> -> memref<128xi32, #tpu.memory_space<vmem>>
      %dma_wait3A_237 = arith.constant 0 : i32
      %dma_wait3A_238 = arith.constant 0 : i32
      %dma_wait3A_239 = tpu.memref_slice %arg7[%dma_wait3A_237, %dma_wait3A_238] : memref<10240x16xf32, #tpu.memory_space<vmem_shared>> -> memref<10240x16xf32, #tpu.memory_space<vmem_shared>>
      tpu.wait_indirect_dma semaphore(%arg13 : memref<!tpu.dma_semaphore, #tpu.memory_space<semaphore_mem>>) src(%arg5 : memref<128x16xf32, #tpu.memory_space<vmem>>) dst(%dma_wait3A_239 : memref<10240x16xf32, #tpu.memory_space<vmem_shared>>)
      %add3A_240 = arith.constant 8 : i32
      %add3A_241 = arith.addi %add3A_141, %add3A_240 : i32
      %add3A_242 = arith.constant 5 : i32
      %add3A_243 = arith.addi %add3A_241, %add3A_242 : i32
      %dma_start3A_244 = arith.constant 0 : i32
      %dma_start3A_245 = tpu.memref_slice %arg4[%add3A_243, %dma_start3A_244] : memref<80x128xi32, #tpu.memory_space<vmem>> -> memref<1x128xi32, #tpu.memory_space<vmem>>
      %dma_start3A_246 = tpu.memref_squeeze %dma_start3A_245 : memref<1x128xi32, #tpu.memory_space<vmem>> -> memref<128xi32, #tpu.memory_space<vmem>>
      %dma_start3A_247 = arith.constant 0 : i32
      %dma_start3A_248 = arith.constant 0 : i32
      %dma_start3A_249 = tpu.memref_slice %arg7[%dma_start3A_247, %dma_start3A_248] : memref<10240x16xf32, #tpu.memory_space<vmem_shared>> -> memref<10240x16xf32, #tpu.memory_space<vmem_shared>>
      tpu.enqueue_indirect_dma source(%arg5 : memref<128x16xf32, #tpu.memory_space<vmem>>) target(%dma_start3A_249 : memref<10240x16xf32, #tpu.memory_space<vmem_shared>>) offsets(%dma_start3A_246 : memref<128xi32, #tpu.memory_space<vmem>>) semaphore(%arg13 : memref<!tpu.dma_semaphore, #tpu.memory_space<semaphore_mem>>) {add = true}
      %add3A_250 = arith.constant 6 : i32
      %add3A_251 = arith.addi %add3A_141, %add3A_250 : i32
      %dma_wait3A_252 = arith.constant 0 : i32
      %dma_wait3A_253 = tpu.memref_slice %arg4[%add3A_251, %dma_wait3A_252] : memref<80x128xi32, #tpu.memory_space<vmem>> -> memref<1x128xi32, #tpu.memory_space<vmem>>
      %dma_wait3A_254 = tpu.memref_squeeze %dma_wait3A_253 : memref<1x128xi32, #tpu.memory_space<vmem>> -> memref<128xi32, #tpu.memory_space<vmem>>
      %dma_wait3A_255 = arith.constant 0 : i32
      %dma_wait3A_256 = arith.constant 0 : i32
      %dma_wait3A_257 = tpu.memref_slice %arg7[%dma_wait3A_255, %dma_wait3A_256] : memref<10240x16xf32, #tpu.memory_space<vmem_shared>> -> memref<10240x16xf32, #tpu.memory_space<vmem_shared>>
      tpu.wait_indirect_dma semaphore(%arg14 : memref<!tpu.dma_semaphore, #tpu.memory_space<semaphore_mem>>) src(%arg5 : memref<128x16xf32, #tpu.memory_space<vmem>>) dst(%dma_wait3A_257 : memref<10240x16xf32, #tpu.memory_space<vmem_shared>>)
      %add3A_258 = arith.constant 8 : i32
      %add3A_259 = arith.addi %add3A_141, %add3A_258 : i32
      %add3A_260 = arith.constant 6 : i32
      %add3A_261 = arith.addi %add3A_259, %add3A_260 : i32
      %dma_start3A_262 = arith.constant 0 : i32
      %dma_start3A_263 = tpu.memref_slice %arg4[%add3A_261, %dma_start3A_262] : memref<80x128xi32, #tpu.memory_space<vmem>> -> memref<1x128xi32, #tpu.memory_space<vmem>>
      %dma_start3A_264 = tpu.memref_squeeze %dma_start3A_263 : memref<1x128xi32, #tpu.memory_space<vmem>> -> memref<128xi32, #tpu.memory_space<vmem>>
      %dma_start3A_265 = arith.constant 0 : i32
      %dma_start3A_266 = arith.constant 0 : i32
      %dma_start3A_267 = tpu.memref_slice %arg7[%dma_start3A_265, %dma_start3A_266] : memref<10240x16xf32, #tpu.memory_space<vmem_shared>> -> memref<10240x16xf32, #tpu.memory_space<vmem_shared>>
      tpu.enqueue_indirect_dma source(%arg5 : memref<128x16xf32, #tpu.memory_space<vmem>>) target(%dma_start3A_267 : memref<10240x16xf32, #tpu.memory_space<vmem_shared>>) offsets(%dma_start3A_264 : memref<128xi32, #tpu.memory_space<vmem>>) semaphore(%arg14 : memref<!tpu.dma_semaphore, #tpu.memory_space<semaphore_mem>>) {add = true}
      %add3A_268 = arith.constant 7 : i32
      %add3A_269 = arith.addi %add3A_141, %add3A_268 : i32
      %dma_wait3A_270 = arith.constant 0 : i32
      %dma_wait3A_271 = tpu.memref_slice %arg4[%add3A_269, %dma_wait3A_270] : memref<80x128xi32, #tpu.memory_space<vmem>> -> memref<1x128xi32, #tpu.memory_space<vmem>>
      %dma_wait3A_272 = tpu.memref_squeeze %dma_wait3A_271 : memref<1x128xi32, #tpu.memory_space<vmem>> -> memref<128xi32, #tpu.memory_space<vmem>>
      %dma_wait3A_273 = arith.constant 0 : i32
      %dma_wait3A_274 = arith.constant 0 : i32
      %dma_wait3A_275 = tpu.memref_slice %arg7[%dma_wait3A_273, %dma_wait3A_274] : memref<10240x16xf32, #tpu.memory_space<vmem_shared>> -> memref<10240x16xf32, #tpu.memory_space<vmem_shared>>
      tpu.wait_indirect_dma semaphore(%arg15 : memref<!tpu.dma_semaphore, #tpu.memory_space<semaphore_mem>>) src(%arg5 : memref<128x16xf32, #tpu.memory_space<vmem>>) dst(%dma_wait3A_275 : memref<10240x16xf32, #tpu.memory_space<vmem_shared>>)
      %add3A_276 = arith.constant 8 : i32
      %add3A_277 = arith.addi %add3A_141, %add3A_276 : i32
      %add3A_278 = arith.constant 7 : i32
      %add3A_279 = arith.addi %add3A_277, %add3A_278 : i32
      %dma_start3A_280 = arith.constant 0 : i32
      %dma_start3A_281 = tpu.memref_slice %arg4[%add3A_279, %dma_start3A_280] : memref<80x128xi32, #tpu.memory_space<vmem>> -> memref<1x128xi32, #tpu.memory_space<vmem>>
      %dma_start3A_282 = tpu.memref_squeeze %dma_start3A_281 : memref<1x128xi32, #tpu.memory_space<vmem>> -> memref<128xi32, #tpu.memory_space<vmem>>
      %dma_start3A_283 = arith.constant 0 : i32
      %dma_start3A_284 = arith.constant 0 : i32
      %dma_start3A_285 = tpu.memref_slice %arg7[%dma_start3A_283, %dma_start3A_284] : memref<10240x16xf32, #tpu.memory_space<vmem_shared>> -> memref<10240x16xf32, #tpu.memory_space<vmem_shared>>
      tpu.enqueue_indirect_dma source(%arg5 : memref<128x16xf32, #tpu.memory_space<vmem>>) target(%dma_start3A_285 : memref<10240x16xf32, #tpu.memory_space<vmem_shared>>) offsets(%dma_start3A_282 : memref<128xi32, #tpu.memory_space<vmem>>) semaphore(%arg15 : memref<!tpu.dma_semaphore, #tpu.memory_space<semaphore_mem>>) {add = true}
    }
    %scan3A_76 = arith.constant 9 : i32
    %dma_wait3A = arith.constant 0 : i32
    %dma_wait3A_77 = arith.constant 0 : i32
    %dma_wait3A_78 = tpu.memref_slice %arg4[%dma_wait3A, %dma_wait3A_77] : memref<80x128xi32, #tpu.memory_space<vmem>> -> memref<1x128xi32, #tpu.memory_space<vmem>>
    %dma_wait3A_79 = tpu.memref_squeeze %dma_wait3A_78 : memref<1x128xi32, #tpu.memory_space<vmem>> -> memref<128xi32, #tpu.memory_space<vmem>>
    %dma_wait3A_80 = arith.constant 0 : i32
    %dma_wait3A_81 = arith.constant 0 : i32
    %dma_wait3A_82 = tpu.memref_slice %arg7[%dma_wait3A_80, %dma_wait3A_81] : memref<10240x16xf32, #tpu.memory_space<vmem_shared>> -> memref<10240x16xf32, #tpu.memory_space<vmem_shared>>
    tpu.wait_indirect_dma semaphore(%arg8 : memref<!tpu.dma_semaphore, #tpu.memory_space<semaphore_mem>>) src(%arg5 : memref<128x16xf32, #tpu.memory_space<vmem>>) dst(%dma_wait3A_82 : memref<10240x16xf32, #tpu.memory_space<vmem_shared>>)
    %dma_wait3A_83 = arith.constant 0 : i32
    %dma_wait3A_84 = arith.constant 0 : i32
    %dma_wait3A_85 = tpu.memref_slice %arg4[%dma_wait3A_83, %dma_wait3A_84] : memref<80x128xi32, #tpu.memory_space<vmem>> -> memref<1x128xi32, #tpu.memory_space<vmem>>
    %dma_wait3A_86 = tpu.memref_squeeze %dma_wait3A_85 : memref<1x128xi32, #tpu.memory_space<vmem>> -> memref<128xi32, #tpu.memory_space<vmem>>
    %dma_wait3A_87 = arith.constant 0 : i32
    %dma_wait3A_88 = arith.constant 0 : i32
    %dma_wait3A_89 = tpu.memref_slice %arg7[%dma_wait3A_87, %dma_wait3A_88] : memref<10240x16xf32, #tpu.memory_space<vmem_shared>> -> memref<10240x16xf32, #tpu.memory_space<vmem_shared>>
    tpu.wait_indirect_dma semaphore(%arg9 : memref<!tpu.dma_semaphore, #tpu.memory_space<semaphore_mem>>) src(%arg5 : memref<128x16xf32, #tpu.memory_space<vmem>>) dst(%dma_wait3A_89 : memref<10240x16xf32, #tpu.memory_space<vmem_shared>>)
    %dma_wait3A_90 = arith.constant 0 : i32
    %dma_wait3A_91 = arith.constant 0 : i32
    %dma_wait3A_92 = tpu.memref_slice %arg4[%dma_wait3A_90, %dma_wait3A_91] : memref<80x128xi32, #tpu.memory_space<vmem>> -> memref<1x128xi32, #tpu.memory_space<vmem>>
    %dma_wait3A_93 = tpu.memref_squeeze %dma_wait3A_92 : memref<1x128xi32, #tpu.memory_space<vmem>> -> memref<128xi32, #tpu.memory_space<vmem>>
    %dma_wait3A_94 = arith.constant 0 : i32
    %dma_wait3A_95 = arith.constant 0 : i32
    %dma_wait3A_96 = tpu.memref_slice %arg7[%dma_wait3A_94, %dma_wait3A_95] : memref<10240x16xf32, #tpu.memory_space<vmem_shared>> -> memref<10240x16xf32, #tpu.memory_space<vmem_shared>>
    tpu.wait_indirect_dma semaphore(%arg10 : memref<!tpu.dma_semaphore, #tpu.memory_space<semaphore_mem>>) src(%arg5 : memref<128x16xf32, #tpu.memory_space<vmem>>) dst(%dma_wait3A_96 : memref<10240x16xf32, #tpu.memory_space<vmem_shared>>)
    %dma_wait3A_97 = arith.constant 0 : i32
    %dma_wait3A_98 = arith.constant 0 : i32
    %dma_wait3A_99 = tpu.memref_slice %arg4[%dma_wait3A_97, %dma_wait3A_98] : memref<80x128xi32, #tpu.memory_space<vmem>> -> memref<1x128xi32, #tpu.memory_space<vmem>>
    %dma_wait3A_100 = tpu.memref_squeeze %dma_wait3A_99 : memref<1x128xi32, #tpu.memory_space<vmem>> -> memref<128xi32, #tpu.memory_space<vmem>>
    %dma_wait3A_101 = arith.constant 0 : i32
    %dma_wait3A_102 = arith.constant 0 : i32
    %dma_wait3A_103 = tpu.memref_slice %arg7[%dma_wait3A_101, %dma_wait3A_102] : memref<10240x16xf32, #tpu.memory_space<vmem_shared>> -> memref<10240x16xf32, #tpu.memory_space<vmem_shared>>
    tpu.wait_indirect_dma semaphore(%arg11 : memref<!tpu.dma_semaphore, #tpu.memory_space<semaphore_mem>>) src(%arg5 : memref<128x16xf32, #tpu.memory_space<vmem>>) dst(%dma_wait3A_103 : memref<10240x16xf32, #tpu.memory_space<vmem_shared>>)
    %dma_wait3A_104 = arith.constant 0 : i32
    %dma_wait3A_105 = arith.constant 0 : i32
    %dma_wait3A_106 = tpu.memref_slice %arg4[%dma_wait3A_104, %dma_wait3A_105] : memref<80x128xi32, #tpu.memory_space<vmem>> -> memref<1x128xi32, #tpu.memory_space<vmem>>
    %dma_wait3A_107 = tpu.memref_squeeze %dma_wait3A_106 : memref<1x128xi32, #tpu.memory_space<vmem>> -> memref<128xi32, #tpu.memory_space<vmem>>
    %dma_wait3A_108 = arith.constant 0 : i32
    %dma_wait3A_109 = arith.constant 0 : i32
    %dma_wait3A_110 = tpu.memref_slice %arg7[%dma_wait3A_108, %dma_wait3A_109] : memref<10240x16xf32, #tpu.memory_space<vmem_shared>> -> memref<10240x16xf32, #tpu.memory_space<vmem_shared>>
    tpu.wait_indirect_dma semaphore(%arg12 : memref<!tpu.dma_semaphore, #tpu.memory_space<semaphore_mem>>) src(%arg5 : memref<128x16xf32, #tpu.memory_space<vmem>>) dst(%dma_wait3A_110 : memref<10240x16xf32, #tpu.memory_space<vmem_shared>>)
    %dma_wait3A_111 = arith.constant 0 : i32
    %dma_wait3A_112 = arith.constant 0 : i32
    %dma_wait3A_113 = tpu.memref_slice %arg4[%dma_wait3A_111, %dma_wait3A_112] : memref<80x128xi32, #tpu.memory_space<vmem>> -> memref<1x128xi32, #tpu.memory_space<vmem>>
    %dma_wait3A_114 = tpu.memref_squeeze %dma_wait3A_113 : memref<1x128xi32, #tpu.memory_space<vmem>> -> memref<128xi32, #tpu.memory_space<vmem>>
    %dma_wait3A_115 = arith.constant 0 : i32
    %dma_wait3A_116 = arith.constant 0 : i32
    %dma_wait3A_117 = tpu.memref_slice %arg7[%dma_wait3A_115, %dma_wait3A_116] : memref<10240x16xf32, #tpu.memory_space<vmem_shared>> -> memref<10240x16xf32, #tpu.memory_space<vmem_shared>>
    tpu.wait_indirect_dma semaphore(%arg13 : memref<!tpu.dma_semaphore, #tpu.memory_space<semaphore_mem>>) src(%arg5 : memref<128x16xf32, #tpu.memory_space<vmem>>) dst(%dma_wait3A_117 : memref<10240x16xf32, #tpu.memory_space<vmem_shared>>)
    %dma_wait3A_118 = arith.constant 0 : i32
    %dma_wait3A_119 = arith.constant 0 : i32
    %dma_wait3A_120 = tpu.memref_slice %arg4[%dma_wait3A_118, %dma_wait3A_119] : memref<80x128xi32, #tpu.memory_space<vmem>> -> memref<1x128xi32, #tpu.memory_space<vmem>>
    %dma_wait3A_121 = tpu.memref_squeeze %dma_wait3A_120 : memref<1x128xi32, #tpu.memory_space<vmem>> -> memref<128xi32, #tpu.memory_space<vmem>>
    %dma_wait3A_122 = arith.constant 0 : i32
    %dma_wait3A_123 = arith.constant 0 : i32
    %dma_wait3A_124 = tpu.memref_slice %arg7[%dma_wait3A_122, %dma_wait3A_123] : memref<10240x16xf32, #tpu.memory_space<vmem_shared>> -> memref<10240x16xf32, #tpu.memory_space<vmem_shared>>
    tpu.wait_indirect_dma semaphore(%arg14 : memref<!tpu.dma_semaphore, #tpu.memory_space<semaphore_mem>>) src(%arg5 : memref<128x16xf32, #tpu.memory_space<vmem>>) dst(%dma_wait3A_124 : memref<10240x16xf32, #tpu.memory_space<vmem_shared>>)
    %dma_wait3A_125 = arith.constant 0 : i32
    %dma_wait3A_126 = arith.constant 0 : i32
    %dma_wait3A_127 = tpu.memref_slice %arg4[%dma_wait3A_125, %dma_wait3A_126] : memref<80x128xi32, #tpu.memory_space<vmem>> -> memref<1x128xi32, #tpu.memory_space<vmem>>
    %dma_wait3A_128 = tpu.memref_squeeze %dma_wait3A_127 : memref<1x128xi32, #tpu.memory_space<vmem>> -> memref<128xi32, #tpu.memory_space<vmem>>
    %dma_wait3A_129 = arith.constant 0 : i32
    %dma_wait3A_130 = arith.constant 0 : i32
    %dma_wait3A_131 = tpu.memref_slice %arg7[%dma_wait3A_129, %dma_wait3A_130] : memref<10240x16xf32, #tpu.memory_space<vmem_shared>> -> memref<10240x16xf32, #tpu.memory_space<vmem_shared>>
    tpu.wait_indirect_dma semaphore(%arg15 : memref<!tpu.dma_semaphore, #tpu.memory_space<semaphore_mem>>) src(%arg5 : memref<128x16xf32, #tpu.memory_space<vmem>>) dst(%dma_wait3A_131 : memref<10240x16xf32, #tpu.memory_space<vmem_shared>>)
    %barrier3A_132 = arith.constant 0 : index
    tpu.barrier barrier_id(%barrier3A_132)
    %mul3A_133 = arith.constant 640 : i32
    %mul3A_134 = arith.muli %arg1, %mul3A_133 : i32
    %mul3A_135 = arith.constant 640 : i32
    %mul3A_136 = arith.muli %arg1, %mul3A_135 : i32
    "tpu.region"() ({
      %run_scoped3A_137 = tpu.sem_alloc : memref<!tpu.dma_semaphore, #tpu.memory_space<semaphore_mem>>
      %dma_start3A_138 = arith.constant 0 : i32
      %dma_start3A_139 = tpu.memref_slice %arg3[%arg0, %mul3A_136, %dma_start3A_138] : memref<2x10240x16xf32, #tpu.memory_space<hbm>> -> memref<1x640x16xf32, #tpu.memory_space<hbm>>
      %dma_start3A_140 = tpu.memref_squeeze %dma_start3A_139 : memref<1x640x16xf32, #tpu.memory_space<hbm>> -> memref<640x16xf32, #tpu.memory_space<hbm>>
      %dma_start3A_141 = arith.constant 0 : i32
      %dma_start3A_142 = tpu.memref_slice %arg7[%mul3A_134, %dma_start3A_141] : memref<10240x16xf32, #tpu.memory_space<vmem_shared>> -> memref<640x16xf32, #tpu.memory_space<vmem_shared>>
      tpu.enqueue_dma source(%dma_start3A_142 : memref<640x16xf32, #tpu.memory_space<vmem_shared>>) target(%dma_start3A_140 : memref<640x16xf32, #tpu.memory_space<hbm>>) target_semaphore(%run_scoped3A_137 : memref<!tpu.dma_semaphore, #tpu.memory_space<semaphore_mem>>)
      %dma_wait3A_143 = arith.constant 0 : i32
      %dma_wait3A_144 = tpu.memref_slice %arg3[%arg0, %mul3A_136, %dma_wait3A_143] : memref<2x10240x16xf32, #tpu.memory_space<hbm>> -> memref<1x640x16xf32, #tpu.memory_space<hbm>>
      %dma_wait3A_145 = tpu.memref_squeeze %dma_wait3A_144 : memref<1x640x16xf32, #tpu.memory_space<hbm>> -> memref<640x16xf32, #tpu.memory_space<hbm>>
      %dma_wait3A_146 = arith.constant 0 : i32
      %dma_wait3A_147 = tpu.memref_slice %arg7[%mul3A_134, %dma_wait3A_146] : memref<10240x16xf32, #tpu.memory_space<vmem_shared>> -> memref<640x16xf32, #tpu.memory_space<vmem_shared>>
      tpu.wait_dma2 semaphore(%run_scoped3A_137 : memref<!tpu.dma_semaphore, #tpu.memory_space<semaphore_mem>>) src(%dma_wait3A_147 : memref<640x16xf32, #tpu.memory_space<vmem_shared>>) dst(%dma_wait3A_145 : memref<640x16xf32, #tpu.memory_space<hbm>>)
      tpu.yield
    }) : () -> ()
    return
  }
}

#map = affine_map<(d0, d1) -> (0, 0)>
#map1 = affine_map<(d0, d1) -> (0, 0, 0)>
module attributes {stable_mosaic.version = 14 : i64} {
  func.func @_sc_aggregate(%arg0: i32, %arg1: i32, %arg2: memref<10048x16xf32, #tpu.memory_space<hbm>>, %arg3: memref<2x2560x128xi32, #tpu.memory_space<hbm>>, %arg4: memref<2x10240x16xf32, #tpu.memory_space<hbm>>, %arg5: memref<80x128xi32, #tpu.memory_space<vmem>>, %arg6: memref<80x128xi32, #tpu.memory_space<vmem>>, %arg7: memref<640x16xf32, #tpu.memory_space<vmem>>, %arg8: memref<10240x16xf32, #tpu.memory_space<vmem_shared>>, %arg9: memref<10048x16xf32, #tpu.memory_space<vmem_shared>>, %arg10: memref<128x16xf32, #tpu.memory_space<vmem>>, %arg11: memref<128x16xf32, #tpu.memory_space<vmem>>, %arg12: memref<128x16xf32, #tpu.memory_space<vmem>>, %arg13: memref<128x16xf32, #tpu.memory_space<vmem>>, %arg14: memref<128x16xf32, #tpu.memory_space<vmem>>, %arg15: memref<128x16xf32, #tpu.memory_space<vmem>>, %arg16: memref<128x16xf32, #tpu.memory_space<vmem>>, %arg17: memref<128x16xf32, #tpu.memory_space<vmem>>, %arg18: memref<!tpu.dma_semaphore, #tpu.memory_space<semaphore_mem>>, %arg19: memref<!tpu.dma_semaphore, #tpu.memory_space<semaphore_mem>>, %arg20: memref<!tpu.dma_semaphore, #tpu.memory_space<semaphore_mem>>, %arg21: memref<!tpu.dma_semaphore, #tpu.memory_space<semaphore_mem>>, %arg22: memref<!tpu.dma_semaphore, #tpu.memory_space<semaphore_mem>>, %arg23: memref<!tpu.dma_semaphore, #tpu.memory_space<semaphore_mem>>, %arg24: memref<!tpu.dma_semaphore, #tpu.memory_space<semaphore_mem>>, %arg25: memref<!tpu.dma_semaphore, #tpu.memory_space<semaphore_mem>>, %arg26: memref<!tpu.dma_semaphore, #tpu.memory_space<semaphore_mem>>, %arg27: memref<!tpu.dma_semaphore, #tpu.memory_space<semaphore_mem>>, %arg28: memref<!tpu.dma_semaphore, #tpu.memory_space<semaphore_mem>>, %arg29: memref<!tpu.dma_semaphore, #tpu.memory_space<semaphore_mem>>, %arg30: memref<!tpu.dma_semaphore, #tpu.memory_space<semaphore_mem>>, %arg31: memref<!tpu.dma_semaphore, #tpu.memory_space<semaphore_mem>>, %arg32: memref<!tpu.dma_semaphore, #tpu.memory_space<semaphore_mem>>, %arg33: memref<!tpu.dma_semaphore, #tpu.memory_space<semaphore_mem>>) attributes {dimension_semantics = [#tpu.dimension_semantics<core_parallel>, #tpu.dimension_semantics<subcore_parallel>], iteration_bounds = array<i64: 2, 16>, scalar_prefetch = 0 : i64, scratch_operands = 29 : i64, tpu.core_type = #tpu.core_type<sc_vector_subcore>, window_params = [{transform_indices = #map}, {transform_indices = #map1}, {transform_indices = #map1}]} {
    %mul3A = arith.constant 16 : i32
    %mul3A_0 = arith.muli %arg0, %mul3A : i32
    %add3A = arith.addi %mul3A_0, %arg1 : i32
    %broadcast_in_dim3A = arith.constant 0.000000e+00 : f32
    %broadcast_in_dim3A_1 = vector.broadcast %broadcast_in_dim3A : f32 to vector<16xf32>
    %scan3A = arith.constant 0 : i32
    %scan3A_2 = arith.constant 640 : i32
    %scan3A_3 = arith.addi %scan3A, %scan3A_2 : i32
    %scan3A_4 = arith.constant 1 : i32
    scf.for %scan3A_249 = %scan3A to %scan3A_3 step %scan3A_4  : i32 {
      %mul3A_250 = arith.constant 1 : i32
      %mul3A_251 = arith.muli %scan3A_249, %mul3A_250 : i32
      %add3A_252 = arith.constant 0 : i32
      %add3A_253 = arith.addi %add3A_252, %mul3A_251 : i32
      %swap3A = arith.index_cast %add3A_253 : i32 to index
      %swap3A_254 = arith.constant 0 : index
      %swap3A_255 = tpu.vector_load %arg7[%swap3A, %swap3A_254] {strides = array<i32>} : memref<640x16xf32, #tpu.memory_space<vmem>>, vector<1x16xf32>,
      %swap3A_256 = vector.shape_cast %swap3A_255 : vector<1x16xf32> to vector<16xf32>
      %swap3A_257 = vector.shape_cast %broadcast_in_dim3A_1 : vector<16xf32> to vector<1x16xf32>
      tpu.vector_store %arg7[%swap3A, %swap3A_254], %swap3A_257 {strides = array<i32>} : memref<640x16xf32, #tpu.memory_space<vmem>>, vector<1x16xf32>,
    }
    %scan3A_5 = arith.constant 640 : i32
    %mul3A_6 = arith.constant 640 : i32
    %mul3A_7 = arith.muli %arg1, %mul3A_6 : i32
    "tpu.region"() ({
      %run_scoped3A_249 = tpu.sem_alloc : memref<!tpu.dma_semaphore, #tpu.memory_space<semaphore_mem>>
      %dma_start3A_250 = arith.constant 0 : i32
      %dma_start3A_251 = tpu.memref_slice %arg8[%mul3A_7, %dma_start3A_250] : memref<10240x16xf32, #tpu.memory_space<vmem_shared>> -> memref<640x16xf32, #tpu.memory_space<vmem_shared>>
      %dma_start3A_252 = arith.constant 0 : i32
      %dma_start3A_253 = tpu.memref_slice %arg8[%mul3A_7, %dma_start3A_252] : memref<10240x16xf32, #tpu.memory_space<vmem_shared>> -> memref<640x16xf32, #tpu.memory_space<vmem_shared>>
      tpu.enqueue_dma source(%arg7 : memref<640x16xf32, #tpu.memory_space<vmem>>) target(%dma_start3A_253 : memref<640x16xf32, #tpu.memory_space<vmem_shared>>) target_semaphore(%run_scoped3A_249 : memref<!tpu.dma_semaphore, #tpu.memory_space<semaphore_mem>>)
      %dma_wait3A_254 = arith.constant 0 : i32
      %dma_wait3A_255 = tpu.memref_slice %arg8[%mul3A_7, %dma_wait3A_254] : memref<10240x16xf32, #tpu.memory_space<vmem_shared>> -> memref<640x16xf32, #tpu.memory_space<vmem_shared>>
      %dma_wait3A_256 = arith.constant 0 : i32
      %dma_wait3A_257 = tpu.memref_slice %arg8[%mul3A_7, %dma_wait3A_256] : memref<10240x16xf32, #tpu.memory_space<vmem_shared>> -> memref<640x16xf32, #tpu.memory_space<vmem_shared>>
      tpu.wait_dma2 semaphore(%run_scoped3A_249 : memref<!tpu.dma_semaphore, #tpu.memory_space<semaphore_mem>>) src(%arg7 : memref<640x16xf32, #tpu.memory_space<vmem>>) dst(%dma_wait3A_257 : memref<640x16xf32, #tpu.memory_space<vmem_shared>>)
      tpu.yield
    }) : () -> ()
    %mul3A_8 = arith.constant 628 : i32
    %mul3A_9 = arith.muli %arg1, %mul3A_8 : i32
    %mul3A_10 = arith.constant 628 : i32
    %mul3A_11 = arith.muli %arg1, %mul3A_10 : i32
    "tpu.region"() ({
      %run_scoped3A_249 = tpu.sem_alloc : memref<!tpu.dma_semaphore, #tpu.memory_space<semaphore_mem>>
      %dma_start3A_250 = arith.constant 0 : i32
      %dma_start3A_251 = tpu.memref_slice %arg9[%mul3A_11, %dma_start3A_250] : memref<10048x16xf32, #tpu.memory_space<vmem_shared>> -> memref<628x16xf32, #tpu.memory_space<vmem_shared>>
      %dma_start3A_252 = arith.constant 0 : i32
      %dma_start3A_253 = tpu.memref_slice %arg2[%mul3A_9, %dma_start3A_252] : memref<10048x16xf32, #tpu.memory_space<hbm>> -> memref<628x16xf32, #tpu.memory_space<hbm>>
      tpu.enqueue_dma source(%dma_start3A_253 : memref<628x16xf32, #tpu.memory_space<hbm>>) target(%dma_start3A_251 : memref<628x16xf32, #tpu.memory_space<vmem_shared>>) target_semaphore(%run_scoped3A_249 : memref<!tpu.dma_semaphore, #tpu.memory_space<semaphore_mem>>)
      %dma_wait3A_254 = arith.constant 0 : i32
      %dma_wait3A_255 = tpu.memref_slice %arg9[%mul3A_11, %dma_wait3A_254] : memref<10048x16xf32, #tpu.memory_space<vmem_shared>> -> memref<628x16xf32, #tpu.memory_space<vmem_shared>>
      %dma_wait3A_256 = arith.constant 0 : i32
      %dma_wait3A_257 = tpu.memref_slice %arg2[%mul3A_9, %dma_wait3A_256] : memref<10048x16xf32, #tpu.memory_space<hbm>> -> memref<628x16xf32, #tpu.memory_space<hbm>>
      tpu.wait_dma2 semaphore(%run_scoped3A_249 : memref<!tpu.dma_semaphore, #tpu.memory_space<semaphore_mem>>) src(%dma_wait3A_257 : memref<628x16xf32, #tpu.memory_space<hbm>>) dst(%dma_wait3A_255 : memref<628x16xf32, #tpu.memory_space<vmem_shared>>)
      tpu.yield
    }) : () -> ()
    %mul3A_12 = arith.constant 80 : i32
    %mul3A_13 = arith.muli %add3A, %mul3A_12 : i32
    %run_scoped3A = arith.constant 0 : i32
    "tpu.region"() ({
      %run_scoped3A_249 = tpu.sem_alloc : memref<!tpu.dma_semaphore, #tpu.memory_space<semaphore_mem>>
      %dma_start3A_250 = arith.constant 0 : i32
      %dma_start3A_251 = tpu.memref_slice %arg3[%run_scoped3A, %mul3A_13, %dma_start3A_250] : memref<2x2560x128xi32, #tpu.memory_space<hbm>> -> memref<1x80x128xi32, #tpu.memory_space<hbm>>
      %dma_start3A_252 = tpu.memref_squeeze %dma_start3A_251 : memref<1x80x128xi32, #tpu.memory_space<hbm>> -> memref<80x128xi32, #tpu.memory_space<hbm>>
      %dma_start3A_253 = arith.constant 0 : i32
      %dma_start3A_254 = tpu.memref_slice %arg3[%run_scoped3A, %mul3A_13, %dma_start3A_253] : memref<2x2560x128xi32, #tpu.memory_space<hbm>> -> memref<1x80x128xi32, #tpu.memory_space<hbm>>
      %dma_start3A_255 = tpu.memref_squeeze %dma_start3A_254 : memref<1x80x128xi32, #tpu.memory_space<hbm>> -> memref<80x128xi32, #tpu.memory_space<hbm>>
      tpu.enqueue_dma source(%dma_start3A_255 : memref<80x128xi32, #tpu.memory_space<hbm>>) target(%arg5 : memref<80x128xi32, #tpu.memory_space<vmem>>) target_semaphore(%run_scoped3A_249 : memref<!tpu.dma_semaphore, #tpu.memory_space<semaphore_mem>>)
      %dma_wait3A_256 = arith.constant 0 : i32
      %dma_wait3A_257 = tpu.memref_slice %arg3[%run_scoped3A, %mul3A_13, %dma_wait3A_256] : memref<2x2560x128xi32, #tpu.memory_space<hbm>> -> memref<1x80x128xi32, #tpu.memory_space<hbm>>
      %dma_wait3A_258 = tpu.memref_squeeze %dma_wait3A_257 : memref<1x80x128xi32, #tpu.memory_space<hbm>> -> memref<80x128xi32, #tpu.memory_space<hbm>>
      %dma_wait3A_259 = arith.constant 0 : i32
      %dma_wait3A_260 = tpu.memref_slice %arg3[%run_scoped3A, %mul3A_13, %dma_wait3A_259] : memref<2x2560x128xi32, #tpu.memory_space<hbm>> -> memref<1x80x128xi32, #tpu.memory_space<hbm>>
      %dma_wait3A_261 = tpu.memref_squeeze %dma_wait3A_260 : memref<1x80x128xi32, #tpu.memory_space<hbm>> -> memref<80x128xi32, #tpu.memory_space<hbm>>
      tpu.wait_dma2 semaphore(%run_scoped3A_249 : memref<!tpu.dma_semaphore, #tpu.memory_space<semaphore_mem>>) src(%dma_wait3A_261 : memref<80x128xi32, #tpu.memory_space<hbm>>) dst(%arg5 : memref<80x128xi32, #tpu.memory_space<vmem>>)
      tpu.yield
    }) : () -> ()
    %mul3A_14 = arith.constant 80 : i32
    %mul3A_15 = arith.muli %add3A, %mul3A_14 : i32
    %run_scoped3A_16 = arith.constant 1 : i32
    "tpu.region"() ({
      %run_scoped3A_249 = tpu.sem_alloc : memref<!tpu.dma_semaphore, #tpu.memory_space<semaphore_mem>>
      %dma_start3A_250 = arith.constant 0 : i32
      %dma_start3A_251 = tpu.memref_slice %arg3[%run_scoped3A_16, %mul3A_15, %dma_start3A_250] : memref<2x2560x128xi32, #tpu.memory_space<hbm>> -> memref<1x80x128xi32, #tpu.memory_space<hbm>>
      %dma_start3A_252 = tpu.memref_squeeze %dma_start3A_251 : memref<1x80x128xi32, #tpu.memory_space<hbm>> -> memref<80x128xi32, #tpu.memory_space<hbm>>
      %dma_start3A_253 = arith.constant 0 : i32
      %dma_start3A_254 = tpu.memref_slice %arg3[%run_scoped3A_16, %mul3A_15, %dma_start3A_253] : memref<2x2560x128xi32, #tpu.memory_space<hbm>> -> memref<1x80x128xi32, #tpu.memory_space<hbm>>
      %dma_start3A_255 = tpu.memref_squeeze %dma_start3A_254 : memref<1x80x128xi32, #tpu.memory_space<hbm>> -> memref<80x128xi32, #tpu.memory_space<hbm>>
      tpu.enqueue_dma source(%dma_start3A_255 : memref<80x128xi32, #tpu.memory_space<hbm>>) target(%arg6 : memref<80x128xi32, #tpu.memory_space<vmem>>) target_semaphore(%run_scoped3A_249 : memref<!tpu.dma_semaphore, #tpu.memory_space<semaphore_mem>>)
      %dma_wait3A_256 = arith.constant 0 : i32
      %dma_wait3A_257 = tpu.memref_slice %arg3[%run_scoped3A_16, %mul3A_15, %dma_wait3A_256] : memref<2x2560x128xi32, #tpu.memory_space<hbm>> -> memref<1x80x128xi32, #tpu.memory_space<hbm>>
      %dma_wait3A_258 = tpu.memref_squeeze %dma_wait3A_257 : memref<1x80x128xi32, #tpu.memory_space<hbm>> -> memref<80x128xi32, #tpu.memory_space<hbm>>
      %dma_wait3A_259 = arith.constant 0 : i32
      %dma_wait3A_260 = tpu.memref_slice %arg3[%run_scoped3A_16, %mul3A_15, %dma_wait3A_259] : memref<2x2560x128xi32, #tpu.memory_space<hbm>> -> memref<1x80x128xi32, #tpu.memory_space<hbm>>
      %dma_wait3A_261 = tpu.memref_squeeze %dma_wait3A_260 : memref<1x80x128xi32, #tpu.memory_space<hbm>> -> memref<80x128xi32, #tpu.memory_space<hbm>>
      tpu.wait_dma2 semaphore(%run_scoped3A_249 : memref<!tpu.dma_semaphore, #tpu.memory_space<semaphore_mem>>) src(%dma_wait3A_261 : memref<80x128xi32, #tpu.memory_space<hbm>>) dst(%arg6 : memref<80x128xi32, #tpu.memory_space<vmem>>)
      tpu.yield
    }) : () -> ()
    %barrier3A = arith.constant 0 : index
    tpu.barrier barrier_id(%barrier3A)
    %dma_start3A = arith.constant 0 : i32
    %dma_start3A_17 = arith.constant 0 : i32
    %dma_start3A_18 = tpu.memref_slice %arg5[%dma_start3A, %dma_start3A_17] : memref<80x128xi32, #tpu.memory_space<vmem>> -> memref<1x128xi32, #tpu.memory_space<vmem>>
    %dma_start3A_19 = tpu.memref_squeeze %dma_start3A_18 : memref<1x128xi32, #tpu.memory_space<vmem>> -> memref<128xi32, #tpu.memory_space<vmem>>
    %dma_start3A_20 = arith.constant 0 : i32
    %dma_start3A_21 = arith.constant 0 : i32
    %dma_start3A_22 = tpu.memref_slice %arg9[%dma_start3A_20, %dma_start3A_21] : memref<10048x16xf32, #tpu.memory_space<vmem_shared>> -> memref<10048x16xf32, #tpu.memory_space<vmem_shared>>
    tpu.enqueue_indirect_dma source(%dma_start3A_22 : memref<10048x16xf32, #tpu.memory_space<vmem_shared>>) target(%arg10 : memref<128x16xf32, #tpu.memory_space<vmem>>) offsets(%dma_start3A_19 : memref<128xi32, #tpu.memory_space<vmem>>) semaphore(%arg18 : memref<!tpu.dma_semaphore, #tpu.memory_space<semaphore_mem>>)
    %dma_start3A_23 = arith.constant 1 : i32
    %dma_start3A_24 = arith.constant 0 : i32
    %dma_start3A_25 = tpu.memref_slice %arg5[%dma_start3A_23, %dma_start3A_24] : memref<80x128xi32, #tpu.memory_space<vmem>> -> memref<1x128xi32, #tpu.memory_space<vmem>>
    %dma_start3A_26 = tpu.memref_squeeze %dma_start3A_25 : memref<1x128xi32, #tpu.memory_space<vmem>> -> memref<128xi32, #tpu.memory_space<vmem>>
    %dma_start3A_27 = arith.constant 0 : i32
    %dma_start3A_28 = arith.constant 0 : i32
    %dma_start3A_29 = tpu.memref_slice %arg9[%dma_start3A_27, %dma_start3A_28] : memref<10048x16xf32, #tpu.memory_space<vmem_shared>> -> memref<10048x16xf32, #tpu.memory_space<vmem_shared>>
    tpu.enqueue_indirect_dma source(%dma_start3A_29 : memref<10048x16xf32, #tpu.memory_space<vmem_shared>>) target(%arg11 : memref<128x16xf32, #tpu.memory_space<vmem>>) offsets(%dma_start3A_26 : memref<128xi32, #tpu.memory_space<vmem>>) semaphore(%arg19 : memref<!tpu.dma_semaphore, #tpu.memory_space<semaphore_mem>>)
    %dma_start3A_30 = arith.constant 2 : i32
    %dma_start3A_31 = arith.constant 0 : i32
    %dma_start3A_32 = tpu.memref_slice %arg5[%dma_start3A_30, %dma_start3A_31] : memref<80x128xi32, #tpu.memory_space<vmem>> -> memref<1x128xi32, #tpu.memory_space<vmem>>
    %dma_start3A_33 = tpu.memref_squeeze %dma_start3A_32 : memref<1x128xi32, #tpu.memory_space<vmem>> -> memref<128xi32, #tpu.memory_space<vmem>>
    %dma_start3A_34 = arith.constant 0 : i32
    %dma_start3A_35 = arith.constant 0 : i32
    %dma_start3A_36 = tpu.memref_slice %arg9[%dma_start3A_34, %dma_start3A_35] : memref<10048x16xf32, #tpu.memory_space<vmem_shared>> -> memref<10048x16xf32, #tpu.memory_space<vmem_shared>>
    tpu.enqueue_indirect_dma source(%dma_start3A_36 : memref<10048x16xf32, #tpu.memory_space<vmem_shared>>) target(%arg12 : memref<128x16xf32, #tpu.memory_space<vmem>>) offsets(%dma_start3A_33 : memref<128xi32, #tpu.memory_space<vmem>>) semaphore(%arg20 : memref<!tpu.dma_semaphore, #tpu.memory_space<semaphore_mem>>)
    %dma_start3A_37 = arith.constant 3 : i32
    %dma_start3A_38 = arith.constant 0 : i32
    %dma_start3A_39 = tpu.memref_slice %arg5[%dma_start3A_37, %dma_start3A_38] : memref<80x128xi32, #tpu.memory_space<vmem>> -> memref<1x128xi32, #tpu.memory_space<vmem>>
    %dma_start3A_40 = tpu.memref_squeeze %dma_start3A_39 : memref<1x128xi32, #tpu.memory_space<vmem>> -> memref<128xi32, #tpu.memory_space<vmem>>
    %dma_start3A_41 = arith.constant 0 : i32
    %dma_start3A_42 = arith.constant 0 : i32
    %dma_start3A_43 = tpu.memref_slice %arg9[%dma_start3A_41, %dma_start3A_42] : memref<10048x16xf32, #tpu.memory_space<vmem_shared>> -> memref<10048x16xf32, #tpu.memory_space<vmem_shared>>
    tpu.enqueue_indirect_dma source(%dma_start3A_43 : memref<10048x16xf32, #tpu.memory_space<vmem_shared>>) target(%arg13 : memref<128x16xf32, #tpu.memory_space<vmem>>) offsets(%dma_start3A_40 : memref<128xi32, #tpu.memory_space<vmem>>) semaphore(%arg21 : memref<!tpu.dma_semaphore, #tpu.memory_space<semaphore_mem>>)
    %dma_start3A_44 = arith.constant 4 : i32
    %dma_start3A_45 = arith.constant 0 : i32
    %dma_start3A_46 = tpu.memref_slice %arg5[%dma_start3A_44, %dma_start3A_45] : memref<80x128xi32, #tpu.memory_space<vmem>> -> memref<1x128xi32, #tpu.memory_space<vmem>>
    %dma_start3A_47 = tpu.memref_squeeze %dma_start3A_46 : memref<1x128xi32, #tpu.memory_space<vmem>> -> memref<128xi32, #tpu.memory_space<vmem>>
    %dma_start3A_48 = arith.constant 0 : i32
    %dma_start3A_49 = arith.constant 0 : i32
    %dma_start3A_50 = tpu.memref_slice %arg9[%dma_start3A_48, %dma_start3A_49] : memref<10048x16xf32, #tpu.memory_space<vmem_shared>> -> memref<10048x16xf32, #tpu.memory_space<vmem_shared>>
    tpu.enqueue_indirect_dma source(%dma_start3A_50 : memref<10048x16xf32, #tpu.memory_space<vmem_shared>>) target(%arg14 : memref<128x16xf32, #tpu.memory_space<vmem>>) offsets(%dma_start3A_47 : memref<128xi32, #tpu.memory_space<vmem>>) semaphore(%arg22 : memref<!tpu.dma_semaphore, #tpu.memory_space<semaphore_mem>>)
    %dma_start3A_51 = arith.constant 5 : i32
    %dma_start3A_52 = arith.constant 0 : i32
    %dma_start3A_53 = tpu.memref_slice %arg5[%dma_start3A_51, %dma_start3A_52] : memref<80x128xi32, #tpu.memory_space<vmem>> -> memref<1x128xi32, #tpu.memory_space<vmem>>
    %dma_start3A_54 = tpu.memref_squeeze %dma_start3A_53 : memref<1x128xi32, #tpu.memory_space<vmem>> -> memref<128xi32, #tpu.memory_space<vmem>>
    %dma_start3A_55 = arith.constant 0 : i32
    %dma_start3A_56 = arith.constant 0 : i32
    %dma_start3A_57 = tpu.memref_slice %arg9[%dma_start3A_55, %dma_start3A_56] : memref<10048x16xf32, #tpu.memory_space<vmem_shared>> -> memref<10048x16xf32, #tpu.memory_space<vmem_shared>>
    tpu.enqueue_indirect_dma source(%dma_start3A_57 : memref<10048x16xf32, #tpu.memory_space<vmem_shared>>) target(%arg15 : memref<128x16xf32, #tpu.memory_space<vmem>>) offsets(%dma_start3A_54 : memref<128xi32, #tpu.memory_space<vmem>>) semaphore(%arg23 : memref<!tpu.dma_semaphore, #tpu.memory_space<semaphore_mem>>)
    %dma_start3A_58 = arith.constant 6 : i32
    %dma_start3A_59 = arith.constant 0 : i32
    %dma_start3A_60 = tpu.memref_slice %arg5[%dma_start3A_58, %dma_start3A_59] : memref<80x128xi32, #tpu.memory_space<vmem>> -> memref<1x128xi32, #tpu.memory_space<vmem>>
    %dma_start3A_61 = tpu.memref_squeeze %dma_start3A_60 : memref<1x128xi32, #tpu.memory_space<vmem>> -> memref<128xi32, #tpu.memory_space<vmem>>
    %dma_start3A_62 = arith.constant 0 : i32
    %dma_start3A_63 = arith.constant 0 : i32
    %dma_start3A_64 = tpu.memref_slice %arg9[%dma_start3A_62, %dma_start3A_63] : memref<10048x16xf32, #tpu.memory_space<vmem_shared>> -> memref<10048x16xf32, #tpu.memory_space<vmem_shared>>
    tpu.enqueue_indirect_dma source(%dma_start3A_64 : memref<10048x16xf32, #tpu.memory_space<vmem_shared>>) target(%arg16 : memref<128x16xf32, #tpu.memory_space<vmem>>) offsets(%dma_start3A_61 : memref<128xi32, #tpu.memory_space<vmem>>) semaphore(%arg24 : memref<!tpu.dma_semaphore, #tpu.memory_space<semaphore_mem>>)
    %dma_start3A_65 = arith.constant 7 : i32
    %dma_start3A_66 = arith.constant 0 : i32
    %dma_start3A_67 = tpu.memref_slice %arg5[%dma_start3A_65, %dma_start3A_66] : memref<80x128xi32, #tpu.memory_space<vmem>> -> memref<1x128xi32, #tpu.memory_space<vmem>>
    %dma_start3A_68 = tpu.memref_squeeze %dma_start3A_67 : memref<1x128xi32, #tpu.memory_space<vmem>> -> memref<128xi32, #tpu.memory_space<vmem>>
    %dma_start3A_69 = arith.constant 0 : i32
    %dma_start3A_70 = arith.constant 0 : i32
    %dma_start3A_71 = tpu.memref_slice %arg9[%dma_start3A_69, %dma_start3A_70] : memref<10048x16xf32, #tpu.memory_space<vmem_shared>> -> memref<10048x16xf32, #tpu.memory_space<vmem_shared>>
    tpu.enqueue_indirect_dma source(%dma_start3A_71 : memref<10048x16xf32, #tpu.memory_space<vmem_shared>>) target(%arg17 : memref<128x16xf32, #tpu.memory_space<vmem>>) offsets(%dma_start3A_68 : memref<128xi32, #tpu.memory_space<vmem>>) semaphore(%arg25 : memref<!tpu.dma_semaphore, #tpu.memory_space<semaphore_mem>>)
    %scan3A_72 = arith.constant 0 : i32
    %scan3A_73 = arith.constant 9 : i32
    %scan3A_74 = arith.addi %scan3A_72, %scan3A_73 : i32
    %scan3A_75 = arith.constant 1 : i32
    scf.for %scan3A_249 = %scan3A_72 to %scan3A_74 step %scan3A_75  : i32 {
      %mul3A_250 = arith.constant 8 : i32
      %mul3A_251 = arith.muli %scan3A_249, %mul3A_250 : i32
      %add3A_252 = arith.constant 0 : i32
      %add3A_253 = arith.addi %add3A_252, %mul3A_251 : i32
      %add3A_254 = arith.constant 0 : i32
      %add3A_255 = arith.addi %add3A_253, %add3A_254 : i32
      %dma_wait3A_256 = arith.constant 0 : i32
      %dma_wait3A_257 = tpu.memref_slice %arg5[%add3A_255, %dma_wait3A_256] : memref<80x128xi32, #tpu.memory_space<vmem>> -> memref<1x128xi32, #tpu.memory_space<vmem>>
      %dma_wait3A_258 = tpu.memref_squeeze %dma_wait3A_257 : memref<1x128xi32, #tpu.memory_space<vmem>> -> memref<128xi32, #tpu.memory_space<vmem>>
      %dma_wait3A_259 = arith.constant 0 : i32
      %dma_wait3A_260 = arith.constant 0 : i32
      %dma_wait3A_261 = tpu.memref_slice %arg9[%dma_wait3A_259, %dma_wait3A_260] : memref<10048x16xf32, #tpu.memory_space<vmem_shared>> -> memref<10048x16xf32, #tpu.memory_space<vmem_shared>>
      tpu.wait_indirect_dma semaphore(%arg18 : memref<!tpu.dma_semaphore, #tpu.memory_space<semaphore_mem>>) src(%dma_wait3A_261 : memref<10048x16xf32, #tpu.memory_space<vmem_shared>>) dst(%arg10 : memref<128x16xf32, #tpu.memory_space<vmem>>)
      %add3A_262 = arith.constant 0 : i32
      %add3A_263 = arith.addi %add3A_253, %add3A_262 : i32
      %dma_start3A_264 = arith.constant 0 : i32
      %dma_start3A_265 = tpu.memref_slice %arg6[%add3A_263, %dma_start3A_264] : memref<80x128xi32, #tpu.memory_space<vmem>> -> memref<1x128xi32, #tpu.memory_space<vmem>>
      %dma_start3A_266 = tpu.memref_squeeze %dma_start3A_265 : memref<1x128xi32, #tpu.memory_space<vmem>> -> memref<128xi32, #tpu.memory_space<vmem>>
      %dma_start3A_267 = arith.constant 0 : i32
      %dma_start3A_268 = arith.constant 0 : i32
      %dma_start3A_269 = tpu.memref_slice %arg8[%dma_start3A_267, %dma_start3A_268] : memref<10240x16xf32, #tpu.memory_space<vmem_shared>> -> memref<10240x16xf32, #tpu.memory_space<vmem_shared>>
      tpu.enqueue_indirect_dma source(%arg10 : memref<128x16xf32, #tpu.memory_space<vmem>>) target(%dma_start3A_269 : memref<10240x16xf32, #tpu.memory_space<vmem_shared>>) offsets(%dma_start3A_266 : memref<128xi32, #tpu.memory_space<vmem>>) semaphore(%arg26 : memref<!tpu.dma_semaphore, #tpu.memory_space<semaphore_mem>>) {add = true}
      %add3A_270 = arith.constant 1 : i32
      %add3A_271 = arith.addi %add3A_253, %add3A_270 : i32
      %dma_wait3A_272 = arith.constant 0 : i32
      %dma_wait3A_273 = tpu.memref_slice %arg5[%add3A_271, %dma_wait3A_272] : memref<80x128xi32, #tpu.memory_space<vmem>> -> memref<1x128xi32, #tpu.memory_space<vmem>>
      %dma_wait3A_274 = tpu.memref_squeeze %dma_wait3A_273 : memref<1x128xi32, #tpu.memory_space<vmem>> -> memref<128xi32, #tpu.memory_space<vmem>>
      %dma_wait3A_275 = arith.constant 0 : i32
      %dma_wait3A_276 = arith.constant 0 : i32
      %dma_wait3A_277 = tpu.memref_slice %arg9[%dma_wait3A_275, %dma_wait3A_276] : memref<10048x16xf32, #tpu.memory_space<vmem_shared>> -> memref<10048x16xf32, #tpu.memory_space<vmem_shared>>
      tpu.wait_indirect_dma semaphore(%arg19 : memref<!tpu.dma_semaphore, #tpu.memory_space<semaphore_mem>>) src(%dma_wait3A_277 : memref<10048x16xf32, #tpu.memory_space<vmem_shared>>) dst(%arg11 : memref<128x16xf32, #tpu.memory_space<vmem>>)
      %add3A_278 = arith.constant 1 : i32
      %add3A_279 = arith.addi %add3A_253, %add3A_278 : i32
      %dma_start3A_280 = arith.constant 0 : i32
      %dma_start3A_281 = tpu.memref_slice %arg6[%add3A_279, %dma_start3A_280] : memref<80x128xi32, #tpu.memory_space<vmem>> -> memref<1x128xi32, #tpu.memory_space<vmem>>
      %dma_start3A_282 = tpu.memref_squeeze %dma_start3A_281 : memref<1x128xi32, #tpu.memory_space<vmem>> -> memref<128xi32, #tpu.memory_space<vmem>>
      %dma_start3A_283 = arith.constant 0 : i32
      %dma_start3A_284 = arith.constant 0 : i32
      %dma_start3A_285 = tpu.memref_slice %arg8[%dma_start3A_283, %dma_start3A_284] : memref<10240x16xf32, #tpu.memory_space<vmem_shared>> -> memref<10240x16xf32, #tpu.memory_space<vmem_shared>>
      tpu.enqueue_indirect_dma source(%arg11 : memref<128x16xf32, #tpu.memory_space<vmem>>) target(%dma_start3A_285 : memref<10240x16xf32, #tpu.memory_space<vmem_shared>>) offsets(%dma_start3A_282 : memref<128xi32, #tpu.memory_space<vmem>>) semaphore(%arg27 : memref<!tpu.dma_semaphore, #tpu.memory_space<semaphore_mem>>) {add = true}
      %add3A_286 = arith.constant 2 : i32
      %add3A_287 = arith.addi %add3A_253, %add3A_286 : i32
      %dma_wait3A_288 = arith.constant 0 : i32
      %dma_wait3A_289 = tpu.memref_slice %arg5[%add3A_287, %dma_wait3A_288] : memref<80x128xi32, #tpu.memory_space<vmem>> -> memref<1x128xi32, #tpu.memory_space<vmem>>
      %dma_wait3A_290 = tpu.memref_squeeze %dma_wait3A_289 : memref<1x128xi32, #tpu.memory_space<vmem>> -> memref<128xi32, #tpu.memory_space<vmem>>
      %dma_wait3A_291 = arith.constant 0 : i32
      %dma_wait3A_292 = arith.constant 0 : i32
      %dma_wait3A_293 = tpu.memref_slice %arg9[%dma_wait3A_291, %dma_wait3A_292] : memref<10048x16xf32, #tpu.memory_space<vmem_shared>> -> memref<10048x16xf32, #tpu.memory_space<vmem_shared>>
      tpu.wait_indirect_dma semaphore(%arg20 : memref<!tpu.dma_semaphore, #tpu.memory_space<semaphore_mem>>) src(%dma_wait3A_293 : memref<10048x16xf32, #tpu.memory_space<vmem_shared>>) dst(%arg12 : memref<128x16xf32, #tpu.memory_space<vmem>>)
      %add3A_294 = arith.constant 2 : i32
      %add3A_295 = arith.addi %add3A_253, %add3A_294 : i32
      %dma_start3A_296 = arith.constant 0 : i32
      %dma_start3A_297 = tpu.memref_slice %arg6[%add3A_295, %dma_start3A_296] : memref<80x128xi32, #tpu.memory_space<vmem>> -> memref<1x128xi32, #tpu.memory_space<vmem>>
      %dma_start3A_298 = tpu.memref_squeeze %dma_start3A_297 : memref<1x128xi32, #tpu.memory_space<vmem>> -> memref<128xi32, #tpu.memory_space<vmem>>
      %dma_start3A_299 = arith.constant 0 : i32
      %dma_start3A_300 = arith.constant 0 : i32
      %dma_start3A_301 = tpu.memref_slice %arg8[%dma_start3A_299, %dma_start3A_300] : memref<10240x16xf32, #tpu.memory_space<vmem_shared>> -> memref<10240x16xf32, #tpu.memory_space<vmem_shared>>
      tpu.enqueue_indirect_dma source(%arg12 : memref<128x16xf32, #tpu.memory_space<vmem>>) target(%dma_start3A_301 : memref<10240x16xf32, #tpu.memory_space<vmem_shared>>) offsets(%dma_start3A_298 : memref<128xi32, #tpu.memory_space<vmem>>) semaphore(%arg28 : memref<!tpu.dma_semaphore, #tpu.memory_space<semaphore_mem>>) {add = true}
      %add3A_302 = arith.constant 3 : i32
      %add3A_303 = arith.addi %add3A_253, %add3A_302 : i32
      %dma_wait3A_304 = arith.constant 0 : i32
      %dma_wait3A_305 = tpu.memref_slice %arg5[%add3A_303, %dma_wait3A_304] : memref<80x128xi32, #tpu.memory_space<vmem>> -> memref<1x128xi32, #tpu.memory_space<vmem>>
      %dma_wait3A_306 = tpu.memref_squeeze %dma_wait3A_305 : memref<1x128xi32, #tpu.memory_space<vmem>> -> memref<128xi32, #tpu.memory_space<vmem>>
      %dma_wait3A_307 = arith.constant 0 : i32
      %dma_wait3A_308 = arith.constant 0 : i32
      %dma_wait3A_309 = tpu.memref_slice %arg9[%dma_wait3A_307, %dma_wait3A_308] : memref<10048x16xf32, #tpu.memory_space<vmem_shared>> -> memref<10048x16xf32, #tpu.memory_space<vmem_shared>>
      tpu.wait_indirect_dma semaphore(%arg21 : memref<!tpu.dma_semaphore, #tpu.memory_space<semaphore_mem>>) src(%dma_wait3A_309 : memref<10048x16xf32, #tpu.memory_space<vmem_shared>>) dst(%arg13 : memref<128x16xf32, #tpu.memory_space<vmem>>)
      %add3A_310 = arith.constant 3 : i32
      %add3A_311 = arith.addi %add3A_253, %add3A_310 : i32
      %dma_start3A_312 = arith.constant 0 : i32
      %dma_start3A_313 = tpu.memref_slice %arg6[%add3A_311, %dma_start3A_312] : memref<80x128xi32, #tpu.memory_space<vmem>> -> memref<1x128xi32, #tpu.memory_space<vmem>>
      %dma_start3A_314 = tpu.memref_squeeze %dma_start3A_313 : memref<1x128xi32, #tpu.memory_space<vmem>> -> memref<128xi32, #tpu.memory_space<vmem>>
      %dma_start3A_315 = arith.constant 0 : i32
      %dma_start3A_316 = arith.constant 0 : i32
      %dma_start3A_317 = tpu.memref_slice %arg8[%dma_start3A_315, %dma_start3A_316] : memref<10240x16xf32, #tpu.memory_space<vmem_shared>> -> memref<10240x16xf32, #tpu.memory_space<vmem_shared>>
      tpu.enqueue_indirect_dma source(%arg13 : memref<128x16xf32, #tpu.memory_space<vmem>>) target(%dma_start3A_317 : memref<10240x16xf32, #tpu.memory_space<vmem_shared>>) offsets(%dma_start3A_314 : memref<128xi32, #tpu.memory_space<vmem>>) semaphore(%arg29 : memref<!tpu.dma_semaphore, #tpu.memory_space<semaphore_mem>>) {add = true}
      %add3A_318 = arith.constant 4 : i32
      %add3A_319 = arith.addi %add3A_253, %add3A_318 : i32
      %dma_wait3A_320 = arith.constant 0 : i32
      %dma_wait3A_321 = tpu.memref_slice %arg5[%add3A_319, %dma_wait3A_320] : memref<80x128xi32, #tpu.memory_space<vmem>> -> memref<1x128xi32, #tpu.memory_space<vmem>>
      %dma_wait3A_322 = tpu.memref_squeeze %dma_wait3A_321 : memref<1x128xi32, #tpu.memory_space<vmem>> -> memref<128xi32, #tpu.memory_space<vmem>>
      %dma_wait3A_323 = arith.constant 0 : i32
      %dma_wait3A_324 = arith.constant 0 : i32
      %dma_wait3A_325 = tpu.memref_slice %arg9[%dma_wait3A_323, %dma_wait3A_324] : memref<10048x16xf32, #tpu.memory_space<vmem_shared>> -> memref<10048x16xf32, #tpu.memory_space<vmem_shared>>
      tpu.wait_indirect_dma semaphore(%arg22 : memref<!tpu.dma_semaphore, #tpu.memory_space<semaphore_mem>>) src(%dma_wait3A_325 : memref<10048x16xf32, #tpu.memory_space<vmem_shared>>) dst(%arg14 : memref<128x16xf32, #tpu.memory_space<vmem>>)
      %add3A_326 = arith.constant 4 : i32
      %add3A_327 = arith.addi %add3A_253, %add3A_326 : i32
      %dma_start3A_328 = arith.constant 0 : i32
      %dma_start3A_329 = tpu.memref_slice %arg6[%add3A_327, %dma_start3A_328] : memref<80x128xi32, #tpu.memory_space<vmem>> -> memref<1x128xi32, #tpu.memory_space<vmem>>
      %dma_start3A_330 = tpu.memref_squeeze %dma_start3A_329 : memref<1x128xi32, #tpu.memory_space<vmem>> -> memref<128xi32, #tpu.memory_space<vmem>>
      %dma_start3A_331 = arith.constant 0 : i32
      %dma_start3A_332 = arith.constant 0 : i32
      %dma_start3A_333 = tpu.memref_slice %arg8[%dma_start3A_331, %dma_start3A_332] : memref<10240x16xf32, #tpu.memory_space<vmem_shared>> -> memref<10240x16xf32, #tpu.memory_space<vmem_shared>>
      tpu.enqueue_indirect_dma source(%arg14 : memref<128x16xf32, #tpu.memory_space<vmem>>) target(%dma_start3A_333 : memref<10240x16xf32, #tpu.memory_space<vmem_shared>>) offsets(%dma_start3A_330 : memref<128xi32, #tpu.memory_space<vmem>>) semaphore(%arg30 : memref<!tpu.dma_semaphore, #tpu.memory_space<semaphore_mem>>) {add = true}
      %add3A_334 = arith.constant 5 : i32
      %add3A_335 = arith.addi %add3A_253, %add3A_334 : i32
      %dma_wait3A_336 = arith.constant 0 : i32
      %dma_wait3A_337 = tpu.memref_slice %arg5[%add3A_335, %dma_wait3A_336] : memref<80x128xi32, #tpu.memory_space<vmem>> -> memref<1x128xi32, #tpu.memory_space<vmem>>
      %dma_wait3A_338 = tpu.memref_squeeze %dma_wait3A_337 : memref<1x128xi32, #tpu.memory_space<vmem>> -> memref<128xi32, #tpu.memory_space<vmem>>
      %dma_wait3A_339 = arith.constant 0 : i32
      %dma_wait3A_340 = arith.constant 0 : i32
      %dma_wait3A_341 = tpu.memref_slice %arg9[%dma_wait3A_339, %dma_wait3A_340] : memref<10048x16xf32, #tpu.memory_space<vmem_shared>> -> memref<10048x16xf32, #tpu.memory_space<vmem_shared>>
      tpu.wait_indirect_dma semaphore(%arg23 : memref<!tpu.dma_semaphore, #tpu.memory_space<semaphore_mem>>) src(%dma_wait3A_341 : memref<10048x16xf32, #tpu.memory_space<vmem_shared>>) dst(%arg15 : memref<128x16xf32, #tpu.memory_space<vmem>>)
      %add3A_342 = arith.constant 5 : i32
      %add3A_343 = arith.addi %add3A_253, %add3A_342 : i32
      %dma_start3A_344 = arith.constant 0 : i32
      %dma_start3A_345 = tpu.memref_slice %arg6[%add3A_343, %dma_start3A_344] : memref<80x128xi32, #tpu.memory_space<vmem>> -> memref<1x128xi32, #tpu.memory_space<vmem>>
      %dma_start3A_346 = tpu.memref_squeeze %dma_start3A_345 : memref<1x128xi32, #tpu.memory_space<vmem>> -> memref<128xi32, #tpu.memory_space<vmem>>
      %dma_start3A_347 = arith.constant 0 : i32
      %dma_start3A_348 = arith.constant 0 : i32
      %dma_start3A_349 = tpu.memref_slice %arg8[%dma_start3A_347, %dma_start3A_348] : memref<10240x16xf32, #tpu.memory_space<vmem_shared>> -> memref<10240x16xf32, #tpu.memory_space<vmem_shared>>
      tpu.enqueue_indirect_dma source(%arg15 : memref<128x16xf32, #tpu.memory_space<vmem>>) target(%dma_start3A_349 : memref<10240x16xf32, #tpu.memory_space<vmem_shared>>) offsets(%dma_start3A_346 : memref<128xi32, #tpu.memory_space<vmem>>) semaphore(%arg31 : memref<!tpu.dma_semaphore, #tpu.memory_space<semaphore_mem>>) {add = true}
      %add3A_350 = arith.constant 6 : i32
      %add3A_351 = arith.addi %add3A_253, %add3A_350 : i32
      %dma_wait3A_352 = arith.constant 0 : i32
      %dma_wait3A_353 = tpu.memref_slice %arg5[%add3A_351, %dma_wait3A_352] : memref<80x128xi32, #tpu.memory_space<vmem>> -> memref<1x128xi32, #tpu.memory_space<vmem>>
      %dma_wait3A_354 = tpu.memref_squeeze %dma_wait3A_353 : memref<1x128xi32, #tpu.memory_space<vmem>> -> memref<128xi32, #tpu.memory_space<vmem>>
      %dma_wait3A_355 = arith.constant 0 : i32
      %dma_wait3A_356 = arith.constant 0 : i32
      %dma_wait3A_357 = tpu.memref_slice %arg9[%dma_wait3A_355, %dma_wait3A_356] : memref<10048x16xf32, #tpu.memory_space<vmem_shared>> -> memref<10048x16xf32, #tpu.memory_space<vmem_shared>>
      tpu.wait_indirect_dma semaphore(%arg24 : memref<!tpu.dma_semaphore, #tpu.memory_space<semaphore_mem>>) src(%dma_wait3A_357 : memref<10048x16xf32, #tpu.memory_space<vmem_shared>>) dst(%arg16 : memref<128x16xf32, #tpu.memory_space<vmem>>)
      %add3A_358 = arith.constant 6 : i32
      %add3A_359 = arith.addi %add3A_253, %add3A_358 : i32
      %dma_start3A_360 = arith.constant 0 : i32
      %dma_start3A_361 = tpu.memref_slice %arg6[%add3A_359, %dma_start3A_360] : memref<80x128xi32, #tpu.memory_space<vmem>> -> memref<1x128xi32, #tpu.memory_space<vmem>>
      %dma_start3A_362 = tpu.memref_squeeze %dma_start3A_361 : memref<1x128xi32, #tpu.memory_space<vmem>> -> memref<128xi32, #tpu.memory_space<vmem>>
      %dma_start3A_363 = arith.constant 0 : i32
      %dma_start3A_364 = arith.constant 0 : i32
      %dma_start3A_365 = tpu.memref_slice %arg8[%dma_start3A_363, %dma_start3A_364] : memref<10240x16xf32, #tpu.memory_space<vmem_shared>> -> memref<10240x16xf32, #tpu.memory_space<vmem_shared>>
      tpu.enqueue_indirect_dma source(%arg16 : memref<128x16xf32, #tpu.memory_space<vmem>>) target(%dma_start3A_365 : memref<10240x16xf32, #tpu.memory_space<vmem_shared>>) offsets(%dma_start3A_362 : memref<128xi32, #tpu.memory_space<vmem>>) semaphore(%arg32 : memref<!tpu.dma_semaphore, #tpu.memory_space<semaphore_mem>>) {add = true}
      %add3A_366 = arith.constant 7 : i32
      %add3A_367 = arith.addi %add3A_253, %add3A_366 : i32
      %dma_wait3A_368 = arith.constant 0 : i32
      %dma_wait3A_369 = tpu.memref_slice %arg5[%add3A_367, %dma_wait3A_368] : memref<80x128xi32, #tpu.memory_space<vmem>> -> memref<1x128xi32, #tpu.memory_space<vmem>>
      %dma_wait3A_370 = tpu.memref_squeeze %dma_wait3A_369 : memref<1x128xi32, #tpu.memory_space<vmem>> -> memref<128xi32, #tpu.memory_space<vmem>>
      %dma_wait3A_371 = arith.constant 0 : i32
      %dma_wait3A_372 = arith.constant 0 : i32
      %dma_wait3A_373 = tpu.memref_slice %arg9[%dma_wait3A_371, %dma_wait3A_372] : memref<10048x16xf32, #tpu.memory_space<vmem_shared>> -> memref<10048x16xf32, #tpu.memory_space<vmem_shared>>
      tpu.wait_indirect_dma semaphore(%arg25 : memref<!tpu.dma_semaphore, #tpu.memory_space<semaphore_mem>>) src(%dma_wait3A_373 : memref<10048x16xf32, #tpu.memory_space<vmem_shared>>) dst(%arg17 : memref<128x16xf32, #tpu.memory_space<vmem>>)
      %add3A_374 = arith.constant 7 : i32
      %add3A_375 = arith.addi %add3A_253, %add3A_374 : i32
      %dma_start3A_376 = arith.constant 0 : i32
      %dma_start3A_377 = tpu.memref_slice %arg6[%add3A_375, %dma_start3A_376] : memref<80x128xi32, #tpu.memory_space<vmem>> -> memref<1x128xi32, #tpu.memory_space<vmem>>
      %dma_start3A_378 = tpu.memref_squeeze %dma_start3A_377 : memref<1x128xi32, #tpu.memory_space<vmem>> -> memref<128xi32, #tpu.memory_space<vmem>>
      %dma_start3A_379 = arith.constant 0 : i32
      %dma_start3A_380 = arith.constant 0 : i32
      %dma_start3A_381 = tpu.memref_slice %arg8[%dma_start3A_379, %dma_start3A_380] : memref<10240x16xf32, #tpu.memory_space<vmem_shared>> -> memref<10240x16xf32, #tpu.memory_space<vmem_shared>>
      tpu.enqueue_indirect_dma source(%arg17 : memref<128x16xf32, #tpu.memory_space<vmem>>) target(%dma_start3A_381 : memref<10240x16xf32, #tpu.memory_space<vmem_shared>>) offsets(%dma_start3A_378 : memref<128xi32, #tpu.memory_space<vmem>>) semaphore(%arg33 : memref<!tpu.dma_semaphore, #tpu.memory_space<semaphore_mem>>) {add = true}
      %add3A_382 = arith.constant 0 : i32
      %add3A_383 = arith.addi %add3A_253, %add3A_382 : i32
      %dma_wait3A_384 = arith.constant 0 : i32
      %dma_wait3A_385 = tpu.memref_slice %arg6[%add3A_383, %dma_wait3A_384] : memref<80x128xi32, #tpu.memory_space<vmem>> -> memref<1x128xi32, #tpu.memory_space<vmem>>
      %dma_wait3A_386 = tpu.memref_squeeze %dma_wait3A_385 : memref<1x128xi32, #tpu.memory_space<vmem>> -> memref<128xi32, #tpu.memory_space<vmem>>
      %dma_wait3A_387 = arith.constant 0 : i32
      %dma_wait3A_388 = arith.constant 0 : i32
      %dma_wait3A_389 = tpu.memref_slice %arg8[%dma_wait3A_387, %dma_wait3A_388] : memref<10240x16xf32, #tpu.memory_space<vmem_shared>> -> memref<10240x16xf32, #tpu.memory_space<vmem_shared>>
      tpu.wait_indirect_dma semaphore(%arg26 : memref<!tpu.dma_semaphore, #tpu.memory_space<semaphore_mem>>) src(%arg10 : memref<128x16xf32, #tpu.memory_space<vmem>>) dst(%dma_wait3A_389 : memref<10240x16xf32, #tpu.memory_space<vmem_shared>>)
      %add3A_390 = arith.constant 8 : i32
      %add3A_391 = arith.addi %add3A_253, %add3A_390 : i32
      %add3A_392 = arith.constant 0 : i32
      %add3A_393 = arith.addi %add3A_391, %add3A_392 : i32
      %dma_start3A_394 = arith.constant 0 : i32
      %dma_start3A_395 = tpu.memref_slice %arg5[%add3A_393, %dma_start3A_394] : memref<80x128xi32, #tpu.memory_space<vmem>> -> memref<1x128xi32, #tpu.memory_space<vmem>>
      %dma_start3A_396 = tpu.memref_squeeze %dma_start3A_395 : memref<1x128xi32, #tpu.memory_space<vmem>> -> memref<128xi32, #tpu.memory_space<vmem>>
      %dma_start3A_397 = arith.constant 0 : i32
      %dma_start3A_398 = arith.constant 0 : i32
      %dma_start3A_399 = tpu.memref_slice %arg9[%dma_start3A_397, %dma_start3A_398] : memref<10048x16xf32, #tpu.memory_space<vmem_shared>> -> memref<10048x16xf32, #tpu.memory_space<vmem_shared>>
      tpu.enqueue_indirect_dma source(%dma_start3A_399 : memref<10048x16xf32, #tpu.memory_space<vmem_shared>>) target(%arg10 : memref<128x16xf32, #tpu.memory_space<vmem>>) offsets(%dma_start3A_396 : memref<128xi32, #tpu.memory_space<vmem>>) semaphore(%arg18 : memref<!tpu.dma_semaphore, #tpu.memory_space<semaphore_mem>>)
      %add3A_400 = arith.constant 1 : i32
      %add3A_401 = arith.addi %add3A_253, %add3A_400 : i32
      %dma_wait3A_402 = arith.constant 0 : i32
      %dma_wait3A_403 = tpu.memref_slice %arg6[%add3A_401, %dma_wait3A_402] : memref<80x128xi32, #tpu.memory_space<vmem>> -> memref<1x128xi32, #tpu.memory_space<vmem>>
      %dma_wait3A_404 = tpu.memref_squeeze %dma_wait3A_403 : memref<1x128xi32, #tpu.memory_space<vmem>> -> memref<128xi32, #tpu.memory_space<vmem>>
      %dma_wait3A_405 = arith.constant 0 : i32
      %dma_wait3A_406 = arith.constant 0 : i32
      %dma_wait3A_407 = tpu.memref_slice %arg8[%dma_wait3A_405, %dma_wait3A_406] : memref<10240x16xf32, #tpu.memory_space<vmem_shared>> -> memref<10240x16xf32, #tpu.memory_space<vmem_shared>>
      tpu.wait_indirect_dma semaphore(%arg27 : memref<!tpu.dma_semaphore, #tpu.memory_space<semaphore_mem>>) src(%arg11 : memref<128x16xf32, #tpu.memory_space<vmem>>) dst(%dma_wait3A_407 : memref<10240x16xf32, #tpu.memory_space<vmem_shared>>)
      %add3A_408 = arith.constant 8 : i32
      %add3A_409 = arith.addi %add3A_253, %add3A_408 : i32
      %add3A_410 = arith.constant 1 : i32
      %add3A_411 = arith.addi %add3A_409, %add3A_410 : i32
      %dma_start3A_412 = arith.constant 0 : i32
      %dma_start3A_413 = tpu.memref_slice %arg5[%add3A_411, %dma_start3A_412] : memref<80x128xi32, #tpu.memory_space<vmem>> -> memref<1x128xi32, #tpu.memory_space<vmem>>
      %dma_start3A_414 = tpu.memref_squeeze %dma_start3A_413 : memref<1x128xi32, #tpu.memory_space<vmem>> -> memref<128xi32, #tpu.memory_space<vmem>>
      %dma_start3A_415 = arith.constant 0 : i32
      %dma_start3A_416 = arith.constant 0 : i32
      %dma_start3A_417 = tpu.memref_slice %arg9[%dma_start3A_415, %dma_start3A_416] : memref<10048x16xf32, #tpu.memory_space<vmem_shared>> -> memref<10048x16xf32, #tpu.memory_space<vmem_shared>>
      tpu.enqueue_indirect_dma source(%dma_start3A_417 : memref<10048x16xf32, #tpu.memory_space<vmem_shared>>) target(%arg11 : memref<128x16xf32, #tpu.memory_space<vmem>>) offsets(%dma_start3A_414 : memref<128xi32, #tpu.memory_space<vmem>>) semaphore(%arg19 : memref<!tpu.dma_semaphore, #tpu.memory_space<semaphore_mem>>)
      %add3A_418 = arith.constant 2 : i32
      %add3A_419 = arith.addi %add3A_253, %add3A_418 : i32
      %dma_wait3A_420 = arith.constant 0 : i32
      %dma_wait3A_421 = tpu.memref_slice %arg6[%add3A_419, %dma_wait3A_420] : memref<80x128xi32, #tpu.memory_space<vmem>> -> memref<1x128xi32, #tpu.memory_space<vmem>>
      %dma_wait3A_422 = tpu.memref_squeeze %dma_wait3A_421 : memref<1x128xi32, #tpu.memory_space<vmem>> -> memref<128xi32, #tpu.memory_space<vmem>>
      %dma_wait3A_423 = arith.constant 0 : i32
      %dma_wait3A_424 = arith.constant 0 : i32
      %dma_wait3A_425 = tpu.memref_slice %arg8[%dma_wait3A_423, %dma_wait3A_424] : memref<10240x16xf32, #tpu.memory_space<vmem_shared>> -> memref<10240x16xf32, #tpu.memory_space<vmem_shared>>
      tpu.wait_indirect_dma semaphore(%arg28 : memref<!tpu.dma_semaphore, #tpu.memory_space<semaphore_mem>>) src(%arg12 : memref<128x16xf32, #tpu.memory_space<vmem>>) dst(%dma_wait3A_425 : memref<10240x16xf32, #tpu.memory_space<vmem_shared>>)
      %add3A_426 = arith.constant 8 : i32
      %add3A_427 = arith.addi %add3A_253, %add3A_426 : i32
      %add3A_428 = arith.constant 2 : i32
      %add3A_429 = arith.addi %add3A_427, %add3A_428 : i32
      %dma_start3A_430 = arith.constant 0 : i32
      %dma_start3A_431 = tpu.memref_slice %arg5[%add3A_429, %dma_start3A_430] : memref<80x128xi32, #tpu.memory_space<vmem>> -> memref<1x128xi32, #tpu.memory_space<vmem>>
      %dma_start3A_432 = tpu.memref_squeeze %dma_start3A_431 : memref<1x128xi32, #tpu.memory_space<vmem>> -> memref<128xi32, #tpu.memory_space<vmem>>
      %dma_start3A_433 = arith.constant 0 : i32
      %dma_start3A_434 = arith.constant 0 : i32
      %dma_start3A_435 = tpu.memref_slice %arg9[%dma_start3A_433, %dma_start3A_434] : memref<10048x16xf32, #tpu.memory_space<vmem_shared>> -> memref<10048x16xf32, #tpu.memory_space<vmem_shared>>
      tpu.enqueue_indirect_dma source(%dma_start3A_435 : memref<10048x16xf32, #tpu.memory_space<vmem_shared>>) target(%arg12 : memref<128x16xf32, #tpu.memory_space<vmem>>) offsets(%dma_start3A_432 : memref<128xi32, #tpu.memory_space<vmem>>) semaphore(%arg20 : memref<!tpu.dma_semaphore, #tpu.memory_space<semaphore_mem>>)
      %add3A_436 = arith.constant 3 : i32
      %add3A_437 = arith.addi %add3A_253, %add3A_436 : i32
      %dma_wait3A_438 = arith.constant 0 : i32
      %dma_wait3A_439 = tpu.memref_slice %arg6[%add3A_437, %dma_wait3A_438] : memref<80x128xi32, #tpu.memory_space<vmem>> -> memref<1x128xi32, #tpu.memory_space<vmem>>
      %dma_wait3A_440 = tpu.memref_squeeze %dma_wait3A_439 : memref<1x128xi32, #tpu.memory_space<vmem>> -> memref<128xi32, #tpu.memory_space<vmem>>
      %dma_wait3A_441 = arith.constant 0 : i32
      %dma_wait3A_442 = arith.constant 0 : i32
      %dma_wait3A_443 = tpu.memref_slice %arg8[%dma_wait3A_441, %dma_wait3A_442] : memref<10240x16xf32, #tpu.memory_space<vmem_shared>> -> memref<10240x16xf32, #tpu.memory_space<vmem_shared>>
      tpu.wait_indirect_dma semaphore(%arg29 : memref<!tpu.dma_semaphore, #tpu.memory_space<semaphore_mem>>) src(%arg13 : memref<128x16xf32, #tpu.memory_space<vmem>>) dst(%dma_wait3A_443 : memref<10240x16xf32, #tpu.memory_space<vmem_shared>>)
      %add3A_444 = arith.constant 8 : i32
      %add3A_445 = arith.addi %add3A_253, %add3A_444 : i32
      %add3A_446 = arith.constant 3 : i32
      %add3A_447 = arith.addi %add3A_445, %add3A_446 : i32
      %dma_start3A_448 = arith.constant 0 : i32
      %dma_start3A_449 = tpu.memref_slice %arg5[%add3A_447, %dma_start3A_448] : memref<80x128xi32, #tpu.memory_space<vmem>> -> memref<1x128xi32, #tpu.memory_space<vmem>>
      %dma_start3A_450 = tpu.memref_squeeze %dma_start3A_449 : memref<1x128xi32, #tpu.memory_space<vmem>> -> memref<128xi32, #tpu.memory_space<vmem>>
      %dma_start3A_451 = arith.constant 0 : i32
      %dma_start3A_452 = arith.constant 0 : i32
      %dma_start3A_453 = tpu.memref_slice %arg9[%dma_start3A_451, %dma_start3A_452] : memref<10048x16xf32, #tpu.memory_space<vmem_shared>> -> memref<10048x16xf32, #tpu.memory_space<vmem_shared>>
      tpu.enqueue_indirect_dma source(%dma_start3A_453 : memref<10048x16xf32, #tpu.memory_space<vmem_shared>>) target(%arg13 : memref<128x16xf32, #tpu.memory_space<vmem>>) offsets(%dma_start3A_450 : memref<128xi32, #tpu.memory_space<vmem>>) semaphore(%arg21 : memref<!tpu.dma_semaphore, #tpu.memory_space<semaphore_mem>>)
      %add3A_454 = arith.constant 4 : i32
      %add3A_455 = arith.addi %add3A_253, %add3A_454 : i32
      %dma_wait3A_456 = arith.constant 0 : i32
      %dma_wait3A_457 = tpu.memref_slice %arg6[%add3A_455, %dma_wait3A_456] : memref<80x128xi32, #tpu.memory_space<vmem>> -> memref<1x128xi32, #tpu.memory_space<vmem>>
      %dma_wait3A_458 = tpu.memref_squeeze %dma_wait3A_457 : memref<1x128xi32, #tpu.memory_space<vmem>> -> memref<128xi32, #tpu.memory_space<vmem>>
      %dma_wait3A_459 = arith.constant 0 : i32
      %dma_wait3A_460 = arith.constant 0 : i32
      %dma_wait3A_461 = tpu.memref_slice %arg8[%dma_wait3A_459, %dma_wait3A_460] : memref<10240x16xf32, #tpu.memory_space<vmem_shared>> -> memref<10240x16xf32, #tpu.memory_space<vmem_shared>>
      tpu.wait_indirect_dma semaphore(%arg30 : memref<!tpu.dma_semaphore, #tpu.memory_space<semaphore_mem>>) src(%arg14 : memref<128x16xf32, #tpu.memory_space<vmem>>) dst(%dma_wait3A_461 : memref<10240x16xf32, #tpu.memory_space<vmem_shared>>)
      %add3A_462 = arith.constant 8 : i32
      %add3A_463 = arith.addi %add3A_253, %add3A_462 : i32
      %add3A_464 = arith.constant 4 : i32
      %add3A_465 = arith.addi %add3A_463, %add3A_464 : i32
      %dma_start3A_466 = arith.constant 0 : i32
      %dma_start3A_467 = tpu.memref_slice %arg5[%add3A_465, %dma_start3A_466] : memref<80x128xi32, #tpu.memory_space<vmem>> -> memref<1x128xi32, #tpu.memory_space<vmem>>
      %dma_start3A_468 = tpu.memref_squeeze %dma_start3A_467 : memref<1x128xi32, #tpu.memory_space<vmem>> -> memref<128xi32, #tpu.memory_space<vmem>>
      %dma_start3A_469 = arith.constant 0 : i32
      %dma_start3A_470 = arith.constant 0 : i32
      %dma_start3A_471 = tpu.memref_slice %arg9[%dma_start3A_469, %dma_start3A_470] : memref<10048x16xf32, #tpu.memory_space<vmem_shared>> -> memref<10048x16xf32, #tpu.memory_space<vmem_shared>>
      tpu.enqueue_indirect_dma source(%dma_start3A_471 : memref<10048x16xf32, #tpu.memory_space<vmem_shared>>) target(%arg14 : memref<128x16xf32, #tpu.memory_space<vmem>>) offsets(%dma_start3A_468 : memref<128xi32, #tpu.memory_space<vmem>>) semaphore(%arg22 : memref<!tpu.dma_semaphore, #tpu.memory_space<semaphore_mem>>)
      %add3A_472 = arith.constant 5 : i32
      %add3A_473 = arith.addi %add3A_253, %add3A_472 : i32
      %dma_wait3A_474 = arith.constant 0 : i32
      %dma_wait3A_475 = tpu.memref_slice %arg6[%add3A_473, %dma_wait3A_474] : memref<80x128xi32, #tpu.memory_space<vmem>> -> memref<1x128xi32, #tpu.memory_space<vmem>>
      %dma_wait3A_476 = tpu.memref_squeeze %dma_wait3A_475 : memref<1x128xi32, #tpu.memory_space<vmem>> -> memref<128xi32, #tpu.memory_space<vmem>>
      %dma_wait3A_477 = arith.constant 0 : i32
      %dma_wait3A_478 = arith.constant 0 : i32
      %dma_wait3A_479 = tpu.memref_slice %arg8[%dma_wait3A_477, %dma_wait3A_478] : memref<10240x16xf32, #tpu.memory_space<vmem_shared>> -> memref<10240x16xf32, #tpu.memory_space<vmem_shared>>
      tpu.wait_indirect_dma semaphore(%arg31 : memref<!tpu.dma_semaphore, #tpu.memory_space<semaphore_mem>>) src(%arg15 : memref<128x16xf32, #tpu.memory_space<vmem>>) dst(%dma_wait3A_479 : memref<10240x16xf32, #tpu.memory_space<vmem_shared>>)
      %add3A_480 = arith.constant 8 : i32
      %add3A_481 = arith.addi %add3A_253, %add3A_480 : i32
      %add3A_482 = arith.constant 5 : i32
      %add3A_483 = arith.addi %add3A_481, %add3A_482 : i32
      %dma_start3A_484 = arith.constant 0 : i32
      %dma_start3A_485 = tpu.memref_slice %arg5[%add3A_483, %dma_start3A_484] : memref<80x128xi32, #tpu.memory_space<vmem>> -> memref<1x128xi32, #tpu.memory_space<vmem>>
      %dma_start3A_486 = tpu.memref_squeeze %dma_start3A_485 : memref<1x128xi32, #tpu.memory_space<vmem>> -> memref<128xi32, #tpu.memory_space<vmem>>
      %dma_start3A_487 = arith.constant 0 : i32
      %dma_start3A_488 = arith.constant 0 : i32
      %dma_start3A_489 = tpu.memref_slice %arg9[%dma_start3A_487, %dma_start3A_488] : memref<10048x16xf32, #tpu.memory_space<vmem_shared>> -> memref<10048x16xf32, #tpu.memory_space<vmem_shared>>
      tpu.enqueue_indirect_dma source(%dma_start3A_489 : memref<10048x16xf32, #tpu.memory_space<vmem_shared>>) target(%arg15 : memref<128x16xf32, #tpu.memory_space<vmem>>) offsets(%dma_start3A_486 : memref<128xi32, #tpu.memory_space<vmem>>) semaphore(%arg23 : memref<!tpu.dma_semaphore, #tpu.memory_space<semaphore_mem>>)
      %add3A_490 = arith.constant 6 : i32
      %add3A_491 = arith.addi %add3A_253, %add3A_490 : i32
      %dma_wait3A_492 = arith.constant 0 : i32
      %dma_wait3A_493 = tpu.memref_slice %arg6[%add3A_491, %dma_wait3A_492] : memref<80x128xi32, #tpu.memory_space<vmem>> -> memref<1x128xi32, #tpu.memory_space<vmem>>
      %dma_wait3A_494 = tpu.memref_squeeze %dma_wait3A_493 : memref<1x128xi32, #tpu.memory_space<vmem>> -> memref<128xi32, #tpu.memory_space<vmem>>
      %dma_wait3A_495 = arith.constant 0 : i32
      %dma_wait3A_496 = arith.constant 0 : i32
      %dma_wait3A_497 = tpu.memref_slice %arg8[%dma_wait3A_495, %dma_wait3A_496] : memref<10240x16xf32, #tpu.memory_space<vmem_shared>> -> memref<10240x16xf32, #tpu.memory_space<vmem_shared>>
      tpu.wait_indirect_dma semaphore(%arg32 : memref<!tpu.dma_semaphore, #tpu.memory_space<semaphore_mem>>) src(%arg16 : memref<128x16xf32, #tpu.memory_space<vmem>>) dst(%dma_wait3A_497 : memref<10240x16xf32, #tpu.memory_space<vmem_shared>>)
      %add3A_498 = arith.constant 8 : i32
      %add3A_499 = arith.addi %add3A_253, %add3A_498 : i32
      %add3A_500 = arith.constant 6 : i32
      %add3A_501 = arith.addi %add3A_499, %add3A_500 : i32
      %dma_start3A_502 = arith.constant 0 : i32
      %dma_start3A_503 = tpu.memref_slice %arg5[%add3A_501, %dma_start3A_502] : memref<80x128xi32, #tpu.memory_space<vmem>> -> memref<1x128xi32, #tpu.memory_space<vmem>>
      %dma_start3A_504 = tpu.memref_squeeze %dma_start3A_503 : memref<1x128xi32, #tpu.memory_space<vmem>> -> memref<128xi32, #tpu.memory_space<vmem>>
      %dma_start3A_505 = arith.constant 0 : i32
      %dma_start3A_506 = arith.constant 0 : i32
      %dma_start3A_507 = tpu.memref_slice %arg9[%dma_start3A_505, %dma_start3A_506] : memref<10048x16xf32, #tpu.memory_space<vmem_shared>> -> memref<10048x16xf32, #tpu.memory_space<vmem_shared>>
      tpu.enqueue_indirect_dma source(%dma_start3A_507 : memref<10048x16xf32, #tpu.memory_space<vmem_shared>>) target(%arg16 : memref<128x16xf32, #tpu.memory_space<vmem>>) offsets(%dma_start3A_504 : memref<128xi32, #tpu.memory_space<vmem>>) semaphore(%arg24 : memref<!tpu.dma_semaphore, #tpu.memory_space<semaphore_mem>>)
      %add3A_508 = arith.constant 7 : i32
      %add3A_509 = arith.addi %add3A_253, %add3A_508 : i32
      %dma_wait3A_510 = arith.constant 0 : i32
      %dma_wait3A_511 = tpu.memref_slice %arg6[%add3A_509, %dma_wait3A_510] : memref<80x128xi32, #tpu.memory_space<vmem>> -> memref<1x128xi32, #tpu.memory_space<vmem>>
      %dma_wait3A_512 = tpu.memref_squeeze %dma_wait3A_511 : memref<1x128xi32, #tpu.memory_space<vmem>> -> memref<128xi32, #tpu.memory_space<vmem>>
      %dma_wait3A_513 = arith.constant 0 : i32
      %dma_wait3A_514 = arith.constant 0 : i32
      %dma_wait3A_515 = tpu.memref_slice %arg8[%dma_wait3A_513, %dma_wait3A_514] : memref<10240x16xf32, #tpu.memory_space<vmem_shared>> -> memref<10240x16xf32, #tpu.memory_space<vmem_shared>>
      tpu.wait_indirect_dma semaphore(%arg33 : memref<!tpu.dma_semaphore, #tpu.memory_space<semaphore_mem>>) src(%arg17 : memref<128x16xf32, #tpu.memory_space<vmem>>) dst(%dma_wait3A_515 : memref<10240x16xf32, #tpu.memory_space<vmem_shared>>)
      %add3A_516 = arith.constant 8 : i32
      %add3A_517 = arith.addi %add3A_253, %add3A_516 : i32
      %add3A_518 = arith.constant 7 : i32
      %add3A_519 = arith.addi %add3A_517, %add3A_518 : i32
      %dma_start3A_520 = arith.constant 0 : i32
      %dma_start3A_521 = tpu.memref_slice %arg5[%add3A_519, %dma_start3A_520] : memref<80x128xi32, #tpu.memory_space<vmem>> -> memref<1x128xi32, #tpu.memory_space<vmem>>
      %dma_start3A_522 = tpu.memref_squeeze %dma_start3A_521 : memref<1x128xi32, #tpu.memory_space<vmem>> -> memref<128xi32, #tpu.memory_space<vmem>>
      %dma_start3A_523 = arith.constant 0 : i32
      %dma_start3A_524 = arith.constant 0 : i32
      %dma_start3A_525 = tpu.memref_slice %arg9[%dma_start3A_523, %dma_start3A_524] : memref<10048x16xf32, #tpu.memory_space<vmem_shared>> -> memref<10048x16xf32, #tpu.memory_space<vmem_shared>>
      tpu.enqueue_indirect_dma source(%dma_start3A_525 : memref<10048x16xf32, #tpu.memory_space<vmem_shared>>) target(%arg17 : memref<128x16xf32, #tpu.memory_space<vmem>>) offsets(%dma_start3A_522 : memref<128xi32, #tpu.memory_space<vmem>>) semaphore(%arg25 : memref<!tpu.dma_semaphore, #tpu.memory_space<semaphore_mem>>)
    }
    %scan3A_76 = arith.constant 9 : i32
    %dma_wait3A = arith.constant 72 : i32
    %dma_wait3A_77 = arith.constant 0 : i32
    %dma_wait3A_78 = tpu.memref_slice %arg5[%dma_wait3A, %dma_wait3A_77] : memref<80x128xi32, #tpu.memory_space<vmem>> -> memref<1x128xi32, #tpu.memory_space<vmem>>
    %dma_wait3A_79 = tpu.memref_squeeze %dma_wait3A_78 : memref<1x128xi32, #tpu.memory_space<vmem>> -> memref<128xi32, #tpu.memory_space<vmem>>
    %dma_wait3A_80 = arith.constant 0 : i32
    %dma_wait3A_81 = arith.constant 0 : i32
    %dma_wait3A_82 = tpu.memref_slice %arg9[%dma_wait3A_80, %dma_wait3A_81] : memref<10048x16xf32, #tpu.memory_space<vmem_shared>> -> memref<10048x16xf32, #tpu.memory_space<vmem_shared>>
    tpu.wait_indirect_dma semaphore(%arg18 : memref<!tpu.dma_semaphore, #tpu.memory_space<semaphore_mem>>) src(%dma_wait3A_82 : memref<10048x16xf32, #tpu.memory_space<vmem_shared>>) dst(%arg10 : memref<128x16xf32, #tpu.memory_space<vmem>>)
    %dma_start3A_83 = arith.constant 72 : i32
    %dma_start3A_84 = arith.constant 0 : i32
    %dma_start3A_85 = tpu.memref_slice %arg6[%dma_start3A_83, %dma_start3A_84] : memref<80x128xi32, #tpu.memory_space<vmem>> -> memref<1x128xi32, #tpu.memory_space<vmem>>
    %dma_start3A_86 = tpu.memref_squeeze %dma_start3A_85 : memref<1x128xi32, #tpu.memory_space<vmem>> -> memref<128xi32, #tpu.memory_space<vmem>>
    %dma_start3A_87 = arith.constant 0 : i32
    %dma_start3A_88 = arith.constant 0 : i32
    %dma_start3A_89 = tpu.memref_slice %arg8[%dma_start3A_87, %dma_start3A_88] : memref<10240x16xf32, #tpu.memory_space<vmem_shared>> -> memref<10240x16xf32, #tpu.memory_space<vmem_shared>>
    tpu.enqueue_indirect_dma source(%arg10 : memref<128x16xf32, #tpu.memory_space<vmem>>) target(%dma_start3A_89 : memref<10240x16xf32, #tpu.memory_space<vmem_shared>>) offsets(%dma_start3A_86 : memref<128xi32, #tpu.memory_space<vmem>>) semaphore(%arg26 : memref<!tpu.dma_semaphore, #tpu.memory_space<semaphore_mem>>) {add = true}
    %dma_wait3A_90 = arith.constant 73 : i32
    %dma_wait3A_91 = arith.constant 0 : i32
    %dma_wait3A_92 = tpu.memref_slice %arg5[%dma_wait3A_90, %dma_wait3A_91] : memref<80x128xi32, #tpu.memory_space<vmem>> -> memref<1x128xi32, #tpu.memory_space<vmem>>
    %dma_wait3A_93 = tpu.memref_squeeze %dma_wait3A_92 : memref<1x128xi32, #tpu.memory_space<vmem>> -> memref<128xi32, #tpu.memory_space<vmem>>
    %dma_wait3A_94 = arith.constant 0 : i32
    %dma_wait3A_95 = arith.constant 0 : i32
    %dma_wait3A_96 = tpu.memref_slice %arg9[%dma_wait3A_94, %dma_wait3A_95] : memref<10048x16xf32, #tpu.memory_space<vmem_shared>> -> memref<10048x16xf32, #tpu.memory_space<vmem_shared>>
    tpu.wait_indirect_dma semaphore(%arg19 : memref<!tpu.dma_semaphore, #tpu.memory_space<semaphore_mem>>) src(%dma_wait3A_96 : memref<10048x16xf32, #tpu.memory_space<vmem_shared>>) dst(%arg11 : memref<128x16xf32, #tpu.memory_space<vmem>>)
    %dma_start3A_97 = arith.constant 73 : i32
    %dma_start3A_98 = arith.constant 0 : i32
    %dma_start3A_99 = tpu.memref_slice %arg6[%dma_start3A_97, %dma_start3A_98] : memref<80x128xi32, #tpu.memory_space<vmem>> -> memref<1x128xi32, #tpu.memory_space<vmem>>
    %dma_start3A_100 = tpu.memref_squeeze %dma_start3A_99 : memref<1x128xi32, #tpu.memory_space<vmem>> -> memref<128xi32, #tpu.memory_space<vmem>>
    %dma_start3A_101 = arith.constant 0 : i32
    %dma_start3A_102 = arith.constant 0 : i32
    %dma_start3A_103 = tpu.memref_slice %arg8[%dma_start3A_101, %dma_start3A_102] : memref<10240x16xf32, #tpu.memory_space<vmem_shared>> -> memref<10240x16xf32, #tpu.memory_space<vmem_shared>>
    tpu.enqueue_indirect_dma source(%arg11 : memref<128x16xf32, #tpu.memory_space<vmem>>) target(%dma_start3A_103 : memref<10240x16xf32, #tpu.memory_space<vmem_shared>>) offsets(%dma_start3A_100 : memref<128xi32, #tpu.memory_space<vmem>>) semaphore(%arg27 : memref<!tpu.dma_semaphore, #tpu.memory_space<semaphore_mem>>) {add = true}
    %dma_wait3A_104 = arith.constant 74 : i32
    %dma_wait3A_105 = arith.constant 0 : i32
    %dma_wait3A_106 = tpu.memref_slice %arg5[%dma_wait3A_104, %dma_wait3A_105] : memref<80x128xi32, #tpu.memory_space<vmem>> -> memref<1x128xi32, #tpu.memory_space<vmem>>
    %dma_wait3A_107 = tpu.memref_squeeze %dma_wait3A_106 : memref<1x128xi32, #tpu.memory_space<vmem>> -> memref<128xi32, #tpu.memory_space<vmem>>
    %dma_wait3A_108 = arith.constant 0 : i32
    %dma_wait3A_109 = arith.constant 0 : i32
    %dma_wait3A_110 = tpu.memref_slice %arg9[%dma_wait3A_108, %dma_wait3A_109] : memref<10048x16xf32, #tpu.memory_space<vmem_shared>> -> memref<10048x16xf32, #tpu.memory_space<vmem_shared>>
    tpu.wait_indirect_dma semaphore(%arg20 : memref<!tpu.dma_semaphore, #tpu.memory_space<semaphore_mem>>) src(%dma_wait3A_110 : memref<10048x16xf32, #tpu.memory_space<vmem_shared>>) dst(%arg12 : memref<128x16xf32, #tpu.memory_space<vmem>>)
    %dma_start3A_111 = arith.constant 74 : i32
    %dma_start3A_112 = arith.constant 0 : i32
    %dma_start3A_113 = tpu.memref_slice %arg6[%dma_start3A_111, %dma_start3A_112] : memref<80x128xi32, #tpu.memory_space<vmem>> -> memref<1x128xi32, #tpu.memory_space<vmem>>
    %dma_start3A_114 = tpu.memref_squeeze %dma_start3A_113 : memref<1x128xi32, #tpu.memory_space<vmem>> -> memref<128xi32, #tpu.memory_space<vmem>>
    %dma_start3A_115 = arith.constant 0 : i32
    %dma_start3A_116 = arith.constant 0 : i32
    %dma_start3A_117 = tpu.memref_slice %arg8[%dma_start3A_115, %dma_start3A_116] : memref<10240x16xf32, #tpu.memory_space<vmem_shared>> -> memref<10240x16xf32, #tpu.memory_space<vmem_shared>>
    tpu.enqueue_indirect_dma source(%arg12 : memref<128x16xf32, #tpu.memory_space<vmem>>) target(%dma_start3A_117 : memref<10240x16xf32, #tpu.memory_space<vmem_shared>>) offsets(%dma_start3A_114 : memref<128xi32, #tpu.memory_space<vmem>>) semaphore(%arg28 : memref<!tpu.dma_semaphore, #tpu.memory_space<semaphore_mem>>) {add = true}
    %dma_wait3A_118 = arith.constant 75 : i32
    %dma_wait3A_119 = arith.constant 0 : i32
    %dma_wait3A_120 = tpu.memref_slice %arg5[%dma_wait3A_118, %dma_wait3A_119] : memref<80x128xi32, #tpu.memory_space<vmem>> -> memref<1x128xi32, #tpu.memory_space<vmem>>
    %dma_wait3A_121 = tpu.memref_squeeze %dma_wait3A_120 : memref<1x128xi32, #tpu.memory_space<vmem>> -> memref<128xi32, #tpu.memory_space<vmem>>
    %dma_wait3A_122 = arith.constant 0 : i32
    %dma_wait3A_123 = arith.constant 0 : i32
    %dma_wait3A_124 = tpu.memref_slice %arg9[%dma_wait3A_122, %dma_wait3A_123] : memref<10048x16xf32, #tpu.memory_space<vmem_shared>> -> memref<10048x16xf32, #tpu.memory_space<vmem_shared>>
    tpu.wait_indirect_dma semaphore(%arg21 : memref<!tpu.dma_semaphore, #tpu.memory_space<semaphore_mem>>) src(%dma_wait3A_124 : memref<10048x16xf32, #tpu.memory_space<vmem_shared>>) dst(%arg13 : memref<128x16xf32, #tpu.memory_space<vmem>>)
    %dma_start3A_125 = arith.constant 75 : i32
    %dma_start3A_126 = arith.constant 0 : i32
    %dma_start3A_127 = tpu.memref_slice %arg6[%dma_start3A_125, %dma_start3A_126] : memref<80x128xi32, #tpu.memory_space<vmem>> -> memref<1x128xi32, #tpu.memory_space<vmem>>
    %dma_start3A_128 = tpu.memref_squeeze %dma_start3A_127 : memref<1x128xi32, #tpu.memory_space<vmem>> -> memref<128xi32, #tpu.memory_space<vmem>>
    %dma_start3A_129 = arith.constant 0 : i32
    %dma_start3A_130 = arith.constant 0 : i32
    %dma_start3A_131 = tpu.memref_slice %arg8[%dma_start3A_129, %dma_start3A_130] : memref<10240x16xf32, #tpu.memory_space<vmem_shared>> -> memref<10240x16xf32, #tpu.memory_space<vmem_shared>>
    tpu.enqueue_indirect_dma source(%arg13 : memref<128x16xf32, #tpu.memory_space<vmem>>) target(%dma_start3A_131 : memref<10240x16xf32, #tpu.memory_space<vmem_shared>>) offsets(%dma_start3A_128 : memref<128xi32, #tpu.memory_space<vmem>>) semaphore(%arg29 : memref<!tpu.dma_semaphore, #tpu.memory_space<semaphore_mem>>) {add = true}
    %dma_wait3A_132 = arith.constant 76 : i32
    %dma_wait3A_133 = arith.constant 0 : i32
    %dma_wait3A_134 = tpu.memref_slice %arg5[%dma_wait3A_132, %dma_wait3A_133] : memref<80x128xi32, #tpu.memory_space<vmem>> -> memref<1x128xi32, #tpu.memory_space<vmem>>
    %dma_wait3A_135 = tpu.memref_squeeze %dma_wait3A_134 : memref<1x128xi32, #tpu.memory_space<vmem>> -> memref<128xi32, #tpu.memory_space<vmem>>
    %dma_wait3A_136 = arith.constant 0 : i32
    %dma_wait3A_137 = arith.constant 0 : i32
    %dma_wait3A_138 = tpu.memref_slice %arg9[%dma_wait3A_136, %dma_wait3A_137] : memref<10048x16xf32, #tpu.memory_space<vmem_shared>> -> memref<10048x16xf32, #tpu.memory_space<vmem_shared>>
    tpu.wait_indirect_dma semaphore(%arg22 : memref<!tpu.dma_semaphore, #tpu.memory_space<semaphore_mem>>) src(%dma_wait3A_138 : memref<10048x16xf32, #tpu.memory_space<vmem_shared>>) dst(%arg14 : memref<128x16xf32, #tpu.memory_space<vmem>>)
    %dma_start3A_139 = arith.constant 76 : i32
    %dma_start3A_140 = arith.constant 0 : i32
    %dma_start3A_141 = tpu.memref_slice %arg6[%dma_start3A_139, %dma_start3A_140] : memref<80x128xi32, #tpu.memory_space<vmem>> -> memref<1x128xi32, #tpu.memory_space<vmem>>
    %dma_start3A_142 = tpu.memref_squeeze %dma_start3A_141 : memref<1x128xi32, #tpu.memory_space<vmem>> -> memref<128xi32, #tpu.memory_space<vmem>>
    %dma_start3A_143 = arith.constant 0 : i32
    %dma_start3A_144 = arith.constant 0 : i32
    %dma_start3A_145 = tpu.memref_slice %arg8[%dma_start3A_143, %dma_start3A_144] : memref<10240x16xf32, #tpu.memory_space<vmem_shared>> -> memref<10240x16xf32, #tpu.memory_space<vmem_shared>>
    tpu.enqueue_indirect_dma source(%arg14 : memref<128x16xf32, #tpu.memory_space<vmem>>) target(%dma_start3A_145 : memref<10240x16xf32, #tpu.memory_space<vmem_shared>>) offsets(%dma_start3A_142 : memref<128xi32, #tpu.memory_space<vmem>>) semaphore(%arg30 : memref<!tpu.dma_semaphore, #tpu.memory_space<semaphore_mem>>) {add = true}
    %dma_wait3A_146 = arith.constant 77 : i32
    %dma_wait3A_147 = arith.constant 0 : i32
    %dma_wait3A_148 = tpu.memref_slice %arg5[%dma_wait3A_146, %dma_wait3A_147] : memref<80x128xi32, #tpu.memory_space<vmem>> -> memref<1x128xi32, #tpu.memory_space<vmem>>
    %dma_wait3A_149 = tpu.memref_squeeze %dma_wait3A_148 : memref<1x128xi32, #tpu.memory_space<vmem>> -> memref<128xi32, #tpu.memory_space<vmem>>
    %dma_wait3A_150 = arith.constant 0 : i32
    %dma_wait3A_151 = arith.constant 0 : i32
    %dma_wait3A_152 = tpu.memref_slice %arg9[%dma_wait3A_150, %dma_wait3A_151] : memref<10048x16xf32, #tpu.memory_space<vmem_shared>> -> memref<10048x16xf32, #tpu.memory_space<vmem_shared>>
    tpu.wait_indirect_dma semaphore(%arg23 : memref<!tpu.dma_semaphore, #tpu.memory_space<semaphore_mem>>) src(%dma_wait3A_152 : memref<10048x16xf32, #tpu.memory_space<vmem_shared>>) dst(%arg15 : memref<128x16xf32, #tpu.memory_space<vmem>>)
    %dma_start3A_153 = arith.constant 77 : i32
    %dma_start3A_154 = arith.constant 0 : i32
    %dma_start3A_155 = tpu.memref_slice %arg6[%dma_start3A_153, %dma_start3A_154] : memref<80x128xi32, #tpu.memory_space<vmem>> -> memref<1x128xi32, #tpu.memory_space<vmem>>
    %dma_start3A_156 = tpu.memref_squeeze %dma_start3A_155 : memref<1x128xi32, #tpu.memory_space<vmem>> -> memref<128xi32, #tpu.memory_space<vmem>>
    %dma_start3A_157 = arith.constant 0 : i32
    %dma_start3A_158 = arith.constant 0 : i32
    %dma_start3A_159 = tpu.memref_slice %arg8[%dma_start3A_157, %dma_start3A_158] : memref<10240x16xf32, #tpu.memory_space<vmem_shared>> -> memref<10240x16xf32, #tpu.memory_space<vmem_shared>>
    tpu.enqueue_indirect_dma source(%arg15 : memref<128x16xf32, #tpu.memory_space<vmem>>) target(%dma_start3A_159 : memref<10240x16xf32, #tpu.memory_space<vmem_shared>>) offsets(%dma_start3A_156 : memref<128xi32, #tpu.memory_space<vmem>>) semaphore(%arg31 : memref<!tpu.dma_semaphore, #tpu.memory_space<semaphore_mem>>) {add = true}
    %dma_wait3A_160 = arith.constant 78 : i32
    %dma_wait3A_161 = arith.constant 0 : i32
    %dma_wait3A_162 = tpu.memref_slice %arg5[%dma_wait3A_160, %dma_wait3A_161] : memref<80x128xi32, #tpu.memory_space<vmem>> -> memref<1x128xi32, #tpu.memory_space<vmem>>
    %dma_wait3A_163 = tpu.memref_squeeze %dma_wait3A_162 : memref<1x128xi32, #tpu.memory_space<vmem>> -> memref<128xi32, #tpu.memory_space<vmem>>
    %dma_wait3A_164 = arith.constant 0 : i32
    %dma_wait3A_165 = arith.constant 0 : i32
    %dma_wait3A_166 = tpu.memref_slice %arg9[%dma_wait3A_164, %dma_wait3A_165] : memref<10048x16xf32, #tpu.memory_space<vmem_shared>> -> memref<10048x16xf32, #tpu.memory_space<vmem_shared>>
    tpu.wait_indirect_dma semaphore(%arg24 : memref<!tpu.dma_semaphore, #tpu.memory_space<semaphore_mem>>) src(%dma_wait3A_166 : memref<10048x16xf32, #tpu.memory_space<vmem_shared>>) dst(%arg16 : memref<128x16xf32, #tpu.memory_space<vmem>>)
    %dma_start3A_167 = arith.constant 78 : i32
    %dma_start3A_168 = arith.constant 0 : i32
    %dma_start3A_169 = tpu.memref_slice %arg6[%dma_start3A_167, %dma_start3A_168] : memref<80x128xi32, #tpu.memory_space<vmem>> -> memref<1x128xi32, #tpu.memory_space<vmem>>
    %dma_start3A_170 = tpu.memref_squeeze %dma_start3A_169 : memref<1x128xi32, #tpu.memory_space<vmem>> -> memref<128xi32, #tpu.memory_space<vmem>>
    %dma_start3A_171 = arith.constant 0 : i32
    %dma_start3A_172 = arith.constant 0 : i32
    %dma_start3A_173 = tpu.memref_slice %arg8[%dma_start3A_171, %dma_start3A_172] : memref<10240x16xf32, #tpu.memory_space<vmem_shared>> -> memref<10240x16xf32, #tpu.memory_space<vmem_shared>>
    tpu.enqueue_indirect_dma source(%arg16 : memref<128x16xf32, #tpu.memory_space<vmem>>) target(%dma_start3A_173 : memref<10240x16xf32, #tpu.memory_space<vmem_shared>>) offsets(%dma_start3A_170 : memref<128xi32, #tpu.memory_space<vmem>>) semaphore(%arg32 : memref<!tpu.dma_semaphore, #tpu.memory_space<semaphore_mem>>) {add = true}
    %dma_wait3A_174 = arith.constant 79 : i32
    %dma_wait3A_175 = arith.constant 0 : i32
    %dma_wait3A_176 = tpu.memref_slice %arg5[%dma_wait3A_174, %dma_wait3A_175] : memref<80x128xi32, #tpu.memory_space<vmem>> -> memref<1x128xi32, #tpu.memory_space<vmem>>
    %dma_wait3A_177 = tpu.memref_squeeze %dma_wait3A_176 : memref<1x128xi32, #tpu.memory_space<vmem>> -> memref<128xi32, #tpu.memory_space<vmem>>
    %dma_wait3A_178 = arith.constant 0 : i32
    %dma_wait3A_179 = arith.constant 0 : i32
    %dma_wait3A_180 = tpu.memref_slice %arg9[%dma_wait3A_178, %dma_wait3A_179] : memref<10048x16xf32, #tpu.memory_space<vmem_shared>> -> memref<10048x16xf32, #tpu.memory_space<vmem_shared>>
    tpu.wait_indirect_dma semaphore(%arg25 : memref<!tpu.dma_semaphore, #tpu.memory_space<semaphore_mem>>) src(%dma_wait3A_180 : memref<10048x16xf32, #tpu.memory_space<vmem_shared>>) dst(%arg17 : memref<128x16xf32, #tpu.memory_space<vmem>>)
    %dma_start3A_181 = arith.constant 79 : i32
    %dma_start3A_182 = arith.constant 0 : i32
    %dma_start3A_183 = tpu.memref_slice %arg6[%dma_start3A_181, %dma_start3A_182] : memref<80x128xi32, #tpu.memory_space<vmem>> -> memref<1x128xi32, #tpu.memory_space<vmem>>
    %dma_start3A_184 = tpu.memref_squeeze %dma_start3A_183 : memref<1x128xi32, #tpu.memory_space<vmem>> -> memref<128xi32, #tpu.memory_space<vmem>>
    %dma_start3A_185 = arith.constant 0 : i32
    %dma_start3A_186 = arith.constant 0 : i32
    %dma_start3A_187 = tpu.memref_slice %arg8[%dma_start3A_185, %dma_start3A_186] : memref<10240x16xf32, #tpu.memory_space<vmem_shared>> -> memref<10240x16xf32, #tpu.memory_space<vmem_shared>>
    tpu.enqueue_indirect_dma source(%arg17 : memref<128x16xf32, #tpu.memory_space<vmem>>) target(%dma_start3A_187 : memref<10240x16xf32, #tpu.memory_space<vmem_shared>>) offsets(%dma_start3A_184 : memref<128xi32, #tpu.memory_space<vmem>>) semaphore(%arg33 : memref<!tpu.dma_semaphore, #tpu.memory_space<semaphore_mem>>) {add = true}
    %dma_wait3A_188 = arith.constant 0 : i32
    %dma_wait3A_189 = arith.constant 0 : i32
    %dma_wait3A_190 = tpu.memref_slice %arg6[%dma_wait3A_188, %dma_wait3A_189] : memref<80x128xi32, #tpu.memory_space<vmem>> -> memref<1x128xi32, #tpu.memory_space<vmem>>
    %dma_wait3A_191 = tpu.memref_squeeze %dma_wait3A_190 : memref<1x128xi32, #tpu.memory_space<vmem>> -> memref<128xi32, #tpu.memory_space<vmem>>
    %dma_wait3A_192 = arith.constant 0 : i32
    %dma_wait3A_193 = arith.constant 0 : i32
    %dma_wait3A_194 = tpu.memref_slice %arg8[%dma_wait3A_192, %dma_wait3A_193] : memref<10240x16xf32, #tpu.memory_space<vmem_shared>> -> memref<10240x16xf32, #tpu.memory_space<vmem_shared>>
    tpu.wait_indirect_dma semaphore(%arg26 : memref<!tpu.dma_semaphore, #tpu.memory_space<semaphore_mem>>) src(%arg10 : memref<128x16xf32, #tpu.memory_space<vmem>>) dst(%dma_wait3A_194 : memref<10240x16xf32, #tpu.memory_space<vmem_shared>>)
    %dma_wait3A_195 = arith.constant 0 : i32
    %dma_wait3A_196 = arith.constant 0 : i32
    %dma_wait3A_197 = tpu.memref_slice %arg6[%dma_wait3A_195, %dma_wait3A_196] : memref<80x128xi32, #tpu.memory_space<vmem>> -> memref<1x128xi32, #tpu.memory_space<vmem>>
    %dma_wait3A_198 = tpu.memref_squeeze %dma_wait3A_197 : memref<1x128xi32, #tpu.memory_space<vmem>> -> memref<128xi32, #tpu.memory_space<vmem>>
    %dma_wait3A_199 = arith.constant 0 : i32
    %dma_wait3A_200 = arith.constant 0 : i32
    %dma_wait3A_201 = tpu.memref_slice %arg8[%dma_wait3A_199, %dma_wait3A_200] : memref<10240x16xf32, #tpu.memory_space<vmem_shared>> -> memref<10240x16xf32, #tpu.memory_space<vmem_shared>>
    tpu.wait_indirect_dma semaphore(%arg27 : memref<!tpu.dma_semaphore, #tpu.memory_space<semaphore_mem>>) src(%arg11 : memref<128x16xf32, #tpu.memory_space<vmem>>) dst(%dma_wait3A_201 : memref<10240x16xf32, #tpu.memory_space<vmem_shared>>)
    %dma_wait3A_202 = arith.constant 0 : i32
    %dma_wait3A_203 = arith.constant 0 : i32
    %dma_wait3A_204 = tpu.memref_slice %arg6[%dma_wait3A_202, %dma_wait3A_203] : memref<80x128xi32, #tpu.memory_space<vmem>> -> memref<1x128xi32, #tpu.memory_space<vmem>>
    %dma_wait3A_205 = tpu.memref_squeeze %dma_wait3A_204 : memref<1x128xi32, #tpu.memory_space<vmem>> -> memref<128xi32, #tpu.memory_space<vmem>>
    %dma_wait3A_206 = arith.constant 0 : i32
    %dma_wait3A_207 = arith.constant 0 : i32
    %dma_wait3A_208 = tpu.memref_slice %arg8[%dma_wait3A_206, %dma_wait3A_207] : memref<10240x16xf32, #tpu.memory_space<vmem_shared>> -> memref<10240x16xf32, #tpu.memory_space<vmem_shared>>
    tpu.wait_indirect_dma semaphore(%arg28 : memref<!tpu.dma_semaphore, #tpu.memory_space<semaphore_mem>>) src(%arg12 : memref<128x16xf32, #tpu.memory_space<vmem>>) dst(%dma_wait3A_208 : memref<10240x16xf32, #tpu.memory_space<vmem_shared>>)
    %dma_wait3A_209 = arith.constant 0 : i32
    %dma_wait3A_210 = arith.constant 0 : i32
    %dma_wait3A_211 = tpu.memref_slice %arg6[%dma_wait3A_209, %dma_wait3A_210] : memref<80x128xi32, #tpu.memory_space<vmem>> -> memref<1x128xi32, #tpu.memory_space<vmem>>
    %dma_wait3A_212 = tpu.memref_squeeze %dma_wait3A_211 : memref<1x128xi32, #tpu.memory_space<vmem>> -> memref<128xi32, #tpu.memory_space<vmem>>
    %dma_wait3A_213 = arith.constant 0 : i32
    %dma_wait3A_214 = arith.constant 0 : i32
    %dma_wait3A_215 = tpu.memref_slice %arg8[%dma_wait3A_213, %dma_wait3A_214] : memref<10240x16xf32, #tpu.memory_space<vmem_shared>> -> memref<10240x16xf32, #tpu.memory_space<vmem_shared>>
    tpu.wait_indirect_dma semaphore(%arg29 : memref<!tpu.dma_semaphore, #tpu.memory_space<semaphore_mem>>) src(%arg13 : memref<128x16xf32, #tpu.memory_space<vmem>>) dst(%dma_wait3A_215 : memref<10240x16xf32, #tpu.memory_space<vmem_shared>>)
    %dma_wait3A_216 = arith.constant 0 : i32
    %dma_wait3A_217 = arith.constant 0 : i32
    %dma_wait3A_218 = tpu.memref_slice %arg6[%dma_wait3A_216, %dma_wait3A_217] : memref<80x128xi32, #tpu.memory_space<vmem>> -> memref<1x128xi32, #tpu.memory_space<vmem>>
    %dma_wait3A_219 = tpu.memref_squeeze %dma_wait3A_218 : memref<1x128xi32, #tpu.memory_space<vmem>> -> memref<128xi32, #tpu.memory_space<vmem>>
    %dma_wait3A_220 = arith.constant 0 : i32
    %dma_wait3A_221 = arith.constant 0 : i32
    %dma_wait3A_222 = tpu.memref_slice %arg8[%dma_wait3A_220, %dma_wait3A_221] : memref<10240x16xf32, #tpu.memory_space<vmem_shared>> -> memref<10240x16xf32, #tpu.memory_space<vmem_shared>>
    tpu.wait_indirect_dma semaphore(%arg30 : memref<!tpu.dma_semaphore, #tpu.memory_space<semaphore_mem>>) src(%arg14 : memref<128x16xf32, #tpu.memory_space<vmem>>) dst(%dma_wait3A_222 : memref<10240x16xf32, #tpu.memory_space<vmem_shared>>)
    %dma_wait3A_223 = arith.constant 0 : i32
    %dma_wait3A_224 = arith.constant 0 : i32
    %dma_wait3A_225 = tpu.memref_slice %arg6[%dma_wait3A_223, %dma_wait3A_224] : memref<80x128xi32, #tpu.memory_space<vmem>> -> memref<1x128xi32, #tpu.memory_space<vmem>>
    %dma_wait3A_226 = tpu.memref_squeeze %dma_wait3A_225 : memref<1x128xi32, #tpu.memory_space<vmem>> -> memref<128xi32, #tpu.memory_space<vmem>>
    %dma_wait3A_227 = arith.constant 0 : i32
    %dma_wait3A_228 = arith.constant 0 : i32
    %dma_wait3A_229 = tpu.memref_slice %arg8[%dma_wait3A_227, %dma_wait3A_228] : memref<10240x16xf32, #tpu.memory_space<vmem_shared>> -> memref<10240x16xf32, #tpu.memory_space<vmem_shared>>
    tpu.wait_indirect_dma semaphore(%arg31 : memref<!tpu.dma_semaphore, #tpu.memory_space<semaphore_mem>>) src(%arg15 : memref<128x16xf32, #tpu.memory_space<vmem>>) dst(%dma_wait3A_229 : memref<10240x16xf32, #tpu.memory_space<vmem_shared>>)
    %dma_wait3A_230 = arith.constant 0 : i32
    %dma_wait3A_231 = arith.constant 0 : i32
    %dma_wait3A_232 = tpu.memref_slice %arg6[%dma_wait3A_230, %dma_wait3A_231] : memref<80x128xi32, #tpu.memory_space<vmem>> -> memref<1x128xi32, #tpu.memory_space<vmem>>
    %dma_wait3A_233 = tpu.memref_squeeze %dma_wait3A_232 : memref<1x128xi32, #tpu.memory_space<vmem>> -> memref<128xi32, #tpu.memory_space<vmem>>
    %dma_wait3A_234 = arith.constant 0 : i32
    %dma_wait3A_235 = arith.constant 0 : i32
    %dma_wait3A_236 = tpu.memref_slice %arg8[%dma_wait3A_234, %dma_wait3A_235] : memref<10240x16xf32, #tpu.memory_space<vmem_shared>> -> memref<10240x16xf32, #tpu.memory_space<vmem_shared>>
    tpu.wait_indirect_dma semaphore(%arg32 : memref<!tpu.dma_semaphore, #tpu.memory_space<semaphore_mem>>) src(%arg16 : memref<128x16xf32, #tpu.memory_space<vmem>>) dst(%dma_wait3A_236 : memref<10240x16xf32, #tpu.memory_space<vmem_shared>>)
    %dma_wait3A_237 = arith.constant 0 : i32
    %dma_wait3A_238 = arith.constant 0 : i32
    %dma_wait3A_239 = tpu.memref_slice %arg6[%dma_wait3A_237, %dma_wait3A_238] : memref<80x128xi32, #tpu.memory_space<vmem>> -> memref<1x128xi32, #tpu.memory_space<vmem>>
    %dma_wait3A_240 = tpu.memref_squeeze %dma_wait3A_239 : memref<1x128xi32, #tpu.memory_space<vmem>> -> memref<128xi32, #tpu.memory_space<vmem>>
    %dma_wait3A_241 = arith.constant 0 : i32
    %dma_wait3A_242 = arith.constant 0 : i32
    %dma_wait3A_243 = tpu.memref_slice %arg8[%dma_wait3A_241, %dma_wait3A_242] : memref<10240x16xf32, #tpu.memory_space<vmem_shared>> -> memref<10240x16xf32, #tpu.memory_space<vmem_shared>>
    tpu.wait_indirect_dma semaphore(%arg33 : memref<!tpu.dma_semaphore, #tpu.memory_space<semaphore_mem>>) src(%arg17 : memref<128x16xf32, #tpu.memory_space<vmem>>) dst(%dma_wait3A_243 : memref<10240x16xf32, #tpu.memory_space<vmem_shared>>)
    %barrier3A_244 = arith.constant 0 : index
    tpu.barrier barrier_id(%barrier3A_244)
    %mul3A_245 = arith.constant 640 : i32
    %mul3A_246 = arith.muli %arg1, %mul3A_245 : i32
    %mul3A_247 = arith.constant 640 : i32
    %mul3A_248 = arith.muli %arg1, %mul3A_247 : i32
    "tpu.region"() ({
      %run_scoped3A_249 = tpu.sem_alloc : memref<!tpu.dma_semaphore, #tpu.memory_space<semaphore_mem>>
      %dma_start3A_250 = arith.constant 0 : i32
      %dma_start3A_251 = tpu.memref_slice %arg4[%arg0, %mul3A_248, %dma_start3A_250] : memref<2x10240x16xf32, #tpu.memory_space<hbm>> -> memref<1x640x16xf32, #tpu.memory_space<hbm>>
      %dma_start3A_252 = tpu.memref_squeeze %dma_start3A_251 : memref<1x640x16xf32, #tpu.memory_space<hbm>> -> memref<640x16xf32, #tpu.memory_space<hbm>>
      %dma_start3A_253 = arith.constant 0 : i32
      %dma_start3A_254 = tpu.memref_slice %arg8[%mul3A_246, %dma_start3A_253] : memref<10240x16xf32, #tpu.memory_space<vmem_shared>> -> memref<640x16xf32, #tpu.memory_space<vmem_shared>>
      tpu.enqueue_dma source(%dma_start3A_254 : memref<640x16xf32, #tpu.memory_space<vmem_shared>>) target(%dma_start3A_252 : memref<640x16xf32, #tpu.memory_space<hbm>>) target_semaphore(%run_scoped3A_249 : memref<!tpu.dma_semaphore, #tpu.memory_space<semaphore_mem>>)
      %dma_wait3A_255 = arith.constant 0 : i32
      %dma_wait3A_256 = tpu.memref_slice %arg4[%arg0, %mul3A_248, %dma_wait3A_255] : memref<2x10240x16xf32, #tpu.memory_space<hbm>> -> memref<1x640x16xf32, #tpu.memory_space<hbm>>
      %dma_wait3A_257 = tpu.memref_squeeze %dma_wait3A_256 : memref<1x640x16xf32, #tpu.memory_space<hbm>> -> memref<640x16xf32, #tpu.memory_space<hbm>>
      %dma_wait3A_258 = arith.constant 0 : i32
      %dma_wait3A_259 = tpu.memref_slice %arg8[%mul3A_246, %dma_wait3A_258] : memref<10240x16xf32, #tpu.memory_space<vmem_shared>> -> memref<640x16xf32, #tpu.memory_space<vmem_shared>>
      tpu.wait_dma2 semaphore(%run_scoped3A_249 : memref<!tpu.dma_semaphore, #tpu.memory_space<semaphore_mem>>) src(%dma_wait3A_259 : memref<640x16xf32, #tpu.memory_space<vmem_shared>>) dst(%dma_wait3A_257 : memref<640x16xf32, #tpu.memory_space<hbm>>)
      tpu.yield
    }) : () -> ()
    return
  }
}

module attributes {stable_mosaic.version = 14 : i64} {
  func.func @_prep_body(%arg0: memref<1256x128xf32, #tpu.memory_space<vmem>>, %arg1: memref<2x1280x128xf32, #tpu.memory_space<vmem>>, %arg2: memref<1256x128xf32, #tpu.memory_space<vmem>>, %arg3: memref<1256x128xf32, #tpu.memory_space<vmem>>) attributes {dimension_semantics = [], scalar_prefetch = 0 : i64, scratch_operands = 0 : i64, tpu.core_type = #tpu.core_type<tc>} {
    %get3A = arith.constant 0 : index
    %get3A_0 = arith.constant 0 : index
    %get3A_1 = arith.constant 0 : index
    %get3A_2 = vector.load %arg1[%get3A, %get3A_0, %get3A_1] : memref<2x1280x128xf32, #tpu.memory_space<vmem>>, vector<1x1256x128xf32>
    %get3A_3 = vector.shape_cast %get3A_2 : vector<1x1256x128xf32> to vector<1256x128xf32>
    %get3A_4 = arith.constant 1 : index
    %get3A_5 = arith.constant 0 : index
    %get3A_6 = arith.constant 0 : index
    %get3A_7 = vector.load %arg1[%get3A_4, %get3A_5, %get3A_6] : memref<2x1280x128xf32, #tpu.memory_space<vmem>>, vector<1x1256x128xf32>
    %get3A_8 = vector.shape_cast %get3A_7 : vector<1x1256x128xf32> to vector<1256x128xf32>
    %add3A = arith.addf %get3A_3, %get3A_8 : vector<1256x128xf32>
    %add3A_9 = arith.constant 1.000000e+00 : f32
    %add3A_10 = vector.broadcast %add3A_9 : f32 to vector<1256x128xf32>
    %add3A_11 = arith.addf %add3A, %add3A_10 : vector<1256x128xf32>
    %rsqrt3A = math.rsqrt %add3A_11 : vector<1256x128xf32>
    %swap3A = arith.constant 0 : index
    %swap3A_12 = arith.constant 0 : index
    %swap3A_13 = vector.load %arg3[%swap3A, %swap3A_12] : memref<1256x128xf32, #tpu.memory_space<vmem>>, vector<1256x128xf32>
    tpu.vector_store %arg3[%swap3A, %swap3A_12], %rsqrt3A {strides = array<i32>} : memref<1256x128xf32, #tpu.memory_space<vmem>>, vector<1256x128xf32>,
    %get3A_14 = arith.constant 0 : index
    %get3A_15 = arith.constant 0 : index
    %get3A_16 = vector.load %arg0[%get3A_14, %get3A_15] : memref<1256x128xf32, #tpu.memory_space<vmem>>, vector<1256x128xf32>
    %mul3A = arith.mulf %get3A_16, %rsqrt3A : vector<1256x128xf32>
    %swap3A_17 = arith.constant 0 : index
    %swap3A_18 = arith.constant 0 : index
    %swap3A_19 = vector.load %arg2[%swap3A_17, %swap3A_18] : memref<1256x128xf32, #tpu.memory_space<vmem>>, vector<1256x128xf32>
    tpu.vector_store %arg2[%swap3A_17, %swap3A_18], %mul3A {strides = array<i32>} : memref<1256x128xf32, #tpu.memory_space<vmem>>, vector<1256x128xf32>,
    return
  }
}

module attributes {stable_mosaic.version = 14 : i64} {
  func.func @_mm1_body(%arg0: memref<1256x1024xf32, #tpu.memory_space<vmem>>, %arg1: memref<1024x128xf32, #tpu.memory_space<vmem>>, %arg2: memref<1256x128xf32, #tpu.memory_space<vmem>>) attributes {dimension_semantics = [], scalar_prefetch = 0 : i64, scratch_operands = 0 : i64, tpu.core_type = #tpu.core_type<tc>} {
    %get3A = arith.constant 0 : index
    %get3A_0 = arith.constant 0 : index
    %get3A_1 = vector.load %arg0[%get3A, %get3A_0] : memref<1256x1024xf32, #tpu.memory_space<vmem>>, vector<1256x1024xf32>
    %get3A_2 = arith.constant 0 : index
    %get3A_3 = arith.constant 0 : index
    %get3A_4 = vector.load %arg1[%get3A_2, %get3A_3] : memref<1024x128xf32, #tpu.memory_space<vmem>>, vector<1024x128xf32>
    %dot_general3A = arith.constant dense<0.000000e+00> : vector<1256x128xf32>
    %dot_general3A_5 = tpu.matmul %get3A_1, %get3A_4, %dot_general3A {dimension_numbers = #tpu.dot_dimension_numbers<[1], [0], [0], [1], [0, 0, 1, 1], [], []>, transpose_lhs_hint = false} : vector<1256x1024xf32>, vector<1024x128xf32>, vector<1256x128xf32> -> vector<1256x128xf32>
    %swap3A = arith.constant 0 : index
    %swap3A_6 = arith.constant 0 : index
    %swap3A_7 = vector.load %arg2[%swap3A, %swap3A_6] : memref<1256x128xf32, #tpu.memory_space<vmem>>, vector<1256x128xf32>
    tpu.vector_store %arg2[%swap3A, %swap3A_6], %dot_general3A_5 {strides = array<i32>} : memref<1256x128xf32, #tpu.memory_space<vmem>>, vector<1256x128xf32>,
    return
  }
}

module attributes {stable_mosaic.version = 14 : i64} {
  func.func @_post1_body(%arg0: memref<2x1280x128xf32, #tpu.memory_space<vmem>>, %arg1: memref<1256x128xf32, #tpu.memory_space<vmem>>, %arg2: memref<1256x128xf32, #tpu.memory_space<vmem>>, %arg3: memref<1x128xf32, #tpu.memory_space<vmem>>, %arg4: memref<1256x128xf32, #tpu.memory_space<vmem>>) attributes {dimension_semantics = [], scalar_prefetch = 0 : i64, scratch_operands = 0 : i64, tpu.core_type = #tpu.core_type<tc>} {
    %get3A = arith.constant 0 : index
    %get3A_0 = arith.constant 0 : index
    %get3A_1 = arith.constant 0 : index
    %get3A_2 = vector.load %arg0[%get3A, %get3A_0, %get3A_1] : memref<2x1280x128xf32, #tpu.memory_space<vmem>>, vector<1x1256x128xf32>
    %get3A_3 = vector.shape_cast %get3A_2 : vector<1x1256x128xf32> to vector<1256x128xf32>
    %get3A_4 = arith.constant 1 : index
    %get3A_5 = arith.constant 0 : index
    %get3A_6 = arith.constant 0 : index
    %get3A_7 = vector.load %arg0[%get3A_4, %get3A_5, %get3A_6] : memref<2x1280x128xf32, #tpu.memory_space<vmem>>, vector<1x1256x128xf32>
    %get3A_8 = vector.shape_cast %get3A_7 : vector<1x1256x128xf32> to vector<1256x128xf32>
    %add3A = arith.addf %get3A_3, %get3A_8 : vector<1256x128xf32>
    %get3A_9 = arith.constant 0 : index
    %get3A_10 = arith.constant 0 : index
    %get3A_11 = vector.load %arg1[%get3A_9, %get3A_10] : memref<1256x128xf32, #tpu.memory_space<vmem>>, vector<1256x128xf32>
    %add3A_12 = arith.addf %add3A, %get3A_11 : vector<1256x128xf32>
    %get3A_13 = arith.constant 0 : index
    %get3A_14 = arith.constant 0 : index
    %get3A_15 = vector.load %arg2[%get3A_13, %get3A_14] : memref<1256x128xf32, #tpu.memory_space<vmem>>, vector<1256x128xf32>
    %mul3A = arith.mulf %add3A_12, %get3A_15 : vector<1256x128xf32>
    %get3A_16 = arith.constant 0 : index
    %get3A_17 = arith.constant 0 : index
    %get3A_18 = vector.load %arg3[%get3A_16, %get3A_17] : memref<1x128xf32, #tpu.memory_space<vmem>>, vector<1x128xf32>
    %add3A_19 = vector.broadcast %get3A_18 : vector<1x128xf32> to vector<1256x128xf32>
    %add3A_20 = arith.addf %mul3A, %add3A_19 : vector<1256x128xf32>
    %max3A = arith.constant 0.000000e+00 : f32
    %max3A_21 = vector.broadcast %max3A : f32 to vector<1256x128xf32>
    %max3A_22 = arith.maximumf %add3A_20, %max3A_21 : vector<1256x128xf32>
    %get3A_23 = arith.constant 0 : index
    %get3A_24 = arith.constant 0 : index
    %get3A_25 = vector.load %arg2[%get3A_23, %get3A_24] : memref<1256x128xf32, #tpu.memory_space<vmem>>, vector<1256x128xf32>
    %mul3A_26 = arith.mulf %max3A_22, %get3A_25 : vector<1256x128xf32>
    %swap3A = arith.constant 0 : index
    %swap3A_27 = arith.constant 0 : index
    %swap3A_28 = vector.load %arg4[%swap3A, %swap3A_27] : memref<1256x128xf32, #tpu.memory_space<vmem>>, vector<1256x128xf32>
    tpu.vector_store %arg4[%swap3A, %swap3A_27], %mul3A_26 {strides = array<i32>} : memref<1256x128xf32, #tpu.memory_space<vmem>>, vector<1256x128xf32>,
    return
  }
}

module attributes {stable_mosaic.version = 14 : i64} {
  func.func @_final_body(%arg0: memref<2x1280x128xf32, #tpu.memory_space<vmem>>, %arg1: memref<1256x128xf32, #tpu.memory_space<vmem>>, %arg2: memref<1256x128xf32, #tpu.memory_space<vmem>>, %arg3: memref<128x24xf32, #tpu.memory_space<vmem>>, %arg4: memref<1x24xf32, #tpu.memory_space<vmem>>, %arg5: memref<1250x24xf32, #tpu.memory_space<vmem>>) attributes {dimension_semantics = [], scalar_prefetch = 0 : i64, scratch_operands = 0 : i64, tpu.core_type = #tpu.core_type<tc>} {
    %get3A = arith.constant 0 : index
    %get3A_0 = arith.constant 0 : index
    %get3A_1 = arith.constant 0 : index
    %get3A_2 = vector.load %arg0[%get3A, %get3A_0, %get3A_1] : memref<2x1280x128xf32, #tpu.memory_space<vmem>>, vector<1x1256x128xf32>
    %get3A_3 = vector.shape_cast %get3A_2 : vector<1x1256x128xf32> to vector<1256x128xf32>
    %get3A_4 = arith.constant 1 : index
    %get3A_5 = arith.constant 0 : index
    %get3A_6 = arith.constant 0 : index
    %get3A_7 = vector.load %arg0[%get3A_4, %get3A_5, %get3A_6] : memref<2x1280x128xf32, #tpu.memory_space<vmem>>, vector<1x1256x128xf32>
    %get3A_8 = vector.shape_cast %get3A_7 : vector<1x1256x128xf32> to vector<1256x128xf32>
    %add3A = arith.addf %get3A_3, %get3A_8 : vector<1256x128xf32>
    %get3A_9 = arith.constant 0 : index
    %get3A_10 = arith.constant 0 : index
    %get3A_11 = vector.load %arg1[%get3A_9, %get3A_10] : memref<1256x128xf32, #tpu.memory_space<vmem>>, vector<1256x128xf32>
    %add3A_12 = arith.addf %add3A, %get3A_11 : vector<1256x128xf32>
    %get3A_13 = arith.constant 0 : index
    %get3A_14 = arith.constant 0 : index
    %get3A_15 = vector.load %arg2[%get3A_13, %get3A_14] : memref<1256x128xf32, #tpu.memory_space<vmem>>, vector<1256x128xf32>
    %mul3A = arith.mulf %add3A_12, %get3A_15 : vector<1256x128xf32>
    %get3A_16 = arith.constant 0 : index
    %get3A_17 = arith.constant 0 : index
    %get3A_18 = vector.load %arg3[%get3A_16, %get3A_17] : memref<128x24xf32, #tpu.memory_space<vmem>>, vector<128x24xf32>
    %dot_general3A = arith.constant dense<0.000000e+00> : vector<1256x24xf32>
    %dot_general3A_19 = tpu.matmul %mul3A, %get3A_18, %dot_general3A {dimension_numbers = #tpu.dot_dimension_numbers<[1], [0], [0], [1], [0, 0, 1, 1], [], []>, transpose_lhs_hint = false} : vector<1256x128xf32>, vector<128x24xf32>, vector<1256x24xf32> -> vector<1256x24xf32>
    %slice3A = vector.extract_strided_slice %dot_general3A_19 {offsets = [0, 0], sizes = [1250, 24], strides = [1, 1]} : vector<1256x24xf32> to vector<1250x24xf32>
    %get3A_20 = arith.constant 0 : index
    %get3A_21 = arith.constant 0 : index
    %get3A_22 = vector.load %arg4[%get3A_20, %get3A_21] : memref<1x24xf32, #tpu.memory_space<vmem>>, vector<1x24xf32>
    %add3A_23 = vector.broadcast %get3A_22 : vector<1x24xf32> to vector<1250x24xf32>
    %add3A_24 = arith.addf %slice3A, %add3A_23 : vector<1250x24xf32>
    %swap3A = arith.constant 0 : index
    %swap3A_25 = arith.constant 0 : index
    %swap3A_26 = vector.load %arg5[%swap3A, %swap3A_25] : memref<1250x24xf32, #tpu.memory_space<vmem>>, vector<1250x24xf32>
    tpu.vector_store %arg5[%swap3A, %swap3A_25], %add3A_24 {strides = array<i32>} : memref<1250x24xf32, #tpu.memory_space<vmem>>, vector<1250x24xf32>,
    return
  }
}

</mosaic_0001>

<sc_bundles>
// kernel: kernel.12.cloned.1.call-start
scs
__scs_entry_jumppad:
0x0: {  	(pc) =	sbr.rel $0x88, $3  }
0x1: {  	(tag) =	ssettag $0x0;
	lr =	simm.s32 $0x1  }
0x2: {  	[smem:$0x3F9B] =	sst lr;
	_ =	strace $0xD0000000  }
0x3: {  	_ = 	snop  }
0x4: {  	_ = 	snop  }
0x5: {  	_ = 	snop  }
0x6: {  	_ = 	snop  }
0x7: {  	_ = 	snop  }
__scs_overlays_trampoline_lowered:
0x8: {  	[smem:$0x3FAA] =	sst s0  }
0x9: {  	[smem:$0x3FAB] =	sst s1  }
0xa: {  	[smem:$0x3FAC] =	sst s2  }
0xb: {  	[smem:$0x3FAD] =	sst s3  }
0xc: {  	[smem:$0x3FAE] =	sst s4  }
0xd: {  	[smem:$0x3FAF] =	sst s5  }
0xe: {  	[smem:$0x3FB0] =	sst s6  }
0xf: {  	[smem:$0x3FB1] =	sst s7  }
0x10: {  	[smem:$0x3FB2] =	sst s8  }
0x11: {  	[smem:$0x3FB3] =	sst s9;
	s0 =	simm.s32 @!p0 $0x0  }
0x12: {  	s1 =	sld [smem:$0x3F99];
	s0 =	simm.s32 @p0 $0x1  }
0x13: {  	[smem:$0x3FB4] =	sst s0;
	s0 =	simm.s32 @!p1 $0x0  }
0x14: {  	s2 =	sld [smem:$0x3F98];
	s0 =	simm.s32 @p1 $0x1  }
0x15: {  	[smem:$0x3FB5] =	sst s0;
	s0 =	simm.s32 @!p2 $0x0  }
0x16: {  	s3 =	sld [smem:$0x3FDB];
	s0 =	simm.s32 @p2 $0x1  }
0x17: {  	s4 =	simm.s32 $0x1BF5;
	[smem:$0x3FB7] =	sst s0  }
0x18: {  	s0 =	sld [smem:$0x3F9A];
	_ =	swait.ge [sflag:s4], $0x0  }
0x19: {  	s7 =	sld [smem:$0x3F9B]  }
0x1a: {  	s8 =	sadd.s32 $0xFFFFE003, lr  }
0x1b: {  	s9 =	sadd.s32 $0xFFFFFEF7, lr;
	s5 =	simm.s32 $0xFFFFFFFF;
	p2 =	slt.u32 s8, $0xFFFFF086  }
0x1c: {  	p1 =	slt.u32 s9, $0xF7A;
	s5 =	simm.s32 @!p2 $0x0  }
0x1d: {  	s5 =	simm.s32 @p1 $0x1;
	p0 =	seq.s32 s7, s2  }
0x1e: {  	s7 =	smul.u32 @!p0 $0xF7A, s2;
	p2 =	seq.s32 @!p0 s5, $0x0  }
0x1f: {  	s9 =	smul.u32 $0xF7A, s1;
	s8 =	simm.s32 @!p0 $0x1BF5;
	p2 =	por !p2, p0  }
0x20: {  	[sflag:s8] =	ssyncset.s32 @!p0 $0xFFFFF086;
	s6 =	sadd.s32 @!p0 s3, s7;
	s7 =	simm.s32 @!p0 $0x108  }
0x21: {  	s3 =	sadd.s32 s3, s9;
	s6 =	sadd.s32 @!p0 $0x88, s6;
	s7 =	simm.s32 @p2 $0x1082  }
0x22: {  	[simem:s7], [sflag:s8] =	dma.local @!p0 [hbm:s6], $0xF7A  }
0x23: {  	s9 =	sor.u32 $0xD0000000, s2;
	s6 =	simm.s32 $0x108;
	_ =	swait.ge @!p0 [sflag:s8], $0x0  }
0x24: {  	s3 =	sadd.s32 $0x88, s3;
	s6 =	simm.s32 @!p1 $0x1082;
	[sflag:s4] =	ssyncset.s32 $0xFFFFF086  }
0x25: {  	[simem:s6], [sflag:s4] =	dma.local [hbm:s3], $0xF7A  }
0x26: {  	[smem:$0x3F9B] =	sst s1;
	(tag) =	ssettag s2;
	_ =	strace s9  }
0x27: {  	s1 =	sld [smem:$0x3FAB]  }
0x28: {  	s2 =	sld [smem:$0x3FAC]  }
0x29: {  	s4 =	sld [smem:$0x3FAE]  }
0x2a: {  	p0 =	seq.s32 s5, $0x0;
	s5 =	sld [smem:$0x3FAF]  }
0x2b: {  	s6 =	sld [smem:$0x3FB0]  }
0x2c: {  	s7 =	sld [smem:$0x3FB1]  }
0x2d: {  	s3 =	simm.s32 $0x108;
	s8 =	sld [smem:$0x3FB2]  }
0x2e: {  	s3 =	simm.s32 @!p0 $0x1082;
	s9 =	sld [smem:$0x3FB3]  }
0x2f: {  	lr =	sadd.s32 s0, s3;
	s0 =	sld [smem:$0x3FAA]  }
0x30: {  	s3 =	sld [smem:$0x3FAD]  }
0x31: {  	[smem:$0x3FB6] =	sst s10  }
0x32: {  	s10 =	sld [smem:$0x3FB4];
	_ =	sdelay $0x3  }
0x33: {  	p0 =	seq.s32 s10, $0x1;
	s10 =	sld [smem:$0x3FB6];
	_ =	sdelay $0x3  }
0x34: {  	[smem:$0x3FB6] =	sst s10  }
0x35: {  	s10 =	sld [smem:$0x3FB5];
	_ =	sdelay $0x3  }
0x36: {  	p1 =	seq.s32 s10, $0x1;
	s10 =	sld [smem:$0x3FB6];
	_ =	sdelay $0x3  }
0x37: {  	[smem:$0x3FB6] =	sst s10  }
0x38: {  	s10 =	sld [smem:$0x3FB7]  }
0x39: {  	_ = 	snop;
	(pc) =	sbr.ind lr, $3  }
0x3a: {  	_ = 	snop  }
0x3b: {  	_ = 	snop  }
0x3c: {  	p2 =	seq.s32 s10, $0x1;
	s10 =	sld [smem:$0x3FB6]  }
0x3d: {  	_ =	shalt  }
0x3e: {  	_ =	shalt  }
0x3f: {  	_ =	shalt  }
0x40: {  	_ =	shalt  }
0x41: {  	_ =	shalt  }
0x42: {  	_ =	shalt  }
0x43: {  	_ =	shalt  }
0x44: {  	_ =	shalt  }
0x45: {  	_ =	shalt  }
0x46: {  	_ =	shalt  }
0x47: {  	_ =	shalt  }
0x48: {  	_ =	shalt  }
0x49: {  	_ =	shalt  }
0x4a: {  	_ =	shalt  }
0x4b: {  	_ =	shalt  }
0x4c: {  	_ =	shalt  }
0x4d: {  	_ =	shalt  }
0x4e: {  	_ =	shalt  }
0x4f: {  	_ =	shalt  }
0x50: {  	_ =	shalt  }
0x51: {  	_ =	shalt  }
0x52: {  	_ =	shalt  }
0x53: {  	_ =	shalt  }
0x54: {  	_ =	shalt  }
0x55: {  	_ =	shalt  }
0x56: {  	_ =	shalt  }
0x57: {  	_ =	shalt  }
0x58: {  	_ =	shalt  }
0x59: {  	_ =	shalt  }
0x5a: {  	_ =	shalt  }
0x5b: {  	_ =	shalt  }
0x5c: {  	_ =	shalt  }
0x5d: {  	_ =	shalt  }
0x5e: {  	_ =	shalt  }
0x5f: {  	_ =	shalt  }
0x60: {  	_ =	shalt  }
0x61: {  	_ =	shalt  }
0x62: {  	_ =	shalt  }
0x63: {  	_ =	shalt  }
0x64: {  	_ =	shalt  }
0x65: {  	_ =	shalt  }
0x66: {  	_ =	shalt  }
0x67: {  	_ =	shalt  }
0x68: {  	_ =	shalt  }
0x69: {  	_ =	shalt  }
0x6a: {  	_ =	shalt  }
0x6b: {  	_ =	shalt  }
0x6c: {  	_ =	shalt  }
0x6d: {  	_ =	shalt  }
0x6e: {  	_ =	shalt  }
0x6f: {  	_ =	shalt  }
0x70: {  	_ =	shalt  }
0x71: {  	_ =	shalt  }
0x72: {  	_ =	shalt  }
0x73: {  	_ =	shalt  }
0x74: {  	_ =	shalt  }
0x75: {  	_ =	shalt  }
0x76: {  	_ =	shalt  }
0x77: {  	_ =	shalt  }
0x78: {  	_ =	shalt  }
0x79: {  	_ =	shalt  }
0x7a: {  	_ =	shalt  }
0x7b: {  	_ =	shalt  }
0x7c: {  	_ =	shalt  }
0x7d: {  	_ =	shalt  }
0x7e: {  	_ =	shalt  }
0x7f: {  	_ =	shalt  }
0x80: {  	_ =	shalt  }
0x81: {  	_ =	shalt  }
0x82: {  	_ =	shalt  }
0x83: {  	_ =	shalt  }
0x84: {  	_ =	shalt  }
0x85: {  	_ =	shalt  }
0x86: {  	_ =	shalt  }
0x87: {  	_ =	shalt  }
.Lfunc_end0:
.L_simem_size_0:
called_computation.1_lowered:
.L_overlay_start_0:
0x88: {  	s2 =	sld [smem:$0x3FD9]  }
0x89: {  	s3 =	sld [smem:$0x3FFE];
	_ =	sdelay $0x1  }
0x8a: {  	s1 =	srdreg.scid  }
0x8b: {  	s0 =	sand.u32 $0x1, s1  }
0x8c: {  	s16 =	sshll.u32 s0, $0xA;
	s2 =	sadd.s32 s3, s2  }
0x8d: {  	s2 =	sadd.s32 s2, s16  }
0x8e: {  	[smem:$0x3FC2] =	sst s2  }
0x8f: {  	_ = 	snop  }
0x90: {  	(tm) =	ssettm $0x1  }
0x91: {  	s17 =	sld [smem:$0x3FFB];
	_ =	sdelay $0x3  }
0x92: {  	_ =	strace s17  }
0x93: {  	s2 =	sld [smem:$0x3FFC];
	_ =	sdelay $0x3  }
0x94: {  	_ =	strace s2  }
0x95: {  	s2 =	sld [smem:$0x3FFD];
	_ =	sdelay $0x3  }
0x96: {  	_ =	strace s2  }
0x97: {  	_ =	strace $0x8FFFFFFF  }
0x98: {  	s18 =	sld [smem:$0x3FDB];
	_ =	sdelay $0x1  }
0x99: {  	s19 =	simm.s32 $_scs_section_size  }
0x9a: {  	s4 =	simm.s32 $_size__tile_overlayer_lowered;
	s5 =	simm.s32 $_tile_overlayer_lowered  }
0x9b: {  	s22 =	simm.s32 $0x1BFF;
	s21 =	sshll.u32 s5, $0x1;
	s2 =	sadd.s32 s19, s18  }
0x9c: {  	s6 =	simm.s32 $0x0;
	s20 =	sshll.u32 s4, $0x1;
	s4 =	sadd.s32 s21, s2  }
0x9d: {  	[timem:s6], [sflag:s22] =	dma.local [hbm:s4], s20  }
0x9e: {  	_ =	swait.ge [sflag:s22], s20  }
0x9f: {  	s3 =	ssub.s32 $0x0, s20;
	[sflag:s22] =	ssyncset.done $0x0  }
0xa0: {  	[sflag:s22] =	ssyncadd.s32 s3;
	_ =	sdelay $0x1  }
0xa1: {  	s23 =	simm.s32 $0x1B8B  }
0xa2: {  	_ =	swait.ge [sflag:s23], $0x1  }
0xa3: {  	[sflag:s23] =	ssyncset.done $0x0  }
0xa4: {  	s25 =	simm.s32 $0x1B8E;
	s24 =	sld [smem:$0x3FFE];
	[sflag:s23] =	ssyncadd.s32 $0xFFFFFFFF  }
0xa5: {  	s26 =	simm.s32 $execute0_lowered;
	[smem:$0x3FD2] =	sst s25  }
0xa6: {  	s4 =	sshll.u32 s26, $0x1;
	_ =	strace $0x80000049;
	[dreg:$0x1] =	wrdreg $0xFFFFFFFF  }
0xa7: {  	s28 =	simm.s32 $_size_execute0_lowered;
	s2 =	sadd.s32 s2, s4;
	[dreg:$0x0] =	wrdreg $0x0  }
0xa8: {  	s4 =	sshll.u32 s28, $0x1;
	[dreg:$0x2] =	wrdreg s2  }
0xa9: {  	[dreg:$0x3] =	wrdreg s4  }
0xaa: {  	[dreg:$0x4] =	wrdreg $0xC0  }
0xab: {  	_ =	task [dreg:s6], $0x5FFFF  }
0xac: {  	[dreg:$0x1] =	wrdreg $0xFFFFFFFF  }
0xad: {  	[dreg:$0x0] =	wrdreg $0x60  }
0xae: {  	[dreg:$0x2] =	wrdreg s24  }
0xaf: {  	[dreg:$0x3] =	wrdreg $0x78000  }
0xb0: {  	[dreg:$0x4] =	wrdreg $0xA0000  }
0xb1: {  	[dreg:$0x5] =	wrdreg $0x9  }
0xb2: {  	_ =	task.clear_ibuf [dreg:s6], $0x6FFFF;
	_ =	strace $0x90000049  }
0xb3: {  	s29 =	simm.s32 $0x9;
	_ =	strace $0x8000004B  }
0xb4: {  	_ =	swait.ge [sflag:s29], $0x1  }
0xb5: {  	[sflag:s29] =	ssyncadd.s32 $0xFFFFFFFF  }
0xb6: {  	_ =	strace $0x9000004B  }
0xb7: {  	_ =	sfence  }
0xb8: {  	s30 =	sld [smem:$0x0];
	_ =	sdelay $0x2  }
0xb9: {  	s31 =	sshll.u32 s1, $0xD;
	s1 =	sshrl.u32 s1, $0x2  }
0xba: {  	s3 =	sand.u32 $0x4000, s31;
	s1 =	sadd.s32 s1, s30  }
0xbb: {  	s0 =	sor.u32 s3, s0;
	s1 =	sshll.u32 s1, $0x11  }
0xbc: {  	s0 =	sor.u32 s1, s0  }
0xbd: {  	s0 =	sadd.s32 $0x8F2B, s0  }
0xbe: {  	[sflag:s0] =	ssyncadd.remote.s32 $0x1  }
0xbf: {  	_ =	sfence.sel $0xFFFF  }
0xc0: {  	[dreg:$0x0] =	wrdreg $0xFFFFFFFF;
	(pc) =	sbr.abs _section_cstart, $3  }
0xc1: {  	[dreg:$0x1] =	wrdreg $0xFFFFFFFF  }
0xc2: {  	_ =	task.clear_ibuf [dreg:s6], $0x2FFFF;
	_ =	strace $0x9FFFFFFF  }
0xc3: {  	(tm) =	ssettm $0x7FFFFFFF  }
tec
execute0_lowered:
.L_overlay_start_1:
0x0: {  	(tag) =	ssettag $0x1  }
0x1: {  	s0 =	srdreg.scid  }
0x2: {  	s1 =	rddreg [dreg:$0x0];
	s11 =	stileid.u32  }
0x3: {  	s2 =	rddreg [dreg:$0x1];
	s12 =	simm.s32 $0x11;
	s16 =	simm.s32 $0x80  }
0x4: {  	s17 =	simm.s32 $0xC740;
	s18 =	simm.s32 $0xCF40;
	s20 =	simm.s32 $0xD740  }
0x5: {  	s22 =	simm.s32 $0xDF40;
	s29 =	simm.s32 $0xF740;
	s31 =	simm.s32 $0xFF40  }
0x6: {  	s15 =	simm.s32 $0x4;
	s19 =	simm.s32 $0x5;
	s21 =	simm.s32 $0x6  }
0x7: {  	s28 =	simm.s32 $0x9;
	s30 =	simm.s32 $0xA;
	s5 =	smul.u32 $0x2740, s11  }
0x8: {  	s14 =	simm.s32 $0x10;
	s0 =	sand.u32 $0x1, s0;
	s7 =	smul.u32 $0x2800, s11  }
0x9: {  	s25 =	sshll.u32 s11, $0x6;
	s3 =	sshll.u32 s0, $0x4;
	s9 =	smul.u32 $0x28000, s0  }
0xa: {  	s0 =	ssub.s32 $0x2, s0;
	s4 =	sor.u32 s11, s3;
	s3 =	rddreg [dreg:$0x2]  }
0xb: {  	s8 =	sshrl.u32 s5, $0x3;
	s10 =	sshrl.u32 s0, $0x1;
	s11 =	simm.s32 $0x3  }
0xc: {  	s6 =	smul.u32 $0x2800, s4;
	s4 =	simm.s32 $0x0;
	s8 =	sadd.s32 s8, s1  }
0xd: {  	s9 =	sadd.s32 s7, s9;
	s0 =	ssub.s32 s0, s10;
	s7 =	sadd.s32 s7, s2  }
0xe: {  	s5 =	sadd.s32 s5, s3;
	s10 =	simm.s32 $0xF;
	[smem:$0x7FF] =	sst s4  }
0xf: {  	s23 =	sadd.s32 $0x16E00, s8;
	_ =	strace $0x8000004A;
	[dreg:$0x5] =	wrdreg s7  }
0x10: {  	s9 =	sshrl.u32 s9, $0x3;
	s0 =	smax.u32 s0, $0x1;
	[dreg:$0x6] =	wrdreg s23  }
0x11: {  	s26 =	sshrl.u32 s5, $0x3;
	s8 =	simm.s32 $0xD;
	[dreg:$0xa] =	wrdreg s0  }
0x12: {  	s6 =	sshrl.u32 s6, $0x3;
	s0 =	sor.u32 $0x1C11, s25;
	[dreg:$0xc] =	wrdreg s26  }
0x13: {  	s26 =	simm.s32 $0xEF40;
	s23 =	simm.s32 $0x7;
	s6 =	sadd.s32 s6, s1  }
0x14: {  	s25 =	simm.s32 $0x8;
	[dreg:$0xb] =	wrdreg s0;
	s24 =	sadd.s32 $0x2E00, s6  }
0x15: {  	s1 =	sadd.s32 s9, s1;
	s6 =	sadd.s32 $0xCE00, s6;
	[dreg:$0x7] =	wrdreg s24  }
0x16: {  	s7 =	simm.s32 $0xC;
	s1 =	sadd.s32 $0x1BE00, s1;
	[dreg:$0x8] =	wrdreg s6  }
0x17: {  	s0 =	simm.s32 $0x2;
	s9 =	simm.s32 $0xE;
	[dreg:$0x9] =	wrdreg s1  }
0x18: {  	v0 =	vimm.f32 $0.0e+00;
	s24 =	simm.s32 $0xE740;
	s1 =	simm.s32 $0x1;
	s6 =	simm.s32 $0xB  }
.LBB2_1:
0x19: {  	s5 =	simm.s32 $0x40;
	s13 =	simm.s32 $0x0  }
.LBB2_2:
0x1a: {  	p0 =	sne.s32 s5, $0x9FC0;
	[tilespmem:s13+$0x5000] =	vst v0;
	s13 =	smov.u32 s5;
	s5 =	sadd.s32 $0x40, s5  }
.Ltmp0:
0x1b: {  	(pc) =	sbr.rel @p0 .LBB2_2-.Ltmp0, $2  }
0x1c: {  	_ =	sdelay $0x2  }
0x1d: {  	s13 =	sshra.s32 s13, $0x2  }
0x1e: {  	[dreg:$0x4] =	wrdreg s4  }
0x1f: {  	[tilespmem:s13+$0x5000] =	vst v0;
	s13 =	rddreg [dreg:$0x5];
	s5 =	simm.s32 $0x5000  }
0x20: {  	[spmem:s13] =	stream.linear.scatter [tilespmem:s5], [sflag:$0x11], $0x2800, $0x38;
	[tilespmem:$0x10740] =	vst v63  }
0x21: {  	_ =	swait.ge [sflag:s12], $0x2800  }
0x22: {  	s4 =	rddreg [dreg:$0x6]  }
0x23: {  	[sflag:s12] =	ssyncset.done $0x0;
	s5 =	rddreg [dreg:$0xb]  }
0x24: {  	s13 =	rddreg [dreg:$0xc];
	[sflag:s12] =	ssyncadd.s32 $0xFFFFD800  }
0x25: {  	[spmem:s13], [sflag:s5] =	dma.local [hbm:s4], $0x4E8  }
0x26: {  	_ =	swait.ge [sflag:s12], $0x4E8  }
0x27: {  	[sflag:s12] =	ssyncset.done $0x0  }
0x28: {  	s5 =	simm.s32 $0x0;
	s13 =	rddreg [dreg:$0x7];
	[sflag:s12] =	ssyncadd.s32 $0xFFFFFB18  }
0x29: {  	[tilespmem:s5], [sflag:$0x11] =	stream.linear.gather [hbm4b:s13+s5], $0x2800, $0x38;
	[tilespmem:$0x10740] =	vst v63  }
0x2a: {  	_ =	swait.ge [sflag:s12], $0x2800  }
0x2b: {  	[sflag:s12] =	ssyncset.done $0x0  }
0x2c: {  	s13 =	simm.s32 $0x2800;
	s4 =	rddreg [dreg:$0x8];
	[sflag:s12] =	ssyncadd.s32 $0xFFFFD800  }
0x2d: {  	[tilespmem:s13], [sflag:$0x11] =	stream.linear.gather [hbm4b:s4+s5], $0x2800, $0x38;
	[tilespmem:$0x10740] =	vst v63  }
0x2e: {  	_ =	swait.ge [sflag:s12], $0x2800  }
0x2f: {  	[sflag:s12] =	ssyncset.done $0x0  }
0x30: {  	[sflag:s12] =	ssyncadd.s32 $0xFFFFD800  }
0x31: {  	[bflag:$0x0] =	sbarrier.arrive $0xFFFF  }
0x32: {  	[tilespmem:s17], [sflag:$0x1] =	stream.indirect.gather [spmem:s3], $0x10, s5, s16, $0xb8;
	[tilespmem:$0x10740] =	vst v63  }
0x33: {  	_ = 	snop  }
0x34: {  	[tilespmem:s18], [sflag:$0x2] =	stream.indirect.gather [spmem:s3], $0x10, s16, s16, $0xb8;
	[tilespmem:$0x10740] =	vst v63  }
0x35: {  	s13 =	simm.s32 $0x100  }
0x36: {  	[tilespmem:s20], [sflag:$0x3] =	stream.indirect.gather [spmem:s3], $0x10, s13, s16, $0xb8;
	[tilespmem:$0x10740] =	vst v63  }
0x37: {  	s5 =	simm.s32 $0x180  }
0x38: {  	[tilespmem:s22], [sflag:$0x4] =	stream.indirect.gather [spmem:s3], $0x10, s5, s16, $0xb8;
	[tilespmem:$0x10740] =	vst v63  }
0x39: {  	s13 =	simm.s32 $0x200  }
0x3a: {  	[tilespmem:s24], [sflag:$0x5] =	stream.indirect.gather [spmem:s3], $0x10, s13, s16, $0xb8;
	[tilespmem:$0x10740] =	vst v63  }
0x3b: {  	s5 =	simm.s32 $0x280  }
0x3c: {  	[tilespmem:s26], [sflag:$0x6] =	stream.indirect.gather [spmem:s3], $0x10, s5, s16, $0xb8;
	[tilespmem:$0x10740] =	vst v63  }
0x3d: {  	s13 =	simm.s32 $0x300  }
0x3e: {  	[tilespmem:s29], [sflag:$0x7] =	stream.indirect.gather [spmem:s3], $0x10, s13, s16, $0xb8;
	[tilespmem:$0x10740] =	vst v63  }
0x3f: {  	s5 =	simm.s32 $0x380  }
0x40: {  	[tilespmem:s31], [sflag:$0x8] =	stream.indirect.gather [spmem:s3], $0x10, s5, s16, $0xb8;
	[tilespmem:$0x10740] =	vst v63  }
0x41: {  	_ =	swait.ge [sflag:s1], $0x800  }
0x42: {  	[sflag:s1] =	ssyncset.done $0x0  }
0x43: {  	s13 =	simm.s32 $0x2800;
	[sflag:s1] =	ssyncadd.s32 $0xFFFFF800  }
0x44: {  	[spmem:s2] =	stream.indirect.scatter.add.f32 [tilespmem:s17], [sflag:$0x9], $0x10, s13, s16, $0xb8;
	[tilespmem:$0x10740] =	vst v63  }
0x45: {  	_ =	swait.ge [sflag:s0], $0x800  }
0x46: {  	[sflag:s0] =	ssyncset.done $0x0  }
0x47: {  	s4 =	simm.s32 $0x2880;
	[sflag:s0] =	ssyncadd.s32 $0xFFFFF800  }
0x48: {  	[spmem:s2] =	stream.indirect.scatter.add.f32 [tilespmem:s18], [sflag:$0xA], $0x10, s4, s16, $0xb8;
	[tilespmem:$0x10740] =	vst v63  }
0x49: {  	_ =	swait.ge [sflag:s11], $0x800  }
0x4a: {  	[sflag:s11] =	ssyncset.done $0x0  }
0x4b: {  	s13 =	simm.s32 $0x2900;
	[sflag:s11] =	ssyncadd.s32 $0xFFFFF800  }
0x4c: {  	[spmem:s2] =	stream.indirect.scatter.add.f32 [tilespmem:s20], [sflag:$0xB], $0x10, s13, s16, $0xb8;
	[tilespmem:$0x10740] =	vst v63  }
0x4d: {  	_ =	swait.ge [sflag:s15], $0x800  }
0x4e: {  	[sflag:s15] =	ssyncset.done $0x0  }
0x4f: {  	s4 =	simm.s32 $0x2980;
	[sflag:s15] =	ssyncadd.s32 $0xFFFFF800  }
0x50: {  	[spmem:s2] =	stream.indirect.scatter.add.f32 [tilespmem:s22], [sflag:$0xC], $0x10, s4, s16, $0xb8;
	[tilespmem:$0x10740] =	vst v63  }
0x51: {  	_ =	swait.ge [sflag:s19], $0x800  }
0x52: {  	[sflag:s19] =	ssyncset.done $0x0  }
0x53: {  	s13 =	simm.s32 $0x2A00;
	[sflag:s19] =	ssyncadd.s32 $0xFFFFF800  }
0x54: {  	[spmem:s2] =	stream.indirect.scatter.add.f32 [tilespmem:s24], [sflag:$0xD], $0x10, s13, s16, $0xb8;
	[tilespmem:$0x10740] =	vst v63  }
0x55: {  	_ =	swait.ge [sflag:s21], $0x800  }
0x56: {  	[sflag:s21] =	ssyncset.done $0x0  }
0x57: {  	s4 =	simm.s32 $0x2A80;
	[sflag:s21] =	ssyncadd.s32 $0xFFFFF800  }
0x58: {  	[spmem:s2] =	stream.indirect.scatter.add.f32 [tilespmem:s26], [sflag:$0xE], $0x10, s4, s16, $0xb8;
	[tilespmem:$0x10740] =	vst v63  }
0x59: {  	_ =	swait.ge [sflag:s23], $0x800  }
0x5a: {  	[sflag:s23] =	ssyncset.done $0x0  }
0x5b: {  	s13 =	simm.s32 $0x2B00;
	[sflag:s23] =	ssyncadd.s32 $0xFFFFF800  }
0x5c: {  	[spmem:s2] =	stream.indirect.scatter.add.f32 [tilespmem:s29], [sflag:$0xF], $0x10, s13, s16, $0xb8;
	[tilespmem:$0x10740] =	vst v63  }
0x5d: {  	_ =	swait.ge [sflag:s25], $0x800  }
0x5e: {  	[sflag:s25] =	ssyncset.done $0x0  }
0x5f: {  	s4 =	simm.s32 $0x2B80;
	[sflag:s25] =	ssyncadd.s32 $0xFFFFF800  }
0x60: {  	[spmem:s2] =	stream.indirect.scatter.add.f32 [tilespmem:s31], [sflag:$0x10], $0x10, s4, s16, $0xb8;
	[tilespmem:$0x10740] =	vst v63  }
0x61: {  	_ =	swait.ge [sflag:s28], $0x800  }
0x62: {  	[sflag:s28] =	ssyncset.done $0x0  }
0x63: {  	s13 =	simm.s32 $0x400;
	[sflag:s28] =	ssyncadd.s32 $0xFFFFF800  }
0x64: {  	[tilespmem:s17], [sflag:$0x1] =	stream.indirect.gather [spmem:s3], $0x10, s13, s16, $0xb8;
	[tilespmem:$0x10740] =	vst v63  }
0x65: {  	_ =	swait.ge [sflag:s30], $0x800  }
0x66: {  	[sflag:s30] =	ssyncset.done $0x0  }
0x67: {  	s4 =	simm.s32 $0x480;
	[sflag:s30] =	ssyncadd.s32 $0xFFFFF800  }
0x68: {  	[tilespmem:s18], [sflag:$0x2] =	stream.indirect.gather [spmem:s3], $0x10, s4, s16, $0xb8;
	[tilespmem:$0x10740] =	vst v63  }
0x69: {  	_ =	swait.ge [sflag:s6], $0x800  }
0x6a: {  	[sflag:s6] =	ssyncset.done $0x0  }
0x6b: {  	s13 =	simm.s32 $0x500;
	[sflag:s6] =	ssyncadd.s32 $0xFFFFF800  }
0x6c: {  	[tilespmem:s20], [sflag:$0x3] =	stream.indirect.gather [spmem:s3], $0x10, s13, s16, $0xb8;
	[tilespmem:$0x10740] =	vst v63  }
0x6d: {  	_ =	swait.ge [sflag:s7], $0x800  }
0x6e: {  	[sflag:s7] =	ssyncset.done $0x0  }
0x6f: {  	s4 =	simm.s32 $0x580;
	[sflag:s7] =	ssyncadd.s32 $0xFFFFF800  }
0x70: {  	[tilespmem:s22], [sflag:$0x4] =	stream.indirect.gather [spmem:s3], $0x10, s4, s16, $0xb8;
	[tilespmem:$0x10740] =	vst v63  }
0x71: {  	_ =	swait.ge [sflag:s8], $0x800  }
0x72: {  	[sflag:s8] =	ssyncset.done $0x0  }
0x73: {  	s13 =	simm.s32 $0x600;
	[sflag:s8] =	ssyncadd.s32 $0xFFFFF800  }
0x74: {  	[tilespmem:s24], [sflag:$0x5] =	stream.indirect.gather [spmem:s3], $0x10, s13, s16, $0xb8;
	[tilespmem:$0x10740] =	vst v63  }
0x75: {  	_ =	swait.ge [sflag:s9], $0x800  }
0x76: {  	[sflag:s9] =	ssyncset.done $0x0  }
0x77: {  	s4 =	simm.s32 $0x680;
	[sflag:s9] =	ssyncadd.s32 $0xFFFFF800  }
0x78: {  	[tilespmem:s26], [sflag:$0x6] =	stream.indirect.gather [spmem:s3], $0x10, s4, s16, $0xb8;
	[tilespmem:$0x10740] =	vst v63  }
0x79: {  	_ =	swait.ge [sflag:s10], $0x800  }
0x7a: {  	[sflag:s10] =	ssyncset.done $0x0  }
0x7b: {  	s13 =	simm.s32 $0x700;
	[sflag:s10] =	ssyncadd.s32 $0xFFFFF800  }
0x7c: {  	[tilespmem:s29], [sflag:$0x7] =	stream.indirect.gather [spmem:s3], $0x10, s13, s16, $0xb8;
	[tilespmem:$0x10740] =	vst v63  }
0x7d: {  	_ =	swait.ge [sflag:s14], $0x800  }
0x7e: {  	[sflag:s14] =	ssyncset.done $0x0  }
0x7f: {  	s5 =	simm.s32 $0x1000;
	s13 =	simm.s32 $0x780;
	[sflag:s14] =	ssyncadd.s32 $0xFFFFF800  }
.LBB2_4:
0x80: {  	[tilespmem:s31], [sflag:$0x8] =	stream.indirect.gather [spmem:s3], $0x10, s13, s16, $0xb8;
	[tilespmem:$0x10740] =	vst v63  }
0x81: {  	s13 =	smov.u32 s5  }
0x82: {  	p0 =	sne.s32 s5, $0x8000;
	s5 =	sadd.s32 $0x1000, s5;
	_ =	swait.ge [sflag:s1], $0x800  }
0x83: {  	s13 =	sshra.s32 s13, $0x2;
	[sflag:s1] =	ssyncset.done $0x0  }
0x84: {  	s4 =	sadd.s32 $0x2800, s13;
	[sflag:s1] =	ssyncadd.s32 $0xFFFFF800  }
0x85: {  	[spmem:s2] =	stream.indirect.scatter.add.f32 [tilespmem:s17], [sflag:$0x9], $0x10, s4, s16, $0xb8;
	[tilespmem:$0x10740] =	vst v63  }
0x86: {  	_ =	swait.ge [sflag:s0], $0x800  }
0x87: {  	[sflag:s0] =	ssyncset.done $0x0  }
0x88: {  	s4 =	sadd.s32 $0x2880, s13;
	[sflag:s0] =	ssyncadd.s32 $0xFFFFF800  }
0x89: {  	[spmem:s2] =	stream.indirect.scatter.add.f32 [tilespmem:s18], [sflag:$0xA], $0x10, s4, s16, $0xb8;
	[tilespmem:$0x10740] =	vst v63  }
0x8a: {  	_ =	swait.ge [sflag:s11], $0x800  }
0x8b: {  	[sflag:s11] =	ssyncset.done $0x0  }
0x8c: {  	s4 =	sadd.s32 $0x2900, s13;
	[sflag:s11] =	ssyncadd.s32 $0xFFFFF800  }
0x8d: {  	[spmem:s2] =	stream.indirect.scatter.add.f32 [tilespmem:s20], [sflag:$0xB], $0x10, s4, s16, $0xb8;
	[tilespmem:$0x10740] =	vst v63  }
0x8e: {  	_ =	swait.ge [sflag:s15], $0x800  }
0x8f: {  	[sflag:s15] =	ssyncset.done $0x0  }
0x90: {  	s4 =	sadd.s32 $0x2980, s13;
	[sflag:s15] =	ssyncadd.s32 $0xFFFFF800  }
0x91: {  	[spmem:s2] =	stream.indirect.scatter.add.f32 [tilespmem:s22], [sflag:$0xC], $0x10, s4, s16, $0xb8;
	[tilespmem:$0x10740] =	vst v63  }
0x92: {  	_ =	swait.ge [sflag:s19], $0x800  }
0x93: {  	[sflag:s19] =	ssyncset.done $0x0  }
0x94: {  	s4 =	sadd.s32 $0x2A00, s13;
	[sflag:s19] =	ssyncadd.s32 $0xFFFFF800  }
0x95: {  	[spmem:s2] =	stream.indirect.scatter.add.f32 [tilespmem:s24], [sflag:$0xD], $0x10, s4, s16, $0xb8;
	[tilespmem:$0x10740] =	vst v63  }
0x96: {  	_ =	swait.ge [sflag:s21], $0x800  }
0x97: {  	[sflag:s21] =	ssyncset.done $0x0  }
0x98: {  	s4 =	sadd.s32 $0x2A80, s13;
	[sflag:s21] =	ssyncadd.s32 $0xFFFFF800  }
0x99: {  	[spmem:s2] =	stream.indirect.scatter.add.f32 [tilespmem:s26], [sflag:$0xE], $0x10, s4, s16, $0xb8;
	[tilespmem:$0x10740] =	vst v63  }
0x9a: {  	_ =	swait.ge [sflag:s23], $0x800  }
0x9b: {  	[sflag:s23] =	ssyncset.done $0x0  }
0x9c: {  	s4 =	sadd.s32 $0x2B00, s13;
	[sflag:s23] =	ssyncadd.s32 $0xFFFFF800  }
0x9d: {  	[spmem:s2] =	stream.indirect.scatter.add.f32 [tilespmem:s29], [sflag:$0xF], $0x10, s4, s16, $0xb8;
	[tilespmem:$0x10740] =	vst v63  }
0x9e: {  	_ =	swait.ge [sflag:s25], $0x800  }
0x9f: {  	[sflag:s25] =	ssyncset.done $0x0  }
0xa0: {  	s4 =	sadd.s32 $0x2B80, s13;
	[sflag:s25] =	ssyncadd.s32 $0xFFFFF800  }
0xa1: {  	[spmem:s2] =	stream.indirect.scatter.add.f32 [tilespmem:s31], [sflag:$0x10], $0x10, s4, s16, $0xb8;
	[tilespmem:$0x10740] =	vst v63  }
0xa2: {  	_ =	swait.ge [sflag:s28], $0x800  }
0xa3: {  	[sflag:s28] =	ssyncset.done $0x0  }
0xa4: {  	s4 =	sadd.s32 $0x400, s13;
	[sflag:s28] =	ssyncadd.s32 $0xFFFFF800  }
0xa5: {  	[tilespmem:s17], [sflag:$0x1] =	stream.indirect.gather [spmem:s3], $0x10, s4, s16, $0xb8;
	[tilespmem:$0x10740] =	vst v63  }
0xa6: {  	_ =	swait.ge [sflag:s30], $0x800  }
0xa7: {  	[sflag:s30] =	ssyncset.done $0x0  }
0xa8: {  	s4 =	sadd.s32 $0x480, s13;
	[sflag:s30] =	ssyncadd.s32 $0xFFFFF800  }
0xa9: {  	[tilespmem:s18], [sflag:$0x2] =	stream.indirect.gather [spmem:s3], $0x10, s4, s16, $0xb8;
	[tilespmem:$0x10740] =	vst v63  }
0xaa: {  	_ =	swait.ge [sflag:s6], $0x800  }
0xab: {  	[sflag:s6] =	ssyncset.done $0x0  }
0xac: {  	s4 =	sadd.s32 $0x500, s13;
	[sflag:s6] =	ssyncadd.s32 $0xFFFFF800  }
0xad: {  	[tilespmem:s20], [sflag:$0x3] =	stream.indirect.gather [spmem:s3], $0x10, s4, s16, $0xb8;
	[tilespmem:$0x10740] =	vst v63  }
0xae: {  	_ =	swait.ge [sflag:s7], $0x800  }
0xaf: {  	[sflag:s7] =	ssyncset.done $0x0  }
0xb0: {  	s4 =	sadd.s32 $0x580, s13;
	[sflag:s7] =	ssyncadd.s32 $0xFFFFF800  }
0xb1: {  	[tilespmem:s22], [sflag:$0x4] =	stream.indirect.gather [spmem:s3], $0x10, s4, s16, $0xb8;
	[tilespmem:$0x10740] =	vst v63  }
0xb2: {  	_ =	swait.ge [sflag:s8], $0x800  }
0xb3: {  	[sflag:s8] =	ssyncset.done $0x0  }
0xb4: {  	s4 =	sadd.s32 $0x600, s13;
	[sflag:s8] =	ssyncadd.s32 $0xFFFFF800  }
0xb5: {  	[tilespmem:s24], [sflag:$0x5] =	stream.indirect.gather [spmem:s3], $0x10, s4, s16, $0xb8;
	[tilespmem:$0x10740] =	vst v63  }
0xb6: {  	_ =	swait.ge [sflag:s9], $0x800  }
0xb7: {  	[sflag:s9] =	ssyncset.done $0x0  }
0xb8: {  	s4 =	sadd.s32 $0x680, s13;
	[sflag:s9] =	ssyncadd.s32 $0xFFFFF800  }
0xb9: {  	[tilespmem:s26], [sflag:$0x6] =	stream.indirect.gather [spmem:s3], $0x10, s4, s16, $0xb8;
	[tilespmem:$0x10740] =	vst v63  }
0xba: {  	_ =	swait.ge [sflag:s10], $0x800  }
0xbb: {  	[sflag:s10] =	ssyncset.done $0x0  }
.Ltmp1:
0xbc: {  	s4 =	sadd.s32 $0x700, s13;
	[sflag:s10] =	ssyncadd.s32 $0xFFFFF800;
	(pc) =	sbr.rel @p0 .LBB2_4-.Ltmp1, $4  }
0xbd: {  	[tilespmem:s29], [sflag:$0x7] =	stream.indirect.gather [spmem:s3], $0x10, s4, s16, $0xb8;
	[tilespmem:$0x10740] =	vst v63  }
0xbe: {  	_ =	swait.ge [sflag:s14], $0x800  }
0xbf: {  	[sflag:s14] =	ssyncset.done $0x0  }
0xc0: {  	s13 =	sadd.s32 $0x780, s13;
	[sflag:s14] =	ssyncadd.s32 $0xFFFFF800  }
0xc1: {  	[tilespmem:s31], [sflag:$0x8] =	stream.indirect.gather [spmem:s3], $0x10, s13, s16, $0xb8;
	[tilespmem:$0x10740] =	vst v63  }
0xc2: {  	_ =	swait.ge [sflag:s1], $0x800  }
0xc3: {  	[sflag:s1] =	ssyncset.done $0x0  }
0xc4: {  	s4 =	simm.s32 $0x4C00;
	[sflag:s1] =	ssyncadd.s32 $0xFFFFF800  }
0xc5: {  	[spmem:s2] =	stream.indirect.scatter.add.f32 [tilespmem:s17], [sflag:$0x9], $0x10, s4, s16, $0xb8;
	[tilespmem:$0x10740] =	vst v63  }
0xc6: {  	_ =	swait.ge [sflag:s0], $0x800  }
0xc7: {  	[sflag:s0] =	ssyncset.done $0x0  }
0xc8: {  	s5 =	simm.s32 $0x4C80;
	[sflag:s0] =	ssyncadd.s32 $0xFFFFF800  }
0xc9: {  	[spmem:s2] =	stream.indirect.scatter.add.f32 [tilespmem:s18], [sflag:$0xA], $0x10, s5, s16, $0xb8;
	[tilespmem:$0x10740] =	vst v63  }
0xca: {  	_ =	swait.ge [sflag:s11], $0x800  }
0xcb: {  	[sflag:s11] =	ssyncset.done $0x0  }
0xcc: {  	s13 =	simm.s32 $0x4D00;
	[sflag:s11] =	ssyncadd.s32 $0xFFFFF800  }
0xcd: {  	[spmem:s2] =	stream.indirect.scatter.add.f32 [tilespmem:s20], [sflag:$0xB], $0x10, s13, s16, $0xb8;
	[tilespmem:$0x10740] =	vst v63  }
0xce: {  	_ =	swait.ge [sflag:s15], $0x800  }
0xcf: {  	[sflag:s15] =	ssyncset.done $0x0  }
0xd0: {  	s5 =	simm.s32 $0x4D80;
	[sflag:s15] =	ssyncadd.s32 $0xFFFFF800  }
0xd1: {  	[spmem:s2] =	stream.indirect.scatter.add.f32 [tilespmem:s22], [sflag:$0xC], $0x10, s5, s16, $0xb8;
	[tilespmem:$0x10740] =	vst v63  }
0xd2: {  	_ =	swait.ge [sflag:s19], $0x800  }
0xd3: {  	[sflag:s19] =	ssyncset.done $0x0  }
0xd4: {  	s13 =	simm.s32 $0x4E00;
	[sflag:s19] =	ssyncadd.s32 $0xFFFFF800  }
0xd5: {  	[spmem:s2] =	stream.indirect.scatter.add.f32 [tilespmem:s24], [sflag:$0xD], $0x10, s13, s16, $0xb8;
	[tilespmem:$0x10740] =	vst v63  }
0xd6: {  	_ =	swait.ge [sflag:s21], $0x800  }
0xd7: {  	[sflag:s21] =	ssyncset.done $0x0  }
0xd8: {  	s5 =	simm.s32 $0x4E80;
	[sflag:s21] =	ssyncadd.s32 $0xFFFFF800  }
0xd9: {  	[spmem:s2] =	stream.indirect.scatter.add.f32 [tilespmem:s26], [sflag:$0xE], $0x10, s5, s16, $0xb8;
	[tilespmem:$0x10740] =	vst v63  }
0xda: {  	_ =	swait.ge [sflag:s23], $0x800  }
0xdb: {  	[sflag:s23] =	ssyncset.done $0x0  }
0xdc: {  	s13 =	simm.s32 $0x4F00;
	[sflag:s23] =	ssyncadd.s32 $0xFFFFF800  }
0xdd: {  	[spmem:s2] =	stream.indirect.scatter.add.f32 [tilespmem:s29], [sflag:$0xF], $0x10, s13, s16, $0xb8;
	[tilespmem:$0x10740] =	vst v63  }
0xde: {  	_ =	swait.ge [sflag:s25], $0x800  }
0xdf: {  	[sflag:s25] =	ssyncset.done $0x0  }
0xe0: {  	s5 =	simm.s32 $0x4F80;
	[sflag:s25] =	ssyncadd.s32 $0xFFFFF800  }
0xe1: {  	[spmem:s2] =	stream.indirect.scatter.add.f32 [tilespmem:s31], [sflag:$0x10], $0x10, s5, s16, $0xb8;
	[tilespmem:$0x10740] =	vst v63  }
0xe2: {  	_ =	swait.ge [sflag:s28], $0x800  }
0xe3: {  	[sflag:s28] =	ssyncset.done $0x0  }
0xe4: {  	[sflag:s28] =	ssyncadd.s32 $0xFFFFF800  }
0xe5: {  	_ =	swait.ge [sflag:s30], $0x800  }
0xe6: {  	[sflag:s30] =	ssyncset.done $0x0  }
0xe7: {  	[sflag:s30] =	ssyncadd.s32 $0xFFFFF800  }
0xe8: {  	_ =	swait.ge [sflag:s6], $0x800  }
0xe9: {  	[sflag:s6] =	ssyncset.done $0x0  }
0xea: {  	[sflag:s6] =	ssyncadd.s32 $0xFFFFF800  }
0xeb: {  	_ =	swait.ge [sflag:s7], $0x800  }
0xec: {  	[sflag:s7] =	ssyncset.done $0x0  }
0xed: {  	[sflag:s7] =	ssyncadd.s32 $0xFFFFF800  }
0xee: {  	_ =	swait.ge [sflag:s8], $0x800  }
0xef: {  	[sflag:s8] =	ssyncset.done $0x0  }
0xf0: {  	[sflag:s8] =	ssyncadd.s32 $0xFFFFF800  }
0xf1: {  	_ =	swait.ge [sflag:s9], $0x800  }
0xf2: {  	[sflag:s9] =	ssyncset.done $0x0  }
0xf3: {  	[sflag:s9] =	ssyncadd.s32 $0xFFFFF800  }
0xf4: {  	_ =	swait.ge [sflag:s10], $0x800  }
0xf5: {  	[sflag:s10] =	ssyncset.done $0x0  }
0xf6: {  	[sflag:s10] =	ssyncadd.s32 $0xFFFFF800  }
0xf7: {  	_ =	swait.ge [sflag:s14], $0x800  }
0xf8: {  	[sflag:s14] =	ssyncset.done $0x0  }
0xf9: {  	[sflag:s14] =	ssyncadd.s32 $0xFFFFF800  }
0xfa: {  	[bflag:$0x0] =	sbarrier.arrive $0xFFFF  }
0xfb: {  	s13 =	rddreg [dreg:$0x5]  }
0xfc: {  	s5 =	rddreg [dreg:$0x9]  }
0xfd: {  	s4 =	sshrl.u32 s13, $0x3;
	s13 =	rddreg [dreg:$0xb]  }
0xfe: {  	[hbm:s5], [sflag:s13] =	dma.local [spmem:s4], $0x500  }
0xff: {  	_ =	swait.ge [sflag:s12], $0x500  }
0x100: {  	s5 =	rddreg [dreg:$0x4]  }
0x101: {  	s13 =	rddreg [dreg:$0xa];
	s4 =	sadd.s32 $0x1, s5  }
0x102: {  	p0 =	sne.s32 s4, s13  }
.Ltmp2:
0x103: {  	_ = 	snop;
	(pc) =	sbr.rel @p0 .LBB2_1-.Ltmp2, $3  }
0x104: {  	_ =	sdelay $0x1  }
0x105: {  	[sflag:s12] =	ssyncset.done $0x0  }
0x106: {  	[sflag:s12] =	ssyncadd.s32 $0xFFFFFB00  }
0x107: {  	_ =	sfence.sel $0x180000  }
0x108: {  	[bflag:$0x0] =	sbarrier.arrive $0xFFFF  }
0x109: {  	_ =	strace $0x9000004A  }
0x10a: {  	s0 =	stileid.u32;
	[bflag:$0x2] =	sbarrier.arrive $0xFFFF  }
0x10b: {  	p0 =	sne.s32 s0, $0x0;
	s0 =	rddreg [dreg:$0x3]  }
0x10c: {  	s0 =	sadd.s32 @!p0 $0x100000, s0  }
0x10d: {  	[sflag:s0] =	ssyncadd.tile.s32 @!p0 $0x1;
	_ =	shalt  }
.Lfunc_end2:
_tile_overlayer_lowered:
.L_overlay_start_2:
0x10e: {  	(tag) =	ssettag $0x2  }
0x10f: {  	s0 =	rddreg [dreg:$0x0];
	s2 =	stileid.u32  }
0x110: {  	s1 =	rddreg [dreg:$0x1];
	p0 =	sne.s32 s2, $0x0  }
0x111: {  	s3 =	rddreg [dreg:$0x2];
	[bflag:$0x3] =	sbarrier.arrive $0xFFFF;
	s2 =	simm.s32 @!p0 $0x1C11  }
0x112: {  	[timem:s3], [sflag:s2] =	dma.local @!p0 [hbm:s0], s1  }
0x113: {  	s0 =	simm.s32 @!p0 $0x11  }
0x114: {  	_ =	swait.ge @!p0 [sflag:s0], s1  }
0x115: {  	s1 =	ssub.s32 @!p0 $0x0, s1;
	[sflag:s0] =	ssyncset.done @!p0 $0x0  }
0x116: {  	[sflag:s0] =	ssyncadd.s32 @!p0 s1  }
0x117: {  	[bflag:$0x3] =	sbarrier.arrive $0xFFFF  }
0x118: {  	_ =	shalt  }

// kernel: kernel.15.cloned.1.call-start
scs
__scs_entry_jumppad:
0x0: {  	(pc) =	sbr.rel $0x88, $3  }
0x1: {  	(tag) =	ssettag $0x0;
	lr =	simm.s32 $0x1  }
0x2: {  	[smem:$0x3F9B] =	sst lr;
	_ =	strace $0xD0000000  }
0x3: {  	_ = 	snop  }
0x4: {  	_ = 	snop  }
0x5: {  	_ = 	snop  }
0x6: {  	_ = 	snop  }
0x7: {  	_ = 	snop  }
__scs_overlays_trampoline_lowered:
0x8: {  	[smem:$0x3FAA] =	sst s0  }
0x9: {  	[smem:$0x3FAB] =	sst s1  }
0xa: {  	[smem:$0x3FAC] =	sst s2  }
0xb: {  	[smem:$0x3FAD] =	sst s3  }
0xc: {  	[smem:$0x3FAE] =	sst s4  }
0xd: {  	[smem:$0x3FAF] =	sst s5  }
0xe: {  	[smem:$0x3FB0] =	sst s6  }
0xf: {  	[smem:$0x3FB1] =	sst s7  }
0x10: {  	[smem:$0x3FB2] =	sst s8  }
0x11: {  	[smem:$0x3FB3] =	sst s9;
	s0 =	simm.s32 @!p0 $0x0  }
0x12: {  	s1 =	sld [smem:$0x3F99];
	s0 =	simm.s32 @p0 $0x1  }
0x13: {  	[smem:$0x3FB4] =	sst s0;
	s0 =	simm.s32 @!p1 $0x0  }
0x14: {  	s2 =	sld [smem:$0x3F98];
	s0 =	simm.s32 @p1 $0x1  }
0x15: {  	[smem:$0x3FB5] =	sst s0;
	s0 =	simm.s32 @!p2 $0x0  }
0x16: {  	s3 =	sld [smem:$0x3FDB];
	s0 =	simm.s32 @p2 $0x1  }
0x17: {  	s4 =	simm.s32 $0x1BF5;
	[smem:$0x3FB7] =	sst s0  }
0x18: {  	s0 =	sld [smem:$0x3F9A];
	_ =	swait.ge [sflag:s4], $0x0  }
0x19: {  	s7 =	sld [smem:$0x3F9B]  }
0x1a: {  	s8 =	sadd.s32 $0xFFFFE003, lr  }
0x1b: {  	s9 =	sadd.s32 $0xFFFFFEF7, lr;
	s5 =	simm.s32 $0xFFFFFFFF;
	p2 =	slt.u32 s8, $0xFFFFF086  }
0x1c: {  	p1 =	slt.u32 s9, $0xF7A;
	s5 =	simm.s32 @!p2 $0x0  }
0x1d: {  	s5 =	simm.s32 @p1 $0x1;
	p0 =	seq.s32 s7, s2  }
0x1e: {  	s7 =	smul.u32 @!p0 $0xF7A, s2;
	p2 =	seq.s32 @!p0 s5, $0x0  }
0x1f: {  	s9 =	smul.u32 $0xF7A, s1;
	s8 =	simm.s32 @!p0 $0x1BF5;
	p2 =	por !p2, p0  }
0x20: {  	[sflag:s8] =	ssyncset.s32 @!p0 $0xFFFFF086;
	s6 =	sadd.s32 @!p0 s3, s7;
	s7 =	simm.s32 @!p0 $0x108  }
0x21: {  	s3 =	sadd.s32 s3, s9;
	s6 =	sadd.s32 @!p0 $0x88, s6;
	s7 =	simm.s32 @p2 $0x1082  }
0x22: {  	[simem:s7], [sflag:s8] =	dma.local @!p0 [hbm:s6], $0xF7A  }
0x23: {  	s9 =	sor.u32 $0xD0000000, s2;
	s6 =	simm.s32 $0x108;
	_ =	swait.ge @!p0 [sflag:s8], $0x0  }
0x24: {  	s3 =	sadd.s32 $0x88, s3;
	s6 =	simm.s32 @!p1 $0x1082;
	[sflag:s4] =	ssyncset.s32 $0xFFFFF086  }
0x25: {  	[simem:s6], [sflag:s4] =	dma.local [hbm:s3], $0xF7A  }
0x26: {  	[smem:$0x3F9B] =	sst s1;
	(tag) =	ssettag s2;
	_ =	strace s9  }
0x27: {  	s1 =	sld [smem:$0x3FAB]  }
0x28: {  	s2 =	sld [smem:$0x3FAC]  }
0x29: {  	s4 =	sld [smem:$0x3FAE]  }
0x2a: {  	p0 =	seq.s32 s5, $0x0;
	s5 =	sld [smem:$0x3FAF]  }
0x2b: {  	s6 =	sld [smem:$0x3FB0]  }
0x2c: {  	s7 =	sld [smem:$0x3FB1]  }
0x2d: {  	s3 =	simm.s32 $0x108;
	s8 =	sld [smem:$0x3FB2]  }
0x2e: {  	s3 =	simm.s32 @!p0 $0x1082;
	s9 =	sld [smem:$0x3FB3]  }
0x2f: {  	lr =	sadd.s32 s0, s3;
	s0 =	sld [smem:$0x3FAA]  }
0x30: {  	s3 =	sld [smem:$0x3FAD]  }
0x31: {  	[smem:$0x3FB6] =	sst s10  }
0x32: {  	s10 =	sld [smem:$0x3FB4];
	_ =	sdelay $0x3  }
0x33: {  	p0 =	seq.s32 s10, $0x1;
	s10 =	sld [smem:$0x3FB6];
	_ =	sdelay $0x3  }
0x34: {  	[smem:$0x3FB6] =	sst s10  }
0x35: {  	s10 =	sld [smem:$0x3FB5];
	_ =	sdelay $0x3  }
0x36: {  	p1 =	seq.s32 s10, $0x1;
	s10 =	sld [smem:$0x3FB6];
	_ =	sdelay $0x3  }
0x37: {  	[smem:$0x3FB6] =	sst s10  }
0x38: {  	s10 =	sld [smem:$0x3FB7]  }
0x39: {  	_ = 	snop;
	(pc) =	sbr.ind lr, $3  }
0x3a: {  	_ = 	snop  }
0x3b: {  	_ = 	snop  }
0x3c: {  	p2 =	seq.s32 s10, $0x1;
	s10 =	sld [smem:$0x3FB6]  }
0x3d: {  	_ =	shalt  }
0x3e: {  	_ =	shalt  }
0x3f: {  	_ =	shalt  }
0x40: {  	_ =	shalt  }
0x41: {  	_ =	shalt  }
0x42: {  	_ =	shalt  }
0x43: {  	_ =	shalt  }
0x44: {  	_ =	shalt  }
0x45: {  	_ =	shalt  }
0x46: {  	_ =	shalt  }
0x47: {  	_ =	shalt  }
0x48: {  	_ =	shalt  }
0x49: {  	_ =	shalt  }
0x4a: {  	_ =	shalt  }
0x4b: {  	_ =	shalt  }
0x4c: {  	_ =	shalt  }
0x4d: {  	_ =	shalt  }
0x4e: {  	_ =	shalt  }
0x4f: {  	_ =	shalt  }
0x50: {  	_ =	shalt  }
0x51: {  	_ =	shalt  }
0x52: {  	_ =	shalt  }
0x53: {  	_ =	shalt  }
0x54: {  	_ =	shalt  }
0x55: {  	_ =	shalt  }
0x56: {  	_ =	shalt  }
0x57: {  	_ =	shalt  }
0x58: {  	_ =	shalt  }
0x59: {  	_ =	shalt  }
0x5a: {  	_ =	shalt  }
0x5b: {  	_ =	shalt  }
0x5c: {  	_ =	shalt  }
0x5d: {  	_ =	shalt  }
0x5e: {  	_ =	shalt  }
0x5f: {  	_ =	shalt  }
0x60: {  	_ =	shalt  }
0x61: {  	_ =	shalt  }
0x62: {  	_ =	shalt  }
0x63: {  	_ =	shalt  }
0x64: {  	_ =	shalt  }
0x65: {  	_ =	shalt  }
0x66: {  	_ =	shalt  }
0x67: {  	_ =	shalt  }
0x68: {  	_ =	shalt  }
0x69: {  	_ =	shalt  }
0x6a: {  	_ =	shalt  }
0x6b: {  	_ =	shalt  }
0x6c: {  	_ =	shalt  }
0x6d: {  	_ =	shalt  }
0x6e: {  	_ =	shalt  }
0x6f: {  	_ =	shalt  }
0x70: {  	_ =	shalt  }
0x71: {  	_ =	shalt  }
0x72: {  	_ =	shalt  }
0x73: {  	_ =	shalt  }
0x74: {  	_ =	shalt  }
0x75: {  	_ =	shalt  }
0x76: {  	_ =	shalt  }
0x77: {  	_ =	shalt  }
0x78: {  	_ =	shalt  }
0x79: {  	_ =	shalt  }
0x7a: {  	_ =	shalt  }
0x7b: {  	_ =	shalt  }
0x7c: {  	_ =	shalt  }
0x7d: {  	_ =	shalt  }
0x7e: {  	_ =	shalt  }
0x7f: {  	_ =	shalt  }
0x80: {  	_ =	shalt  }
0x81: {  	_ =	shalt  }
0x82: {  	_ =	shalt  }
0x83: {  	_ =	shalt  }
0x84: {  	_ =	shalt  }
0x85: {  	_ =	shalt  }
0x86: {  	_ =	shalt  }
0x87: {  	_ =	shalt  }
.Lfunc_end0:
.L_simem_size_0:
called_computation.2_lowered:
.L_overlay_start_0:
0x88: {  	s2 =	sld [smem:$0x3FD9]  }
0x89: {  	s3 =	sld [smem:$0x3FFE];
	_ =	sdelay $0x1  }
0x8a: {  	s1 =	srdreg.scid  }
0x8b: {  	s0 =	sand.u32 $0x1, s1  }
0x8c: {  	s16 =	sshll.u32 s0, $0xA;
	s2 =	sadd.s32 s3, s2  }
0x8d: {  	s2 =	sadd.s32 s2, s16  }
0x8e: {  	[smem:$0x3FC2] =	sst s2  }
0x8f: {  	_ = 	snop  }
0x90: {  	(tm) =	ssettm $0x1  }
0x91: {  	s17 =	sld [smem:$0x3FFB];
	_ =	sdelay $0x3  }
0x92: {  	_ =	strace s17  }
0x93: {  	s2 =	sld [smem:$0x3FFC];
	_ =	sdelay $0x3  }
0x94: {  	_ =	strace s2  }
0x95: {  	s2 =	sld [smem:$0x3FFD];
	_ =	sdelay $0x3  }
0x96: {  	_ =	strace s2  }
0x97: {  	_ =	strace $0x8FFFFFFF  }
0x98: {  	s18 =	sld [smem:$0x3FDB];
	_ =	sdelay $0x1  }
0x99: {  	s19 =	simm.s32 $_scs_section_size  }
0x9a: {  	s4 =	simm.s32 $_size__tile_overlayer_lowered;
	s5 =	simm.s32 $_tile_overlayer_lowered  }
0x9b: {  	s22 =	simm.s32 $0x1BFF;
	s21 =	sshll.u32 s5, $0x1;
	s2 =	sadd.s32 s19, s18  }
0x9c: {  	s6 =	simm.s32 $0x0;
	s20 =	sshll.u32 s4, $0x1;
	s4 =	sadd.s32 s21, s2  }
0x9d: {  	[timem:s6], [sflag:s22] =	dma.local [hbm:s4], s20  }
0x9e: {  	_ =	swait.ge [sflag:s22], s20  }
0x9f: {  	s3 =	ssub.s32 $0x0, s20;
	[sflag:s22] =	ssyncset.done $0x0  }
0xa0: {  	[sflag:s22] =	ssyncadd.s32 s3;
	_ =	sdelay $0x1  }
0xa1: {  	s23 =	simm.s32 $0x1B8B  }
0xa2: {  	_ =	swait.ge [sflag:s23], $0x1  }
0xa3: {  	[sflag:s23] =	ssyncset.done $0x0  }
0xa4: {  	s25 =	simm.s32 $0x1B8E;
	s24 =	sld [smem:$0x3FFE];
	[sflag:s23] =	ssyncadd.s32 $0xFFFFFFFF  }
0xa5: {  	s26 =	simm.s32 $execute0_lowered;
	[smem:$0x3FD2] =	sst s25  }
0xa6: {  	s4 =	sshll.u32 s26, $0x1;
	_ =	strace $0x8000004C;
	[dreg:$0x1] =	wrdreg $0xFFFFFFFF  }
0xa7: {  	s28 =	simm.s32 $_size_execute0_lowered;
	s2 =	sadd.s32 s2, s4;
	[dreg:$0x0] =	wrdreg $0x0  }
0xa8: {  	s4 =	sshll.u32 s28, $0x1;
	[dreg:$0x2] =	wrdreg s2  }
0xa9: {  	[dreg:$0x3] =	wrdreg s4  }
0xaa: {  	[dreg:$0x4] =	wrdreg $0xC0  }
0xab: {  	_ =	task [dreg:s6], $0x5FFFF  }
0xac: {  	[dreg:$0x1] =	wrdreg $0xFFFFFFFF  }
0xad: {  	[dreg:$0x0] =	wrdreg $0x60  }
0xae: {  	[dreg:$0x2] =	wrdreg s24  }
0xaf: {  	[dreg:$0x3] =	wrdreg $0x78000  }
0xb0: {  	[dreg:$0x4] =	wrdreg $0xA0000  }
0xb1: {  	[dreg:$0x5] =	wrdreg $0x9  }
0xb2: {  	_ =	task.clear_ibuf [dreg:s6], $0x6FFFF;
	_ =	strace $0x9000004C  }
0xb3: {  	s29 =	simm.s32 $0x9;
	_ =	strace $0x8000004E  }
0xb4: {  	_ =	swait.ge [sflag:s29], $0x1  }
0xb5: {  	[sflag:s29] =	ssyncadd.s32 $0xFFFFFFFF  }
0xb6: {  	_ =	strace $0x9000004E  }
0xb7: {  	_ =	sfence  }
0xb8: {  	s30 =	sld [smem:$0x0];
	_ =	sdelay $0x2  }
0xb9: {  	s31 =	sshll.u32 s1, $0xD;
	s1 =	sshrl.u32 s1, $0x2  }
0xba: {  	s3 =	sand.u32 $0x4000, s31;
	s1 =	sadd.s32 s1, s30  }
0xbb: {  	s0 =	sor.u32 s3, s0;
	s1 =	sshll.u32 s1, $0x11  }
0xbc: {  	s0 =	sor.u32 s1, s0  }
0xbd: {  	s0 =	sadd.s32 $0x8F2B, s0  }
0xbe: {  	[sflag:s0] =	ssyncadd.remote.s32 $0x1  }
0xbf: {  	_ =	sfence.sel $0xFFFF  }
0xc0: {  	[dreg:$0x0] =	wrdreg $0xFFFFFFFF;
	(pc) =	sbr.abs _section_cstart, $3  }
0xc1: {  	[dreg:$0x1] =	wrdreg $0xFFFFFFFF  }
0xc2: {  	_ =	task.clear_ibuf [dreg:s6], $0x2FFFF;
	_ =	strace $0x9FFFFFFF  }
0xc3: {  	(tm) =	ssettm $0x7FFFFFFF  }
tec
execute0_lowered:
.L_overlay_start_1:
0x0: {  	(tag) =	ssettag $0x1  }
0x1: {  	s0 =	srdreg.scid  }
0x2: {  	s1 =	rddreg [dreg:$0x0];
	s11 =	stileid.u32  }
0x3: {  	s2 =	rddreg [dreg:$0x1];
	s12 =	simm.s32 $0x11;
	s16 =	simm.s32 $0x80  }
0x4: {  	s17 =	simm.s32 $0xC740;
	s18 =	simm.s32 $0xCF40;
	s20 =	simm.s32 $0xD740  }
0x5: {  	s22 =	simm.s32 $0xDF40;
	s29 =	simm.s32 $0xF740;
	s31 =	simm.s32 $0xFF40  }
0x6: {  	s15 =	simm.s32 $0x4;
	s19 =	simm.s32 $0x5;
	s21 =	simm.s32 $0x6  }
0x7: {  	s28 =	simm.s32 $0x9;
	s30 =	simm.s32 $0xA;
	s5 =	smul.u32 $0x2740, s11  }
0x8: {  	s14 =	simm.s32 $0x10;
	s0 =	sand.u32 $0x1, s0;
	s7 =	smul.u32 $0x2800, s11  }
0x9: {  	s25 =	sshll.u32 s11, $0x6;
	s3 =	sshll.u32 s0, $0x4;
	s9 =	smul.u32 $0x28000, s0  }
0xa: {  	s0 =	ssub.s32 $0x2, s0;
	s4 =	sor.u32 s11, s3;
	s3 =	rddreg [dreg:$0x2]  }
0xb: {  	s8 =	sshrl.u32 s5, $0x3;
	s10 =	sshrl.u32 s0, $0x1;
	s11 =	simm.s32 $0x3  }
0xc: {  	s6 =	smul.u32 $0x2800, s4;
	s4 =	simm.s32 $0x0;
	s8 =	sadd.s32 s8, s1  }
0xd: {  	s9 =	sadd.s32 s7, s9;
	s0 =	ssub.s32 s0, s10;
	s7 =	sadd.s32 s7, s2  }
0xe: {  	s5 =	sadd.s32 s5, s3;
	s10 =	simm.s32 $0xF;
	[smem:$0x7FF] =	sst s4  }
0xf: {  	s23 =	sadd.s32 $0x16E00, s8;
	_ =	strace $0x8000004D;
	[dreg:$0x5] =	wrdreg s7  }
0x10: {  	s9 =	sshrl.u32 s9, $0x3;
	s0 =	smax.u32 s0, $0x1;
	[dreg:$0x6] =	wrdreg s23  }
0x11: {  	s26 =	sshrl.u32 s5, $0x3;
	s8 =	simm.s32 $0xD;
	[dreg:$0xa] =	wrdreg s0  }
0x12: {  	s6 =	sshrl.u32 s6, $0x3;
	s0 =	sor.u32 $0x1C11, s25;
	[dreg:$0xc] =	wrdreg s26  }
0x13: {  	s26 =	simm.s32 $0xEF40;
	s23 =	simm.s32 $0x7;
	s6 =	sadd.s32 s6, s1  }
0x14: {  	s25 =	simm.s32 $0x8;
	[dreg:$0xb] =	wrdreg s0;
	s24 =	sadd.s32 $0x2E00, s6  }
0x15: {  	s1 =	sadd.s32 s9, s1;
	s6 =	sadd.s32 $0xCE00, s6;
	[dreg:$0x7] =	wrdreg s24  }
0x16: {  	s7 =	simm.s32 $0xC;
	s1 =	sadd.s32 $0x1BE00, s1;
	[dreg:$0x8] =	wrdreg s6  }
0x17: {  	s0 =	simm.s32 $0x2;
	s9 =	simm.s32 $0xE;
	[dreg:$0x9] =	wrdreg s1  }
0x18: {  	v0 =	vimm.f32 $0.0e+00;
	s24 =	simm.s32 $0xE740;
	s1 =	simm.s32 $0x1;
	s6 =	simm.s32 $0xB  }
.LBB2_1:
0x19: {  	s5 =	simm.s32 $0x40;
	s13 =	simm.s32 $0x0  }
.LBB2_2:
0x1a: {  	p0 =	sne.s32 s5, $0x9FC0;
	[tilespmem:s13+$0x5000] =	vst v0;
	s13 =	smov.u32 s5;
	s5 =	sadd.s32 $0x40, s5  }
.Ltmp0:
0x1b: {  	(pc) =	sbr.rel @p0 .LBB2_2-.Ltmp0, $2  }
0x1c: {  	_ =	sdelay $0x2  }
0x1d: {  	s13 =	sshra.s32 s13, $0x2  }
0x1e: {  	[dreg:$0x4] =	wrdreg s4  }
0x1f: {  	[tilespmem:s13+$0x5000] =	vst v0;
	s13 =	rddreg [dreg:$0x5];
	s5 =	simm.s32 $0x5000  }
0x20: {  	[spmem:s13] =	stream.linear.scatter [tilespmem:s5], [sflag:$0x11], $0x2800, $0x38;
	[tilespmem:$0x10740] =	vst v63  }
0x21: {  	_ =	swait.ge [sflag:s12], $0x2800  }
0x22: {  	s4 =	rddreg [dreg:$0x6]  }
0x23: {  	[sflag:s12] =	ssyncset.done $0x0;
	s5 =	rddreg [dreg:$0xb]  }
0x24: {  	s13 =	rddreg [dreg:$0xc];
	[sflag:s12] =	ssyncadd.s32 $0xFFFFD800  }
0x25: {  	[spmem:s13], [sflag:s5] =	dma.local [hbm:s4], $0x4E8  }
0x26: {  	_ =	swait.ge [sflag:s12], $0x4E8  }
0x27: {  	[sflag:s12] =	ssyncset.done $0x0  }
0x28: {  	s5 =	simm.s32 $0x0;
	s13 =	rddreg [dreg:$0x7];
	[sflag:s12] =	ssyncadd.s32 $0xFFFFFB18  }
0x29: {  	[tilespmem:s5], [sflag:$0x11] =	stream.linear.gather [hbm4b:s13+s5], $0x2800, $0x38;
	[tilespmem:$0x10740] =	vst v63  }
0x2a: {  	_ =	swait.ge [sflag:s12], $0x2800  }
0x2b: {  	[sflag:s12] =	ssyncset.done $0x0  }
0x2c: {  	s13 =	simm.s32 $0x2800;
	s4 =	rddreg [dreg:$0x8];
	[sflag:s12] =	ssyncadd.s32 $0xFFFFD800  }
0x2d: {  	[tilespmem:s13], [sflag:$0x11] =	stream.linear.gather [hbm4b:s4+s5], $0x2800, $0x38;
	[tilespmem:$0x10740] =	vst v63  }
0x2e: {  	_ =	swait.ge [sflag:s12], $0x2800  }
0x2f: {  	[sflag:s12] =	ssyncset.done $0x0  }
0x30: {  	[sflag:s12] =	ssyncadd.s32 $0xFFFFD800  }
0x31: {  	[bflag:$0x0] =	sbarrier.arrive $0xFFFF  }
0x32: {  	[tilespmem:s17], [sflag:$0x1] =	stream.indirect.gather [spmem:s3], $0x10, s5, s16, $0xb8;
	[tilespmem:$0x10740] =	vst v63  }
0x33: {  	_ = 	snop  }
0x34: {  	[tilespmem:s18], [sflag:$0x2] =	stream.indirect.gather [spmem:s3], $0x10, s16, s16, $0xb8;
	[tilespmem:$0x10740] =	vst v63  }
0x35: {  	s13 =	simm.s32 $0x100  }
0x36: {  	[tilespmem:s20], [sflag:$0x3] =	stream.indirect.gather [spmem:s3], $0x10, s13, s16, $0xb8;
	[tilespmem:$0x10740] =	vst v63  }
0x37: {  	s5 =	simm.s32 $0x180  }
0x38: {  	[tilespmem:s22], [sflag:$0x4] =	stream.indirect.gather [spmem:s3], $0x10, s5, s16, $0xb8;
	[tilespmem:$0x10740] =	vst v63  }
0x39: {  	s13 =	simm.s32 $0x200  }
0x3a: {  	[tilespmem:s24], [sflag:$0x5] =	stream.indirect.gather [spmem:s3], $0x10, s13, s16, $0xb8;
	[tilespmem:$0x10740] =	vst v63  }
0x3b: {  	s5 =	simm.s32 $0x280  }
0x3c: {  	[tilespmem:s26], [sflag:$0x6] =	stream.indirect.gather [spmem:s3], $0x10, s5, s16, $0xb8;
	[tilespmem:$0x10740] =	vst v63  }
0x3d: {  	s13 =	simm.s32 $0x300  }
0x3e: {  	[tilespmem:s29], [sflag:$0x7] =	stream.indirect.gather [spmem:s3], $0x10, s13, s16, $0xb8;
	[tilespmem:$0x10740] =	vst v63  }
0x3f: {  	s5 =	simm.s32 $0x380  }
0x40: {  	[tilespmem:s31], [sflag:$0x8] =	stream.indirect.gather [spmem:s3], $0x10, s5, s16, $0xb8;
	[tilespmem:$0x10740] =	vst v63  }
0x41: {  	_ =	swait.ge [sflag:s1], $0x800  }
0x42: {  	[sflag:s1] =	ssyncset.done $0x0  }
0x43: {  	s13 =	simm.s32 $0x2800;
	[sflag:s1] =	ssyncadd.s32 $0xFFFFF800  }
0x44: {  	[spmem:s2] =	stream.indirect.scatter.add.f32 [tilespmem:s17], [sflag:$0x9], $0x10, s13, s16, $0xb8;
	[tilespmem:$0x10740] =	vst v63  }
0x45: {  	_ =	swait.ge [sflag:s0], $0x800  }
0x46: {  	[sflag:s0] =	ssyncset.done $0x0  }
0x47: {  	s4 =	simm.s32 $0x2880;
	[sflag:s0] =	ssyncadd.s32 $0xFFFFF800  }
0x48: {  	[spmem:s2] =	stream.indirect.scatter.add.f32 [tilespmem:s18], [sflag:$0xA], $0x10, s4, s16, $0xb8;
	[tilespmem:$0x10740] =	vst v63  }
0x49: {  	_ =	swait.ge [sflag:s11], $0x800  }
0x4a: {  	[sflag:s11] =	ssyncset.done $0x0  }
0x4b: {  	s13 =	simm.s32 $0x2900;
	[sflag:s11] =	ssyncadd.s32 $0xFFFFF800  }
0x4c: {  	[spmem:s2] =	stream.indirect.scatter.add.f32 [tilespmem:s20], [sflag:$0xB], $0x10, s13, s16, $0xb8;
	[tilespmem:$0x10740] =	vst v63  }
0x4d: {  	_ =	swait.ge [sflag:s15], $0x800  }
0x4e: {  	[sflag:s15] =	ssyncset.done $0x0  }
0x4f: {  	s4 =	simm.s32 $0x2980;
	[sflag:s15] =	ssyncadd.s32 $0xFFFFF800  }
0x50: {  	[spmem:s2] =	stream.indirect.scatter.add.f32 [tilespmem:s22], [sflag:$0xC], $0x10, s4, s16, $0xb8;
	[tilespmem:$0x10740] =	vst v63  }
0x51: {  	_ =	swait.ge [sflag:s19], $0x800  }
0x52: {  	[sflag:s19] =	ssyncset.done $0x0  }
0x53: {  	s13 =	simm.s32 $0x2A00;
	[sflag:s19] =	ssyncadd.s32 $0xFFFFF800  }
0x54: {  	[spmem:s2] =	stream.indirect.scatter.add.f32 [tilespmem:s24], [sflag:$0xD], $0x10, s13, s16, $0xb8;
	[tilespmem:$0x10740] =	vst v63  }
0x55: {  	_ =	swait.ge [sflag:s21], $0x800  }
0x56: {  	[sflag:s21] =	ssyncset.done $0x0  }
0x57: {  	s4 =	simm.s32 $0x2A80;
	[sflag:s21] =	ssyncadd.s32 $0xFFFFF800  }
0x58: {  	[spmem:s2] =	stream.indirect.scatter.add.f32 [tilespmem:s26], [sflag:$0xE], $0x10, s4, s16, $0xb8;
	[tilespmem:$0x10740] =	vst v63  }
0x59: {  	_ =	swait.ge [sflag:s23], $0x800  }
0x5a: {  	[sflag:s23] =	ssyncset.done $0x0  }
0x5b: {  	s13 =	simm.s32 $0x2B00;
	[sflag:s23] =	ssyncadd.s32 $0xFFFFF800  }
0x5c: {  	[spmem:s2] =	stream.indirect.scatter.add.f32 [tilespmem:s29], [sflag:$0xF], $0x10, s13, s16, $0xb8;
	[tilespmem:$0x10740] =	vst v63  }
0x5d: {  	_ =	swait.ge [sflag:s25], $0x800  }
0x5e: {  	[sflag:s25] =	ssyncset.done $0x0  }
0x5f: {  	s4 =	simm.s32 $0x2B80;
	[sflag:s25] =	ssyncadd.s32 $0xFFFFF800  }
0x60: {  	[spmem:s2] =	stream.indirect.scatter.add.f32 [tilespmem:s31], [sflag:$0x10], $0x10, s4, s16, $0xb8;
	[tilespmem:$0x10740] =	vst v63  }
0x61: {  	_ =	swait.ge [sflag:s28], $0x800  }
0x62: {  	[sflag:s28] =	ssyncset.done $0x0  }
0x63: {  	s13 =	simm.s32 $0x400;
	[sflag:s28] =	ssyncadd.s32 $0xFFFFF800  }
0x64: {  	[tilespmem:s17], [sflag:$0x1] =	stream.indirect.gather [spmem:s3], $0x10, s13, s16, $0xb8;
	[tilespmem:$0x10740] =	vst v63  }
0x65: {  	_ =	swait.ge [sflag:s30], $0x800  }
0x66: {  	[sflag:s30] =	ssyncset.done $0x0  }
0x67: {  	s4 =	simm.s32 $0x480;
	[sflag:s30] =	ssyncadd.s32 $0xFFFFF800  }
0x68: {  	[tilespmem:s18], [sflag:$0x2] =	stream.indirect.gather [spmem:s3], $0x10, s4, s16, $0xb8;
	[tilespmem:$0x10740] =	vst v63  }
0x69: {  	_ =	swait.ge [sflag:s6], $0x800  }
0x6a: {  	[sflag:s6] =	ssyncset.done $0x0  }
0x6b: {  	s13 =	simm.s32 $0x500;
	[sflag:s6] =	ssyncadd.s32 $0xFFFFF800  }
0x6c: {  	[tilespmem:s20], [sflag:$0x3] =	stream.indirect.gather [spmem:s3], $0x10, s13, s16, $0xb8;
	[tilespmem:$0x10740] =	vst v63  }
0x6d: {  	_ =	swait.ge [sflag:s7], $0x800  }
0x6e: {  	[sflag:s7] =	ssyncset.done $0x0  }
0x6f: {  	s4 =	simm.s32 $0x580;
	[sflag:s7] =	ssyncadd.s32 $0xFFFFF800  }
0x70: {  	[tilespmem:s22], [sflag:$0x4] =	stream.indirect.gather [spmem:s3], $0x10, s4, s16, $0xb8;
	[tilespmem:$0x10740] =	vst v63  }
0x71: {  	_ =	swait.ge [sflag:s8], $0x800  }
0x72: {  	[sflag:s8] =	ssyncset.done $0x0  }
0x73: {  	s13 =	simm.s32 $0x600;
	[sflag:s8] =	ssyncadd.s32 $0xFFFFF800  }
0x74: {  	[tilespmem:s24], [sflag:$0x5] =	stream.indirect.gather [spmem:s3], $0x10, s13, s16, $0xb8;
	[tilespmem:$0x10740] =	vst v63  }
0x75: {  	_ =	swait.ge [sflag:s9], $0x800  }
0x76: {  	[sflag:s9] =	ssyncset.done $0x0  }
0x77: {  	s4 =	simm.s32 $0x680;
	[sflag:s9] =	ssyncadd.s32 $0xFFFFF800  }
0x78: {  	[tilespmem:s26], [sflag:$0x6] =	stream.indirect.gather [spmem:s3], $0x10, s4, s16, $0xb8;
	[tilespmem:$0x10740] =	vst v63  }
0x79: {  	_ =	swait.ge [sflag:s10], $0x800  }
0x7a: {  	[sflag:s10] =	ssyncset.done $0x0  }
0x7b: {  	s13 =	simm.s32 $0x700;
	[sflag:s10] =	ssyncadd.s32 $0xFFFFF800  }
0x7c: {  	[tilespmem:s29], [sflag:$0x7] =	stream.indirect.gather [spmem:s3], $0x10, s13, s16, $0xb8;
	[tilespmem:$0x10740] =	vst v63  }
0x7d: {  	_ =	swait.ge [sflag:s14], $0x800  }
0x7e: {  	[sflag:s14] =	ssyncset.done $0x0  }
0x7f: {  	s5 =	simm.s32 $0x1000;
	s13 =	simm.s32 $0x780;
	[sflag:s14] =	ssyncadd.s32 $0xFFFFF800  }
.LBB2_4:
0x80: {  	[tilespmem:s31], [sflag:$0x8] =	stream.indirect.gather [spmem:s3], $0x10, s13, s16, $0xb8;
	[tilespmem:$0x10740] =	vst v63  }
0x81: {  	s13 =	smov.u32 s5  }
0x82: {  	p0 =	sne.s32 s5, $0x8000;
	s5 =	sadd.s32 $0x1000, s5;
	_ =	swait.ge [sflag:s1], $0x800  }
0x83: {  	s13 =	sshra.s32 s13, $0x2;
	[sflag:s1] =	ssyncset.done $0x0  }
0x84: {  	s4 =	sadd.s32 $0x2800, s13;
	[sflag:s1] =	ssyncadd.s32 $0xFFFFF800  }
0x85: {  	[spmem:s2] =	stream.indirect.scatter.add.f32 [tilespmem:s17], [sflag:$0x9], $0x10, s4, s16, $0xb8;
	[tilespmem:$0x10740] =	vst v63  }
0x86: {  	_ =	swait.ge [sflag:s0], $0x800  }
0x87: {  	[sflag:s0] =	ssyncset.done $0x0  }
0x88: {  	s4 =	sadd.s32 $0x2880, s13;
	[sflag:s0] =	ssyncadd.s32 $0xFFFFF800  }
0x89: {  	[spmem:s2] =	stream.indirect.scatter.add.f32 [tilespmem:s18], [sflag:$0xA], $0x10, s4, s16, $0xb8;
	[tilespmem:$0x10740] =	vst v63  }
0x8a: {  	_ =	swait.ge [sflag:s11], $0x800  }
0x8b: {  	[sflag:s11] =	ssyncset.done $0x0  }
0x8c: {  	s4 =	sadd.s32 $0x2900, s13;
	[sflag:s11] =	ssyncadd.s32 $0xFFFFF800  }
0x8d: {  	[spmem:s2] =	stream.indirect.scatter.add.f32 [tilespmem:s20], [sflag:$0xB], $0x10, s4, s16, $0xb8;
	[tilespmem:$0x10740] =	vst v63  }
0x8e: {  	_ =	swait.ge [sflag:s15], $0x800  }
0x8f: {  	[sflag:s15] =	ssyncset.done $0x0  }
0x90: {  	s4 =	sadd.s32 $0x2980, s13;
	[sflag:s15] =	ssyncadd.s32 $0xFFFFF800  }
0x91: {  	[spmem:s2] =	stream.indirect.scatter.add.f32 [tilespmem:s22], [sflag:$0xC], $0x10, s4, s16, $0xb8;
	[tilespmem:$0x10740] =	vst v63  }
0x92: {  	_ =	swait.ge [sflag:s19], $0x800  }
0x93: {  	[sflag:s19] =	ssyncset.done $0x0  }
0x94: {  	s4 =	sadd.s32 $0x2A00, s13;
	[sflag:s19] =	ssyncadd.s32 $0xFFFFF800  }
0x95: {  	[spmem:s2] =	stream.indirect.scatter.add.f32 [tilespmem:s24], [sflag:$0xD], $0x10, s4, s16, $0xb8;
	[tilespmem:$0x10740] =	vst v63  }
0x96: {  	_ =	swait.ge [sflag:s21], $0x800  }
0x97: {  	[sflag:s21] =	ssyncset.done $0x0  }
0x98: {  	s4 =	sadd.s32 $0x2A80, s13;
	[sflag:s21] =	ssyncadd.s32 $0xFFFFF800  }
0x99: {  	[spmem:s2] =	stream.indirect.scatter.add.f32 [tilespmem:s26], [sflag:$0xE], $0x10, s4, s16, $0xb8;
	[tilespmem:$0x10740] =	vst v63  }
0x9a: {  	_ =	swait.ge [sflag:s23], $0x800  }
0x9b: {  	[sflag:s23] =	ssyncset.done $0x0  }
0x9c: {  	s4 =	sadd.s32 $0x2B00, s13;
	[sflag:s23] =	ssyncadd.s32 $0xFFFFF800  }
0x9d: {  	[spmem:s2] =	stream.indirect.scatter.add.f32 [tilespmem:s29], [sflag:$0xF], $0x10, s4, s16, $0xb8;
	[tilespmem:$0x10740] =	vst v63  }
0x9e: {  	_ =	swait.ge [sflag:s25], $0x800  }
0x9f: {  	[sflag:s25] =	ssyncset.done $0x0  }
0xa0: {  	s4 =	sadd.s32 $0x2B80, s13;
	[sflag:s25] =	ssyncadd.s32 $0xFFFFF800  }
0xa1: {  	[spmem:s2] =	stream.indirect.scatter.add.f32 [tilespmem:s31], [sflag:$0x10], $0x10, s4, s16, $0xb8;
	[tilespmem:$0x10740] =	vst v63  }
0xa2: {  	_ =	swait.ge [sflag:s28], $0x800  }
0xa3: {  	[sflag:s28] =	ssyncset.done $0x0  }
0xa4: {  	s4 =	sadd.s32 $0x400, s13;
	[sflag:s28] =	ssyncadd.s32 $0xFFFFF800  }
0xa5: {  	[tilespmem:s17], [sflag:$0x1] =	stream.indirect.gather [spmem:s3], $0x10, s4, s16, $0xb8;
	[tilespmem:$0x10740] =	vst v63  }
0xa6: {  	_ =	swait.ge [sflag:s30], $0x800  }
0xa7: {  	[sflag:s30] =	ssyncset.done $0x0  }
0xa8: {  	s4 =	sadd.s32 $0x480, s13;
	[sflag:s30] =	ssyncadd.s32 $0xFFFFF800  }
0xa9: {  	[tilespmem:s18], [sflag:$0x2] =	stream.indirect.gather [spmem:s3], $0x10, s4, s16, $0xb8;
	[tilespmem:$0x10740] =	vst v63  }
0xaa: {  	_ =	swait.ge [sflag:s6], $0x800  }
0xab: {  	[sflag:s6] =	ssyncset.done $0x0  }
0xac: {  	s4 =	sadd.s32 $0x500, s13;
	[sflag:s6] =	ssyncadd.s32 $0xFFFFF800  }
0xad: {  	[tilespmem:s20], [sflag:$0x3] =	stream.indirect.gather [spmem:s3], $0x10, s4, s16, $0xb8;
	[tilespmem:$0x10740] =	vst v63  }
0xae: {  	_ =	swait.ge [sflag:s7], $0x800  }
0xaf: {  	[sflag:s7] =	ssyncset.done $0x0  }
0xb0: {  	s4 =	sadd.s32 $0x580, s13;
	[sflag:s7] =	ssyncadd.s32 $0xFFFFF800  }
0xb1: {  	[tilespmem:s22], [sflag:$0x4] =	stream.indirect.gather [spmem:s3], $0x10, s4, s16, $0xb8;
	[tilespmem:$0x10740] =	vst v63  }
0xb2: {  	_ =	swait.ge [sflag:s8], $0x800  }
0xb3: {  	[sflag:s8] =	ssyncset.done $0x0  }
0xb4: {  	s4 =	sadd.s32 $0x600, s13;
	[sflag:s8] =	ssyncadd.s32 $0xFFFFF800  }
0xb5: {  	[tilespmem:s24], [sflag:$0x5] =	stream.indirect.gather [spmem:s3], $0x10, s4, s16, $0xb8;
	[tilespmem:$0x10740] =	vst v63  }
0xb6: {  	_ =	swait.ge [sflag:s9], $0x800  }
0xb7: {  	[sflag:s9] =	ssyncset.done $0x0  }
0xb8: {  	s4 =	sadd.s32 $0x680, s13;
	[sflag:s9] =	ssyncadd.s32 $0xFFFFF800  }
0xb9: {  	[tilespmem:s26], [sflag:$0x6] =	stream.indirect.gather [spmem:s3], $0x10, s4, s16, $0xb8;
	[tilespmem:$0x10740] =	vst v63  }
0xba: {  	_ =	swait.ge [sflag:s10], $0x800  }
0xbb: {  	[sflag:s10] =	ssyncset.done $0x0  }
.Ltmp1:
0xbc: {  	s4 =	sadd.s32 $0x700, s13;
	[sflag:s10] =	ssyncadd.s32 $0xFFFFF800;
	(pc) =	sbr.rel @p0 .LBB2_4-.Ltmp1, $4  }
0xbd: {  	[tilespmem:s29], [sflag:$0x7] =	stream.indirect.gather [spmem:s3], $0x10, s4, s16, $0xb8;
	[tilespmem:$0x10740] =	vst v63  }
0xbe: {  	_ =	swait.ge [sflag:s14], $0x800  }
0xbf: {  	[sflag:s14] =	ssyncset.done $0x0  }
0xc0: {  	s13 =	sadd.s32 $0x780, s13;
	[sflag:s14] =	ssyncadd.s32 $0xFFFFF800  }
0xc1: {  	[tilespmem:s31], [sflag:$0x8] =	stream.indirect.gather [spmem:s3], $0x10, s13, s16, $0xb8;
	[tilespmem:$0x10740] =	vst v63  }
0xc2: {  	_ =	swait.ge [sflag:s1], $0x800  }
0xc3: {  	[sflag:s1] =	ssyncset.done $0x0  }
0xc4: {  	s4 =	simm.s32 $0x4C00;
	[sflag:s1] =	ssyncadd.s32 $0xFFFFF800  }
0xc5: {  	[spmem:s2] =	stream.indirect.scatter.add.f32 [tilespmem:s17], [sflag:$0x9], $0x10, s4, s16, $0xb8;
	[tilespmem:$0x10740] =	vst v63  }
0xc6: {  	_ =	swait.ge [sflag:s0], $0x800  }
0xc7: {  	[sflag:s0] =	ssyncset.done $0x0  }
0xc8: {  	s5 =	simm.s32 $0x4C80;
	[sflag:s0] =	ssyncadd.s32 $0xFFFFF800  }
0xc9: {  	[spmem:s2] =	stream.indirect.scatter.add.f32 [tilespmem:s18], [sflag:$0xA], $0x10, s5, s16, $0xb8;
	[tilespmem:$0x10740] =	vst v63  }
0xca: {  	_ =	swait.ge [sflag:s11], $0x800  }
0xcb: {  	[sflag:s11] =	ssyncset.done $0x0  }
0xcc: {  	s13 =	simm.s32 $0x4D00;
	[sflag:s11] =	ssyncadd.s32 $0xFFFFF800  }
0xcd: {  	[spmem:s2] =	stream.indirect.scatter.add.f32 [tilespmem:s20], [sflag:$0xB], $0x10, s13, s16, $0xb8;
	[tilespmem:$0x10740] =	vst v63  }
0xce: {  	_ =	swait.ge [sflag:s15], $0x800  }
0xcf: {  	[sflag:s15] =	ssyncset.done $0x0  }
0xd0: {  	s5 =	simm.s32 $0x4D80;
	[sflag:s15] =	ssyncadd.s32 $0xFFFFF800  }
0xd1: {  	[spmem:s2] =	stream.indirect.scatter.add.f32 [tilespmem:s22], [sflag:$0xC], $0x10, s5, s16, $0xb8;
	[tilespmem:$0x10740] =	vst v63  }
0xd2: {  	_ =	swait.ge [sflag:s19], $0x800  }
0xd3: {  	[sflag:s19] =	ssyncset.done $0x0  }
0xd4: {  	s13 =	simm.s32 $0x4E00;
	[sflag:s19] =	ssyncadd.s32 $0xFFFFF800  }
0xd5: {  	[spmem:s2] =	stream.indirect.scatter.add.f32 [tilespmem:s24], [sflag:$0xD], $0x10, s13, s16, $0xb8;
	[tilespmem:$0x10740] =	vst v63  }
0xd6: {  	_ =	swait.ge [sflag:s21], $0x800  }
0xd7: {  	[sflag:s21] =	ssyncset.done $0x0  }
0xd8: {  	s5 =	simm.s32 $0x4E80;
	[sflag:s21] =	ssyncadd.s32 $0xFFFFF800  }
0xd9: {  	[spmem:s2] =	stream.indirect.scatter.add.f32 [tilespmem:s26], [sflag:$0xE], $0x10, s5, s16, $0xb8;
	[tilespmem:$0x10740] =	vst v63  }
0xda: {  	_ =	swait.ge [sflag:s23], $0x800  }
0xdb: {  	[sflag:s23] =	ssyncset.done $0x0  }
0xdc: {  	s13 =	simm.s32 $0x4F00;
	[sflag:s23] =	ssyncadd.s32 $0xFFFFF800  }
0xdd: {  	[spmem:s2] =	stream.indirect.scatter.add.f32 [tilespmem:s29], [sflag:$0xF], $0x10, s13, s16, $0xb8;
	[tilespmem:$0x10740] =	vst v63  }
0xde: {  	_ =	swait.ge [sflag:s25], $0x800  }
0xdf: {  	[sflag:s25] =	ssyncset.done $0x0  }
0xe0: {  	s5 =	simm.s32 $0x4F80;
	[sflag:s25] =	ssyncadd.s32 $0xFFFFF800  }
0xe1: {  	[spmem:s2] =	stream.indirect.scatter.add.f32 [tilespmem:s31], [sflag:$0x10], $0x10, s5, s16, $0xb8;
	[tilespmem:$0x10740] =	vst v63  }
0xe2: {  	_ =	swait.ge [sflag:s28], $0x800  }
0xe3: {  	[sflag:s28] =	ssyncset.done $0x0  }
0xe4: {  	[sflag:s28] =	ssyncadd.s32 $0xFFFFF800  }
0xe5: {  	_ =	swait.ge [sflag:s30], $0x800  }
0xe6: {  	[sflag:s30] =	ssyncset.done $0x0  }
0xe7: {  	[sflag:s30] =	ssyncadd.s32 $0xFFFFF800  }
0xe8: {  	_ =	swait.ge [sflag:s6], $0x800  }
0xe9: {  	[sflag:s6] =	ssyncset.done $0x0  }
0xea: {  	[sflag:s6] =	ssyncadd.s32 $0xFFFFF800  }
0xeb: {  	_ =	swait.ge [sflag:s7], $0x800  }
0xec: {  	[sflag:s7] =	ssyncset.done $0x0  }
0xed: {  	[sflag:s7] =	ssyncadd.s32 $0xFFFFF800  }
0xee: {  	_ =	swait.ge [sflag:s8], $0x800  }
0xef: {  	[sflag:s8] =	ssyncset.done $0x0  }
0xf0: {  	[sflag:s8] =	ssyncadd.s32 $0xFFFFF800  }
0xf1: {  	_ =	swait.ge [sflag:s9], $0x800  }
0xf2: {  	[sflag:s9] =	ssyncset.done $0x0  }
0xf3: {  	[sflag:s9] =	ssyncadd.s32 $0xFFFFF800  }
0xf4: {  	_ =	swait.ge [sflag:s10], $0x800  }
0xf5: {  	[sflag:s10] =	ssyncset.done $0x0  }
0xf6: {  	[sflag:s10] =	ssyncadd.s32 $0xFFFFF800  }
0xf7: {  	_ =	swait.ge [sflag:s14], $0x800  }
0xf8: {  	[sflag:s14] =	ssyncset.done $0x0  }
0xf9: {  	[sflag:s14] =	ssyncadd.s32 $0xFFFFF800  }
0xfa: {  	[bflag:$0x0] =	sbarrier.arrive $0xFFFF  }
0xfb: {  	s13 =	rddreg [dreg:$0x5]  }
0xfc: {  	s5 =	rddreg [dreg:$0x9]  }
0xfd: {  	s4 =	sshrl.u32 s13, $0x3;
	s13 =	rddreg [dreg:$0xb]  }
0xfe: {  	[hbm:s5], [sflag:s13] =	dma.local [spmem:s4], $0x500  }
0xff: {  	_ =	swait.ge [sflag:s12], $0x500  }
0x100: {  	s5 =	rddreg [dreg:$0x4]  }
0x101: {  	s13 =	rddreg [dreg:$0xa];
	s4 =	sadd.s32 $0x1, s5  }
0x102: {  	p0 =	sne.s32 s4, s13  }
.Ltmp2:
0x103: {  	_ = 	snop;
	(pc) =	sbr.rel @p0 .LBB2_1-.Ltmp2, $3  }
0x104: {  	_ =	sdelay $0x1  }
0x105: {  	[sflag:s12] =	ssyncset.done $0x0  }
0x106: {  	[sflag:s12] =	ssyncadd.s32 $0xFFFFFB00  }
0x107: {  	_ =	sfence.sel $0x180000  }
0x108: {  	[bflag:$0x0] =	sbarrier.arrive $0xFFFF  }
0x109: {  	_ =	strace $0x9000004D  }
0x10a: {  	s0 =	stileid.u32;
	[bflag:$0x2] =	sbarrier.arrive $0xFFFF  }
0x10b: {  	p0 =	sne.s32 s0, $0x0;
	s0 =	rddreg [dreg:$0x3]  }
0x10c: {  	s0 =	sadd.s32 @!p0 $0x100000, s0  }
0x10d: {  	[sflag:s0] =	ssyncadd.tile.s32 @!p0 $0x1;
	_ =	shalt  }
.Lfunc_end2:
_tile_overlayer_lowered:
.L_overlay_start_2:
0x10e: {  	(tag) =	ssettag $0x2  }
0x10f: {  	s0 =	rddreg [dreg:$0x0];
	s2 =	stileid.u32  }
0x110: {  	s1 =	rddreg [dreg:$0x1];
	p0 =	sne.s32 s2, $0x0  }
0x111: {  	s3 =	rddreg [dreg:$0x2];
	[bflag:$0x3] =	sbarrier.arrive $0xFFFF;
	s2 =	simm.s32 @!p0 $0x1C11  }
0x112: {  	[timem:s3], [sflag:s2] =	dma.local @!p0 [hbm:s0], s1  }
0x113: {  	s0 =	simm.s32 @!p0 $0x11  }
0x114: {  	_ =	swait.ge @!p0 [sflag:s0], s1  }
0x115: {  	s1 =	ssub.s32 @!p0 $0x0, s1;
	[sflag:s0] =	ssyncset.done @!p0 $0x0  }
0x116: {  	[sflag:s0] =	ssyncadd.s32 @!p0 s1  }
0x117: {  	[bflag:$0x3] =	sbarrier.arrive $0xFFFF  }
0x118: {  	_ =	shalt  }

// kernel: kernel.9.cloned.1.call-start
scs
__scs_entry_jumppad:
0x0: {  	(pc) =	sbr.rel $0x88, $3  }
0x1: {  	(tag) =	ssettag $0x0;
	lr =	simm.s32 $0x1  }
0x2: {  	[smem:$0x3F9B] =	sst lr;
	_ =	strace $0xD0000000  }
0x3: {  	_ = 	snop  }
0x4: {  	_ = 	snop  }
0x5: {  	_ = 	snop  }
0x6: {  	_ = 	snop  }
0x7: {  	_ = 	snop  }
__scs_overlays_trampoline_lowered:
0x8: {  	[smem:$0x3FAA] =	sst s0  }
0x9: {  	[smem:$0x3FAB] =	sst s1  }
0xa: {  	[smem:$0x3FAC] =	sst s2  }
0xb: {  	[smem:$0x3FAD] =	sst s3  }
0xc: {  	[smem:$0x3FAE] =	sst s4  }
0xd: {  	[smem:$0x3FAF] =	sst s5  }
0xe: {  	[smem:$0x3FB0] =	sst s6  }
0xf: {  	[smem:$0x3FB1] =	sst s7  }
0x10: {  	[smem:$0x3FB2] =	sst s8  }
0x11: {  	[smem:$0x3FB3] =	sst s9;
	s0 =	simm.s32 @!p0 $0x0  }
0x12: {  	s1 =	sld [smem:$0x3F99];
	s0 =	simm.s32 @p0 $0x1  }
0x13: {  	[smem:$0x3FB4] =	sst s0;
	s0 =	simm.s32 @!p1 $0x0  }
0x14: {  	s2 =	sld [smem:$0x3F98];
	s0 =	simm.s32 @p1 $0x1  }
0x15: {  	[smem:$0x3FB5] =	sst s0;
	s0 =	simm.s32 @!p2 $0x0  }
0x16: {  	s3 =	sld [smem:$0x3FDB];
	s0 =	simm.s32 @p2 $0x1  }
0x17: {  	s4 =	simm.s32 $0x1BF5;
	[smem:$0x3FB7] =	sst s0  }
0x18: {  	s0 =	sld [smem:$0x3F9A];
	_ =	swait.ge [sflag:s4], $0x0  }
0x19: {  	s7 =	sld [smem:$0x3F9B]  }
0x1a: {  	s8 =	sadd.s32 $0xFFFFE003, lr  }
0x1b: {  	s9 =	sadd.s32 $0xFFFFFEF7, lr;
	s5 =	simm.s32 $0xFFFFFFFF;
	p2 =	slt.u32 s8, $0xFFFFF086  }
0x1c: {  	p1 =	slt.u32 s9, $0xF7A;
	s5 =	simm.s32 @!p2 $0x0  }
0x1d: {  	s5 =	simm.s32 @p1 $0x1;
	p0 =	seq.s32 s7, s2  }
0x1e: {  	s7 =	smul.u32 @!p0 $0xF7A, s2;
	p2 =	seq.s32 @!p0 s5, $0x0  }
0x1f: {  	s9 =	smul.u32 $0xF7A, s1;
	s8 =	simm.s32 @!p0 $0x1BF5;
	p2 =	por !p2, p0  }
0x20: {  	[sflag:s8] =	ssyncset.s32 @!p0 $0xFFFFF086;
	s6 =	sadd.s32 @!p0 s3, s7;
	s7 =	simm.s32 @!p0 $0x108  }
0x21: {  	s3 =	sadd.s32 s3, s9;
	s6 =	sadd.s32 @!p0 $0x88, s6;
	s7 =	simm.s32 @p2 $0x1082  }
0x22: {  	[simem:s7], [sflag:s8] =	dma.local @!p0 [hbm:s6], $0xF7A  }
0x23: {  	s9 =	sor.u32 $0xD0000000, s2;
	s6 =	simm.s32 $0x108;
	_ =	swait.ge @!p0 [sflag:s8], $0x0  }
0x24: {  	s3 =	sadd.s32 $0x88, s3;
	s6 =	simm.s32 @!p1 $0x1082;
	[sflag:s4] =	ssyncset.s32 $0xFFFFF086  }
0x25: {  	[simem:s6], [sflag:s4] =	dma.local [hbm:s3], $0xF7A  }
0x26: {  	[smem:$0x3F9B] =	sst s1;
	(tag) =	ssettag s2;
	_ =	strace s9  }
0x27: {  	s1 =	sld [smem:$0x3FAB]  }
0x28: {  	s2 =	sld [smem:$0x3FAC]  }
0x29: {  	s4 =	sld [smem:$0x3FAE]  }
0x2a: {  	p0 =	seq.s32 s5, $0x0;
	s5 =	sld [smem:$0x3FAF]  }
0x2b: {  	s6 =	sld [smem:$0x3FB0]  }
0x2c: {  	s7 =	sld [smem:$0x3FB1]  }
0x2d: {  	s3 =	simm.s32 $0x108;
	s8 =	sld [smem:$0x3FB2]  }
0x2e: {  	s3 =	simm.s32 @!p0 $0x1082;
	s9 =	sld [smem:$0x3FB3]  }
0x2f: {  	lr =	sadd.s32 s0, s3;
	s0 =	sld [smem:$0x3FAA]  }
0x30: {  	s3 =	sld [smem:$0x3FAD]  }
0x31: {  	[smem:$0x3FB6] =	sst s10  }
0x32: {  	s10 =	sld [smem:$0x3FB4];
	_ =	sdelay $0x3  }
0x33: {  	p0 =	seq.s32 s10, $0x1;
	s10 =	sld [smem:$0x3FB6];
	_ =	sdelay $0x3  }
0x34: {  	[smem:$0x3FB6] =	sst s10  }
0x35: {  	s10 =	sld [smem:$0x3FB5];
	_ =	sdelay $0x3  }
0x36: {  	p1 =	seq.s32 s10, $0x1;
	s10 =	sld [smem:$0x3FB6];
	_ =	sdelay $0x3  }
0x37: {  	[smem:$0x3FB6] =	sst s10  }
0x38: {  	s10 =	sld [smem:$0x3FB7]  }
0x39: {  	_ = 	snop;
	(pc) =	sbr.ind lr, $3  }
0x3a: {  	_ = 	snop  }
0x3b: {  	_ = 	snop  }
0x3c: {  	p2 =	seq.s32 s10, $0x1;
	s10 =	sld [smem:$0x3FB6]  }
0x3d: {  	_ =	shalt  }
0x3e: {  	_ =	shalt  }
0x3f: {  	_ =	shalt  }
0x40: {  	_ =	shalt  }
0x41: {  	_ =	shalt  }
0x42: {  	_ =	shalt  }
0x43: {  	_ =	shalt  }
0x44: {  	_ =	shalt  }
0x45: {  	_ =	shalt  }
0x46: {  	_ =	shalt  }
0x47: {  	_ =	shalt  }
0x48: {  	_ =	shalt  }
0x49: {  	_ =	shalt  }
0x4a: {  	_ =	shalt  }
0x4b: {  	_ =	shalt  }
0x4c: {  	_ =	shalt  }
0x4d: {  	_ =	shalt  }
0x4e: {  	_ =	shalt  }
0x4f: {  	_ =	shalt  }
0x50: {  	_ =	shalt  }
0x51: {  	_ =	shalt  }
0x52: {  	_ =	shalt  }
0x53: {  	_ =	shalt  }
0x54: {  	_ =	shalt  }
0x55: {  	_ =	shalt  }
0x56: {  	_ =	shalt  }
0x57: {  	_ =	shalt  }
0x58: {  	_ =	shalt  }
0x59: {  	_ =	shalt  }
0x5a: {  	_ =	shalt  }
0x5b: {  	_ =	shalt  }
0x5c: {  	_ =	shalt  }
0x5d: {  	_ =	shalt  }
0x5e: {  	_ =	shalt  }
0x5f: {  	_ =	shalt  }
0x60: {  	_ =	shalt  }
0x61: {  	_ =	shalt  }
0x62: {  	_ =	shalt  }
0x63: {  	_ =	shalt  }
0x64: {  	_ =	shalt  }
0x65: {  	_ =	shalt  }
0x66: {  	_ =	shalt  }
0x67: {  	_ =	shalt  }
0x68: {  	_ =	shalt  }
0x69: {  	_ =	shalt  }
0x6a: {  	_ =	shalt  }
0x6b: {  	_ =	shalt  }
0x6c: {  	_ =	shalt  }
0x6d: {  	_ =	shalt  }
0x6e: {  	_ =	shalt  }
0x6f: {  	_ =	shalt  }
0x70: {  	_ =	shalt  }
0x71: {  	_ =	shalt  }
0x72: {  	_ =	shalt  }
0x73: {  	_ =	shalt  }
0x74: {  	_ =	shalt  }
0x75: {  	_ =	shalt  }
0x76: {  	_ =	shalt  }
0x77: {  	_ =	shalt  }
0x78: {  	_ =	shalt  }
0x79: {  	_ =	shalt  }
0x7a: {  	_ =	shalt  }
0x7b: {  	_ =	shalt  }
0x7c: {  	_ =	shalt  }
0x7d: {  	_ =	shalt  }
0x7e: {  	_ =	shalt  }
0x7f: {  	_ =	shalt  }
0x80: {  	_ =	shalt  }
0x81: {  	_ =	shalt  }
0x82: {  	_ =	shalt  }
0x83: {  	_ =	shalt  }
0x84: {  	_ =	shalt  }
0x85: {  	_ =	shalt  }
0x86: {  	_ =	shalt  }
0x87: {  	_ =	shalt  }
.Lfunc_end0:
.L_simem_size_0:
called_computation_lowered:
.L_overlay_start_0:
0x88: {  	s2 =	sld [smem:$0x3FD9]  }
0x89: {  	s3 =	sld [smem:$0x3FFE];
	_ =	sdelay $0x1  }
0x8a: {  	s1 =	srdreg.scid  }
0x8b: {  	s0 =	sand.u32 $0x1, s1  }
0x8c: {  	s16 =	sshll.u32 s0, $0xA;
	s2 =	sadd.s32 s3, s2  }
0x8d: {  	s2 =	sadd.s32 s2, s16  }
0x8e: {  	[smem:$0x3FC2] =	sst s2  }
0x8f: {  	_ = 	snop  }
0x90: {  	(tm) =	ssettm $0x1  }
0x91: {  	s17 =	sld [smem:$0x3FFB];
	_ =	sdelay $0x3  }
0x92: {  	_ =	strace s17  }
0x93: {  	s2 =	sld [smem:$0x3FFC];
	_ =	sdelay $0x3  }
0x94: {  	_ =	strace s2  }
0x95: {  	s2 =	sld [smem:$0x3FFD];
	_ =	sdelay $0x3  }
0x96: {  	_ =	strace s2  }
0x97: {  	_ =	strace $0x8FFFFFFF  }
0x98: {  	s18 =	sld [smem:$0x3FDB];
	_ =	sdelay $0x1  }
0x99: {  	s19 =	simm.s32 $_scs_section_size  }
0x9a: {  	s4 =	simm.s32 $_size__tile_overlayer_lowered;
	s5 =	simm.s32 $_tile_overlayer_lowered  }
0x9b: {  	s22 =	simm.s32 $0x1BFF;
	s21 =	sshll.u32 s5, $0x1;
	s2 =	sadd.s32 s19, s18  }
0x9c: {  	s6 =	simm.s32 $0x0;
	s20 =	sshll.u32 s4, $0x1;
	s4 =	sadd.s32 s21, s2  }
0x9d: {  	[timem:s6], [sflag:s22] =	dma.local [hbm:s4], s20  }
0x9e: {  	_ =	swait.ge [sflag:s22], s20  }
0x9f: {  	s3 =	ssub.s32 $0x0, s20;
	[sflag:s22] =	ssyncset.done $0x0  }
0xa0: {  	[sflag:s22] =	ssyncadd.s32 s3;
	_ =	sdelay $0x1  }
0xa1: {  	s23 =	simm.s32 $0x1B8B  }
0xa2: {  	_ =	swait.ge [sflag:s23], $0x1  }
0xa3: {  	[sflag:s23] =	ssyncset.done $0x0  }
0xa4: {  	s25 =	simm.s32 $0x1B8E;
	s24 =	sld [smem:$0x3FFE];
	[sflag:s23] =	ssyncadd.s32 $0xFFFFFFFF  }
0xa5: {  	s26 =	simm.s32 $execute0_lowered;
	[smem:$0x3FD2] =	sst s25  }
0xa6: {  	s4 =	sshll.u32 s26, $0x1;
	_ =	strace $0x80000046;
	[dreg:$0x1] =	wrdreg $0xFFFFFFFF  }
0xa7: {  	s28 =	simm.s32 $_size_execute0_lowered;
	s2 =	sadd.s32 s2, s4;
	[dreg:$0x0] =	wrdreg $0x0  }
0xa8: {  	s4 =	sshll.u32 s28, $0x1;
	[dreg:$0x2] =	wrdreg s2  }
0xa9: {  	[dreg:$0x3] =	wrdreg s4  }
0xaa: {  	[dreg:$0x4] =	wrdreg $0xC0  }
0xab: {  	_ =	task [dreg:s6], $0x5FFFF  }
0xac: {  	[dreg:$0x1] =	wrdreg $0xFFFFFFFF  }
0xad: {  	[dreg:$0x0] =	wrdreg $0x60  }
0xae: {  	[dreg:$0x2] =	wrdreg s24  }
0xaf: {  	[dreg:$0x3] =	wrdreg $0x58000  }
0xb0: {  	[dreg:$0x4] =	wrdreg $0x9  }
0xb1: {  	_ =	task.clear_ibuf [dreg:s6], $0x5FFFF;
	_ =	strace $0x90000046  }
0xb2: {  	s29 =	simm.s32 $0x9;
	_ =	strace $0x80000048  }
0xb3: {  	_ =	swait.ge [sflag:s29], $0x1  }
0xb4: {  	[sflag:s29] =	ssyncadd.s32 $0xFFFFFFFF  }
0xb5: {  	_ =	strace $0x90000048  }
0xb6: {  	_ =	sfence  }
0xb7: {  	s30 =	sld [smem:$0x0];
	_ =	sdelay $0x2  }
0xb8: {  	s31 =	sshll.u32 s1, $0xD;
	s1 =	sshrl.u32 s1, $0x2  }
0xb9: {  	s3 =	sand.u32 $0x4000, s31;
	s1 =	sadd.s32 s1, s30  }
0xba: {  	s0 =	sor.u32 s3, s0;
	s1 =	sshll.u32 s1, $0x11  }
0xbb: {  	s0 =	sor.u32 s1, s0  }
0xbc: {  	s0 =	sadd.s32 $0x8F2B, s0  }
0xbd: {  	[sflag:s0] =	ssyncadd.remote.s32 $0x1  }
0xbe: {  	_ =	sfence.sel $0xFFFF  }
0xbf: {  	[dreg:$0x0] =	wrdreg $0xFFFFFFFF;
	(pc) =	sbr.abs _section_cstart, $3  }
0xc0: {  	[dreg:$0x1] =	wrdreg $0xFFFFFFFF  }
0xc1: {  	_ =	task.clear_ibuf [dreg:s6], $0x2FFFF;
	_ =	strace $0x9FFFFFFF  }
0xc2: {  	(tm) =	ssettm $0x7FFFFFFF  }
0xc3: {  	_ =	shalt  }
tec
execute0_lowered:
.L_overlay_start_1:
0x0: {  	(tag) =	ssettag $0x1  }
0x1: {  	s1 =	srdreg.scid;
	s5 =	rddreg [dreg:$0x0]  }
0x2: {  	s0 =	stileid.u32;
	s2 =	rddreg [dreg:$0x1];
	s3 =	simm.s32 $0x0  }
0x3: {  	s10 =	simm.s32 $0x80;
	s11 =	simm.s32 $0x2800;
	s12 =	simm.s32 $0x100  }
0x4: {  	s13 =	simm.s32 $0x180;
	s14 =	simm.s32 $0x200;
	s15 =	simm.s32 $0x280  }
0x5: {  	s16 =	simm.s32 $0x300;
	s17 =	simm.s32 $0x380;
	s18 =	simm.s32 $0x1  }
0x6: {  	s19 =	simm.s32 $0x2;
	s20 =	simm.s32 $0x3;
	s21 =	simm.s32 $0x4  }
0x7: {  	s22 =	simm.s32 $0x5;
	s23 =	simm.s32 $0x6;
	s24 =	simm.s32 $0x7  }
0x8: {  	s25 =	simm.s32 $0x8;
	s4 =	sand.u32 $0x1, s1;
	s6 =	smul.u32 $0x2800, s0  }
0x9: {  	s1 =	rddreg [dreg:$0x2];
	s7 =	smul.u32 $0x28000, s4;
	s8 =	sshll.u32 s4, $0x4  }
0xa: {  	[smem:$0x7FF] =	sst s3;
	s4 =	ssub.s32 $0x2, s4;
	s8 =	sor.u32 s0, s8  }
0xb: {  	s9 =	sshrl.u32 s4, $0x1;
	s7 =	sadd.s32 s6, s7;
	s8 =	smul.u32 $0x2800, s8  }
0xc: {  	_ =	strace $0x80000047;
	s9 =	ssub.s32 s4, s9;
	s7 =	sshrl.u32 s7, $0x3  }
0xd: {  	s4 =	sadd.s32 s6, s2;
	s7 =	sadd.s32 s7, s5;
	s8 =	sshrl.u32 s8, $0x3  }
0xe: {  	s5 =	sadd.s32 s5, s8;
	s6 =	sadd.s32 $0x16E00, s7;
	s7 =	smax.u32 s9, $0x1  }
0xf: {  	v0 =	vimm.f32 $0.0e+00;
	v1 =	vimm.f32 $1.000000000e+00;
	s8 =	simm.s32 $0x3000;
	s9 =	simm.s32 $0x9;
	s5 =	sadd.s32 $0xCE00, s5  }
.LBB2_1:
0x10: {  	s26 =	simm.s32 $0x0  }
.LBB2_2:
0x11: {  	p0 =	sne.s32 s26, $0x9FC0  }
.Ltmp0:
0x12: {  	_ = 	snop;
	(pc) =	sbr.rel @p0 .LBB2_2-.Ltmp0, $3  }
0x13: {  	_ =	sdelay $0x1  }
0x14: {  	s28 =	sshra.s32 s26, $0x2  }
0x15: {  	s26 =	sadd.s32 $0x40, s26;
	[tilespmem:s28+$0x3000] =	vst v0  }
0x16: {  	s26 =	simm.s32 $0x40;
	s28 =	simm.s32 $0x0  }
.LBB2_4:
0x17: {  	p0 =	sne.s32 s26, $0x1FC0;
	[tilespmem:s28+$0x2800] =	vst v1;
	s28 =	smov.u32 s26;
	s26 =	sadd.s32 $0x40, s26  }
.Ltmp1:
0x18: {  	(pc) =	sbr.rel @p0 .LBB2_4-.Ltmp1, $2  }
0x19: {  	_ =	sdelay $0x2  }
0x1a: {  	s28 =	sshra.s32 s28, $0x2  }
0x1b: {  	[tilespmem:s28+$0x2800] =	vst v1  }
0x1c: {  	[spmem:s4] =	stream.linear.scatter [tilespmem:s8], [sflag:$0x9], $0x2800, $0x38;
	[tilespmem:$0x8000] =	vst v63  }
0x1d: {  	_ =	swait.ge [sflag:s9], $0x2800  }
0x1e: {  	[sflag:s9] =	ssyncset.done $0x0  }
0x1f: {  	s26 =	simm.s32 $0x0;
	[sflag:s9] =	ssyncadd.s32 $0xFFFFD800  }
0x20: {  	[tilespmem:s26], [sflag:$0x9] =	stream.linear.gather [hbm4b:s5+s26], $0x2800, $0x38;
	[tilespmem:$0x8000] =	vst v63  }
0x21: {  	_ =	swait.ge [sflag:s9], $0x2800  }
0x22: {  	[sflag:s9] =	ssyncset.done $0x0  }
0x23: {  	[sflag:s9] =	ssyncadd.s32 $0xFFFFD800  }
0x24: {  	[bflag:$0x0] =	sbarrier.arrive $0xFFFF  }
0x25: {  	[spmem:s2] =	stream.indirect.scatter.add.f32 [tilespmem:s11], [sflag:$0x1], $0x10, s26, s10, $0xb8;
	[tilespmem:$0x8000] =	vst v63  }
0x26: {  	_ = 	snop  }
0x27: {  	[spmem:s2] =	stream.indirect.scatter.add.f32 [tilespmem:s11], [sflag:$0x2], $0x10, s10, s10, $0xb8;
	[tilespmem:$0x8000] =	vst v63  }
0x28: {  	_ = 	snop  }
0x29: {  	[spmem:s2] =	stream.indirect.scatter.add.f32 [tilespmem:s11], [sflag:$0x3], $0x10, s12, s10, $0xb8;
	[tilespmem:$0x8000] =	vst v63  }
0x2a: {  	_ = 	snop  }
0x2b: {  	[spmem:s2] =	stream.indirect.scatter.add.f32 [tilespmem:s11], [sflag:$0x4], $0x10, s13, s10, $0xb8;
	[tilespmem:$0x8000] =	vst v63  }
0x2c: {  	_ = 	snop  }
0x2d: {  	[spmem:s2] =	stream.indirect.scatter.add.f32 [tilespmem:s11], [sflag:$0x5], $0x10, s14, s10, $0xb8;
	[tilespmem:$0x8000] =	vst v63  }
0x2e: {  	_ = 	snop  }
0x2f: {  	[spmem:s2] =	stream.indirect.scatter.add.f32 [tilespmem:s11], [sflag:$0x6], $0x10, s15, s10, $0xb8;
	[tilespmem:$0x8000] =	vst v63  }
0x30: {  	_ = 	snop  }
0x31: {  	[spmem:s2] =	stream.indirect.scatter.add.f32 [tilespmem:s11], [sflag:$0x7], $0x10, s16, s10, $0xb8;
	[tilespmem:$0x8000] =	vst v63  }
0x32: {  	_ = 	snop  }
0x33: {  	[spmem:s2] =	stream.indirect.scatter.add.f32 [tilespmem:s11], [sflag:$0x8], $0x10, s17, s10, $0xb8;
	[tilespmem:$0x8000] =	vst v63  }
0x34: {  	_ =	swait.ge [sflag:s18], $0x800  }
0x35: {  	[sflag:s18] =	ssyncset.done $0x0  }
0x36: {  	s31 =	simm.s32 $0x400;
	[sflag:s18] =	ssyncadd.s32 $0xFFFFF800  }
0x37: {  	[spmem:s2] =	stream.indirect.scatter.add.f32 [tilespmem:s11], [sflag:$0x1], $0x10, s31, s10, $0xb8;
	[tilespmem:$0x8000] =	vst v63  }
0x38: {  	_ =	swait.ge [sflag:s19], $0x800  }
0x39: {  	[sflag:s19] =	ssyncset.done $0x0  }
0x3a: {  	s29 =	simm.s32 $0x480;
	[sflag:s19] =	ssyncadd.s32 $0xFFFFF800  }
0x3b: {  	[spmem:s2] =	stream.indirect.scatter.add.f32 [tilespmem:s11], [sflag:$0x2], $0x10, s29, s10, $0xb8;
	[tilespmem:$0x8000] =	vst v63  }
0x3c: {  	_ =	swait.ge [sflag:s20], $0x800  }
0x3d: {  	[sflag:s20] =	ssyncset.done $0x0  }
0x3e: {  	s30 =	simm.s32 $0x500;
	[sflag:s20] =	ssyncadd.s32 $0xFFFFF800  }
0x3f: {  	[spmem:s2] =	stream.indirect.scatter.add.f32 [tilespmem:s11], [sflag:$0x3], $0x10, s30, s10, $0xb8;
	[tilespmem:$0x8000] =	vst v63  }
0x40: {  	_ =	swait.ge [sflag:s21], $0x800  }
0x41: {  	[sflag:s21] =	ssyncset.done $0x0  }
0x42: {  	s31 =	simm.s32 $0x580;
	[sflag:s21] =	ssyncadd.s32 $0xFFFFF800  }
0x43: {  	[spmem:s2] =	stream.indirect.scatter.add.f32 [tilespmem:s11], [sflag:$0x4], $0x10, s31, s10, $0xb8;
	[tilespmem:$0x8000] =	vst v63  }
0x44: {  	_ =	swait.ge [sflag:s22], $0x800  }
0x45: {  	[sflag:s22] =	ssyncset.done $0x0  }
0x46: {  	s29 =	simm.s32 $0x600;
	[sflag:s22] =	ssyncadd.s32 $0xFFFFF800  }
0x47: {  	[spmem:s2] =	stream.indirect.scatter.add.f32 [tilespmem:s11], [sflag:$0x5], $0x10, s29, s10, $0xb8;
	[tilespmem:$0x8000] =	vst v63  }
0x48: {  	_ =	swait.ge [sflag:s23], $0x800  }
0x49: {  	[sflag:s23] =	ssyncset.done $0x0  }
0x4a: {  	s30 =	simm.s32 $0x680;
	[sflag:s23] =	ssyncadd.s32 $0xFFFFF800  }
0x4b: {  	[spmem:s2] =	stream.indirect.scatter.add.f32 [tilespmem:s11], [sflag:$0x6], $0x10, s30, s10, $0xb8;
	[tilespmem:$0x8000] =	vst v63  }
0x4c: {  	_ =	swait.ge [sflag:s24], $0x800  }
0x4d: {  	[sflag:s24] =	ssyncset.done $0x0  }
0x4e: {  	s31 =	simm.s32 $0x700;
	[sflag:s24] =	ssyncadd.s32 $0xFFFFF800  }
0x4f: {  	[spmem:s2] =	stream.indirect.scatter.add.f32 [tilespmem:s11], [sflag:$0x7], $0x10, s31, s10, $0xb8;
	[tilespmem:$0x8000] =	vst v63  }
0x50: {  	_ =	swait.ge [sflag:s25], $0x800  }
0x51: {  	[sflag:s25] =	ssyncset.done $0x0  }
0x52: {  	s28 =	simm.s32 $0x780;
	s26 =	simm.s32 $0x1000;
	[sflag:s25] =	ssyncadd.s32 $0xFFFFF800  }
.LBB2_6:
0x53: {  	[spmem:s2] =	stream.indirect.scatter.add.f32 [tilespmem:s11], [sflag:$0x8], $0x10, s28, s10, $0xb8;
	[tilespmem:$0x8000] =	vst v63  }
0x54: {  	s28 =	smov.u32 s26  }
0x55: {  	p0 =	sne.s32 s26, $0x8000;
	s26 =	sadd.s32 $0x1000, s26;
	_ =	swait.ge [sflag:s18], $0x800  }
0x56: {  	s28 =	sshra.s32 s28, $0x2;
	[sflag:s18] =	ssyncset.done $0x0  }
0x57: {  	s29 =	sadd.s32 $0x400, s28;
	[sflag:s18] =	ssyncadd.s32 $0xFFFFF800  }
0x58: {  	[spmem:s2] =	stream.indirect.scatter.add.f32 [tilespmem:s11], [sflag:$0x1], $0x10, s29, s10, $0xb8;
	[tilespmem:$0x8000] =	vst v63  }
0x59: {  	_ =	swait.ge [sflag:s19], $0x800  }
0x5a: {  	[sflag:s19] =	ssyncset.done $0x0  }
0x5b: {  	s29 =	sadd.s32 $0x480, s28;
	[sflag:s19] =	ssyncadd.s32 $0xFFFFF800  }
0x5c: {  	[spmem:s2] =	stream.indirect.scatter.add.f32 [tilespmem:s11], [sflag:$0x2], $0x10, s29, s10, $0xb8;
	[tilespmem:$0x8000] =	vst v63  }
0x5d: {  	_ =	swait.ge [sflag:s20], $0x800  }
0x5e: {  	[sflag:s20] =	ssyncset.done $0x0  }
0x5f: {  	s29 =	sadd.s32 $0x500, s28;
	[sflag:s20] =	ssyncadd.s32 $0xFFFFF800  }
0x60: {  	[spmem:s2] =	stream.indirect.scatter.add.f32 [tilespmem:s11], [sflag:$0x3], $0x10, s29, s10, $0xb8;
	[tilespmem:$0x8000] =	vst v63  }
0x61: {  	_ =	swait.ge [sflag:s21], $0x800  }
0x62: {  	[sflag:s21] =	ssyncset.done $0x0  }
0x63: {  	s29 =	sadd.s32 $0x580, s28;
	[sflag:s21] =	ssyncadd.s32 $0xFFFFF800  }
0x64: {  	[spmem:s2] =	stream.indirect.scatter.add.f32 [tilespmem:s11], [sflag:$0x4], $0x10, s29, s10, $0xb8;
	[tilespmem:$0x8000] =	vst v63  }
0x65: {  	_ =	swait.ge [sflag:s22], $0x800  }
0x66: {  	[sflag:s22] =	ssyncset.done $0x0  }
0x67: {  	s29 =	sadd.s32 $0x600, s28;
	[sflag:s22] =	ssyncadd.s32 $0xFFFFF800  }
0x68: {  	[spmem:s2] =	stream.indirect.scatter.add.f32 [tilespmem:s11], [sflag:$0x5], $0x10, s29, s10, $0xb8;
	[tilespmem:$0x8000] =	vst v63  }
0x69: {  	_ =	swait.ge [sflag:s23], $0x800  }
0x6a: {  	[sflag:s23] =	ssyncset.done $0x0  }
0x6b: {  	s29 =	sadd.s32 $0x680, s28;
	[sflag:s23] =	ssyncadd.s32 $0xFFFFF800  }
0x6c: {  	[spmem:s2] =	stream.indirect.scatter.add.f32 [tilespmem:s11], [sflag:$0x6], $0x10, s29, s10, $0xb8;
	[tilespmem:$0x8000] =	vst v63  }
0x6d: {  	_ =	swait.ge [sflag:s24], $0x800  }
0x6e: {  	[sflag:s24] =	ssyncset.done $0x0  }
.Ltmp2:
0x6f: {  	s29 =	sadd.s32 $0x700, s28;
	[sflag:s24] =	ssyncadd.s32 $0xFFFFF800;
	(pc) =	sbr.rel @p0 .LBB2_6-.Ltmp2, $4  }
0x70: {  	[spmem:s2] =	stream.indirect.scatter.add.f32 [tilespmem:s11], [sflag:$0x7], $0x10, s29, s10, $0xb8;
	[tilespmem:$0x8000] =	vst v63  }
0x71: {  	_ =	swait.ge [sflag:s25], $0x800  }
0x72: {  	[sflag:s25] =	ssyncset.done $0x0  }
0x73: {  	s28 =	sadd.s32 $0x780, s28;
	[sflag:s25] =	ssyncadd.s32 $0xFFFFF800  }
0x74: {  	[spmem:s2] =	stream.indirect.scatter.add.f32 [tilespmem:s11], [sflag:$0x8], $0x10, s28, s10, $0xb8;
	[tilespmem:$0x8000] =	vst v63  }
0x75: {  	_ =	swait.ge [sflag:s18], $0x800  }
0x76: {  	[sflag:s18] =	ssyncset.done $0x0  }
0x77: {  	[sflag:s18] =	ssyncadd.s32 $0xFFFFF800  }
0x78: {  	_ =	swait.ge [sflag:s19], $0x800  }
0x79: {  	[sflag:s19] =	ssyncset.done $0x0  }
0x7a: {  	[sflag:s19] =	ssyncadd.s32 $0xFFFFF800  }
0x7b: {  	_ =	swait.ge [sflag:s20], $0x800  }
0x7c: {  	[sflag:s20] =	ssyncset.done $0x0  }
0x7d: {  	[sflag:s20] =	ssyncadd.s32 $0xFFFFF800  }
0x7e: {  	_ =	swait.ge [sflag:s21], $0x800  }
0x7f: {  	[sflag:s21] =	ssyncset.done $0x0  }
0x80: {  	[sflag:s21] =	ssyncadd.s32 $0xFFFFF800  }
0x81: {  	_ =	swait.ge [sflag:s22], $0x800  }
0x82: {  	[sflag:s22] =	ssyncset.done $0x0  }
0x83: {  	[sflag:s22] =	ssyncadd.s32 $0xFFFFF800  }
0x84: {  	_ =	swait.ge [sflag:s23], $0x800  }
0x85: {  	[sflag:s23] =	ssyncset.done $0x0  }
0x86: {  	[sflag:s23] =	ssyncadd.s32 $0xFFFFF800  }
0x87: {  	_ =	swait.ge [sflag:s24], $0x800  }
0x88: {  	[sflag:s24] =	ssyncset.done $0x0  }
0x89: {  	[sflag:s24] =	ssyncadd.s32 $0xFFFFF800  }
0x8a: {  	_ =	swait.ge [sflag:s25], $0x800  }
0x8b: {  	s26 =	sshll.u32 s0, $0x6;
	s3 =	sadd.s32 $0x1, s3;
	[sflag:s25] =	ssyncset.done $0x0  }
0x8c: {  	s31 =	sshrl.u32 s4, $0x3;
	p0 =	sne.s32 s3, s7;
	[sflag:s25] =	ssyncadd.s32 $0xFFFFF800  }
.Ltmp3:
0x8d: {  	s26 =	sor.u32 $0x1C09, s26;
	[bflag:$0x0] =	sbarrier.arrive $0xFFFF;
	(pc) =	sbr.rel @p0 .LBB2_1-.Ltmp3, $4  }
0x8e: {  	[hbm:s6], [sflag:s26] =	dma.local [spmem:s31], $0x500  }
0x8f: {  	_ =	swait.ge [sflag:s9], $0x500  }
0x90: {  	[sflag:s9] =	ssyncset.done $0x0  }
0x91: {  	[sflag:s9] =	ssyncadd.s32 $0xFFFFFB00  }
0x92: {  	_ =	sfence.sel $0x180000  }
0x93: {  	[bflag:$0x0] =	sbarrier.arrive $0xFFFF  }
0x94: {  	p0 =	sne.s32 s0, $0x0;
	_ =	strace $0x90000047  }
0x95: {  	s0 =	sadd.s32 @!p0 $0x100000, s1;
	[bflag:$0x2] =	sbarrier.arrive $0xFFFF  }
0x96: {  	[sflag:s0] =	ssyncadd.tile.s32 @!p0 $0x1;
	_ =	shalt  }
.Lfunc_end2:
_tile_overlayer_lowered:
.L_overlay_start_2:
0x97: {  	(tag) =	ssettag $0x2  }
0x98: {  	s0 =	rddreg [dreg:$0x0];
	s2 =	stileid.u32  }
0x99: {  	s1 =	rddreg [dreg:$0x1];
	p0 =	sne.s32 s2, $0x0  }
0x9a: {  	s3 =	rddreg [dreg:$0x2];
	[bflag:$0x3] =	sbarrier.arrive $0xFFFF;
	s2 =	simm.s32 @!p0 $0x1C09  }
0x9b: {  	[timem:s3], [sflag:s2] =	dma.local @!p0 [hbm:s0], s1  }
0x9c: {  	s0 =	simm.s32 @!p0 $0x9  }
0x9d: {  	_ =	swait.ge @!p0 [sflag:s0], s1  }
0x9e: {  	s1 =	ssub.s32 @!p0 $0x0, s1;
	[sflag:s0] =	ssyncset.done @!p0 $0x0  }
0x9f: {  	[sflag:s0] =	ssyncadd.s32 @!p0 s1  }
0xa0: {  	[bflag:$0x3] =	sbarrier.arrive $0xFFFF  }
0xa1: {  	_ =	shalt  }

</sc_bundles>
